<compile_context>
chip_gen: v7x
topology: tpu7x:2x2x1
jax: 0.10.2.dev20260603
libtpu: 0.0.44.dev20260713+nightly
codegen_flags: <defaults>
</compile_context>

<pallas_src>
import functools

import jax
import jax.numpy as jnp
from jax import lax
from jax.experimental import pallas as pl
from jax.experimental.pallas import tpu as pltpu
from jax.experimental.pallas import tpu_sc as plsc

_K = 2
_LANES = 16
_NW = 32


def _sc_mesh():
    return plsc.VectorSubcoreMesh(core_axis_name="c", subcore_axis_name="s",
                                  num_cores=2, num_subcores=16)


def _stage_a(x, W_enc, b_enc, W_gate, gamma, BT, E, CAP):
    B, D = x.shape

    def body(x_ref, we_ref, wg_ref, be_ref, g_ref,
             encb_ref, y0_ref, s1_ref, s2_ref, w1_ref, w2_ref, off_ref,
             lt_ref):
        i = pl.program_id(0)

        @pl.when(i == 0)
        def _():
            off_ref[...] = jnp.zeros_like(off_ref)
            r_i = lax.broadcasted_iota(jnp.int32, (BT, BT), 0)
            c_i = lax.broadcasted_iota(jnp.int32, (BT, BT), 1)
            lt_ref[...] = (r_i > c_i).astype(jnp.float32)

        xb = x_ref[...]
        enc = lax.dot_general(xb, we_ref[...], (((1,), (1,)), ((), ())),
                              preferred_element_type=jnp.float32)
        enc = enc + be_ref[...]
        enc16 = enc.astype(jnp.bfloat16).reshape(BT, 2, D // 2)
        encb_ref[...] = pltpu.bitcast(enc16, jnp.int32).reshape(BT, D // 2)
        logits = lax.dot_general(enc, wg_ref[...], (((1,), (1,)), ((), ())),
                                 preferred_element_type=jnp.float32)
        col = lax.broadcasted_iota(jnp.int32, (BT, E), 1)
        m1 = jnp.max(logits, axis=1, keepdims=True)
        i1 = jnp.min(jnp.where(logits == m1, col, E), axis=1, keepdims=True)
        neg = jnp.where(col == i1, -jnp.inf, logits)
        m2 = jnp.max(neg, axis=1, keepdims=True)
        i2 = jnp.min(jnp.where(neg == m2, col, E), axis=1, keepdims=True)
        e2 = jnp.exp(m2 - m1)
        denom = 1.0 + e2 + 1e-12
        y0_ref[...] = enc * ((1.0 + e2) / denom)
        oh1 = (col == i1).astype(jnp.float32)
        oh2 = (col == i2).astype(jnp.float32)
        oh = oh1 + oh2
        off = off_ref[...]
        S = lax.dot_general(lt_ref[...], oh, (((1,), (0,)), ((), ())),
                            preferred_element_type=jnp.float32) + off
        off_ref[...] = off + jnp.sum(oh, axis=0, keepdims=True)
        pos1 = jnp.sum(oh1 * S, axis=1, keepdims=True).astype(jnp.int32)
        pos2 = jnp.sum(oh2 * S, axis=1, keepdims=True).astype(jnp.int32)
        dump = jnp.int32(E * CAP)
        s1_ref[...] = jnp.where(pos1 < CAP, i1 * CAP + pos1, dump)
        s2_ref[...] = jnp.where(pos2 < CAP, i2 * CAP + pos2, dump)
        g1 = jnp.sum(oh1 * g_ref[...], axis=1, keepdims=True)
        g2 = jnp.sum(oh2 * g_ref[...], axis=1, keepdims=True)
        w1_ref[...] = g1 / denom
        w2_ref[...] = (e2 / denom) * g2

    grid = (B // BT,)
    return pl.pallas_call(
        body,
        grid=grid,
        in_specs=[
            pl.BlockSpec((BT, D), lambda i: (i, 0)),
            pl.BlockSpec((D, D), lambda i: (0, 0)),
            pl.BlockSpec((E, D), lambda i: (0, 0)),
            pl.BlockSpec((1, D), lambda i: (0, 0)),
            pl.BlockSpec((1, E), lambda i: (0, 0)),
        ],
        out_specs=[
            pl.BlockSpec((BT, D // 2), lambda i: (i, 0)),
            pl.BlockSpec((BT, D), lambda i: (i, 0)),
            pl.BlockSpec((BT, 1), lambda i: (i, 0)),
            pl.BlockSpec((BT, 1), lambda i: (i, 0)),
            pl.BlockSpec((BT, 1), lambda i: (i, 0)),
            pl.BlockSpec((BT, 1), lambda i: (i, 0)),
        ],
        out_shape=[
            jax.ShapeDtypeStruct((B, D // 2), jnp.int32),
            jax.ShapeDtypeStruct((B, D), jnp.float32),
            jax.ShapeDtypeStruct((B, 1), jnp.int32),
            jax.ShapeDtypeStruct((B, 1), jnp.int32),
            jax.ShapeDtypeStruct((B, 1), jnp.float32),
            jax.ShapeDtypeStruct((B, 1), jnp.float32),
        ],
        scratch_shapes=[pltpu.VMEM((1, E), jnp.float32),
                        pltpu.VMEM((BT, BT), jnp.float32)],
    )(x, W_enc, W_gate, b_enc.reshape(1, D), gamma.reshape(1, E))


def _dispatch(sidx0, sidx1, wg0, wg1, enc, B, D, E, CAP):
    TPW = B // _NW
    TCH = 128
    NCH = TPW // TCH
    DP = D // 2

    @functools.partial(
        pl.kernel,
        out_type=(jax.ShapeDtypeStruct(((E + 4) * CAP, DP), jnp.int32),
                  jax.ShapeDtypeStruct(((E + 4) * CAP,), jnp.float32)),
        mesh=_sc_mesh(),
        scratch_types=(
            [pltpu.VMEM((TCH,), jnp.int32)] * 4
            + [pltpu.VMEM((TCH,), jnp.float32)] * 4
            + [pltpu.VMEM((TCH, DP), jnp.int32)] * 2
            + [pltpu.SemaphoreType.DMA] * 4
        ),
    )
    def k(s0_hbm, s1_hbm, w0_hbm, w1_hbm, enc_hbm, buf_hbm, wsl_hbm,
          i0a, i1a, i0b, i1b, w0a, w1a, w0b, w1b, rowsa, rowsb,
          g0, g1, s0, s1):
        wid = lax.axis_index("s") * 2 + lax.axis_index("c")
        bufs = ((i0a, i1a, w0a, w1a, rowsa, g0, s0),
                (i0b, i1b, w0b, w1b, rowsb, g1, s1))

        def start(c, bs):
            i0_v, i1_v, w0_v, w1_v, rows_v, g_sem, _ = bs
            t0 = wid * TPW + c * TCH
            pltpu.async_copy(s0_hbm.at[pl.ds(t0, TCH)], i0_v, g_sem)
            pltpu.async_copy(s1_hbm.at[pl.ds(t0, TCH)], i1_v, g_sem)
            pltpu.async_copy(w0_hbm.at[pl.ds(t0, TCH)], w0_v, g_sem)
            pltpu.async_copy(w1_hbm.at[pl.ds(t0, TCH)], w1_v, g_sem)
            pltpu.async_copy(enc_hbm.at[pl.ds(t0, TCH)], rows_v, g_sem)

        start(0, bufs[0])
        start(1, bufs[1])
        for c in range(NCH):
            i0_v, i1_v, w0_v, w1_v, rows_v, g_sem, s_sem = bufs[c]
            pltpu.make_async_copy(s0_hbm.at[pl.ds(0, TCH)], i0_v, g_sem).wait()
            pltpu.make_async_copy(s1_hbm.at[pl.ds(0, TCH)], i1_v, g_sem).wait()
            pltpu.make_async_copy(w0_hbm.at[pl.ds(0, TCH)], w0_v, g_sem).wait()
            pltpu.make_async_copy(w1_hbm.at[pl.ds(0, TCH)], w1_v, g_sem).wait()
            pltpu.make_async_copy(enc_hbm.at[pl.ds(0, TCH)], rows_v,
                                  g_sem).wait()
            pltpu.async_copy(rows_v, buf_hbm.at[i0_v], s_sem)
            pltpu.async_copy(rows_v, buf_hbm.at[i1_v], s_sem)
            pltpu.async_copy(w0_v, wsl_hbm.at[i0_v], s_sem)
            pltpu.async_copy(w1_v, wsl_hbm.at[i1_v], s_sem)
        for c in range(NCH):
            i0_v, i1_v, w0_v, w1_v, rows_v, g_sem, s_sem = bufs[c]
            pltpu.make_async_copy(rows_v, buf_hbm.at[pl.ds(0, TCH)],
                                  s_sem).wait()
            pltpu.make_async_copy(rows_v, buf_hbm.at[pl.ds(0, TCH)],
                                  s_sem).wait()
            pltpu.make_async_copy(w0_v, wsl_hbm.at[pl.ds(0, TCH)],
                                  s_sem).wait()
            pltpu.make_async_copy(w1_v, wsl_hbm.at[pl.ds(0, TCH)],
                                  s_sem).wait()

    return k(sidx0, sidx1, wg0, wg1, enc)


def _experts(buf, U, V, wslot, E, CAP, D, R):
    EG = 4
    NG = E // EG

    def body(buf_ref, u_ref, v_ref, w_ref, out_ref):
        e = pl.program_id(0)
        xb = pltpu.bitcast(buf_ref[...].reshape(EG * CAP, 1, D // 2),
                           jnp.bfloat16).reshape(EG * CAP, D)
        outs = []
        for g in range(EG):
            xg = xb[g * CAP:(g + 1) * CAP]
            z = jnp.dot(xg, u_ref[g], preferred_element_type=jnp.float32)
            h = z * (1.0 / (1.0 + jnp.exp(-z)))
            outs.append(jnp.dot(h.astype(jnp.bfloat16), v_ref[g],
                                preferred_element_type=jnp.float32))
        dlt = jnp.concatenate(outs, axis=0) * w_ref[0]
        out_ref[...] = jnp.where(e == NG, 0.0, dlt)

    return pl.pallas_call(
        body,
        grid=(NG + 1,),
        in_specs=[
            pl.BlockSpec((EG * CAP, D // 2), lambda e: (e, 0)),
            pl.BlockSpec((EG, D, R), lambda e: (jnp.minimum(e, NG - 1), 0, 0)),
            pl.BlockSpec((EG, R, D), lambda e: (jnp.minimum(e, NG - 1), 0, 0)),
            pl.BlockSpec((1, EG * CAP, 1), lambda e: (e, 0, 0)),
        ],
        out_specs=pl.BlockSpec((EG * CAP, D), lambda e: (e, 0)),
        out_shape=jax.ShapeDtypeStruct(((E + EG) * CAP, D), jnp.float32),
    )(buf, U.astype(jnp.bfloat16), V.astype(jnp.bfloat16),
      wslot.reshape(E // EG + 1, EG * CAP, 1))


def _combine(sidx0, sidx1, y0, dscaled, B, D):
    TCH = 16
    TPW = B // _NW
    NCH = TPW // TCH
    NV = D // _LANES

    @functools.partial(
        pl.kernel,
        out_type=jax.ShapeDtypeStruct((B, D), jnp.float32),
        mesh=_sc_mesh(),
        scratch_types=[
            pltpu.VMEM((TCH,), jnp.int32),
            pltpu.VMEM((TCH,), jnp.int32),
            pltpu.VMEM((TCH,), jnp.int32),
            pltpu.VMEM((TCH,), jnp.int32),
            pltpu.VMEM((TCH, D), jnp.float32),
            pltpu.VMEM((TCH, D), jnp.float32),
            pltpu.VMEM((TCH, D), jnp.float32),
            pltpu.VMEM((TCH, D), jnp.float32),
            pltpu.VMEM((TCH, D), jnp.float32),
            pltpu.VMEM((TCH, D), jnp.float32),
            pltpu.VMEM((TCH, D), jnp.float32),
            pltpu.VMEM((TCH, D), jnp.float32),
            pltpu.SemaphoreType.DMA,
            pltpu.SemaphoreType.DMA,
            pltpu.SemaphoreType.DMA,
            pltpu.SemaphoreType.DMA,
        ],
    )
    def k(s0_hbm, s1_hbm, y0_hbm, dsc_hbm, y_hbm,
          i0a, i1a, i0b, i1b, d0a, d1a, y0a, yoa, d0b, d1b, y0b, yob,
          ga, gb, wa, wb):
        wid = lax.axis_index("s") * 2 + lax.axis_index("c")
        t0 = wid * TPW
        bufs = ((i0a, i1a, d0a, d1a, y0a, yoa, ga, wa),
                (i0b, i1b, d0b, d1b, y0b, yob, gb, wb))

        def start(c, bs):
            i0_v, i1_v, d0_v, d1_v, y0_v, _, g_sem, _ = bs
            tb = t0 + c * TCH
            pltpu.sync_copy(s0_hbm.at[pl.ds(tb, TCH)], i0_v)
            pltpu.sync_copy(s1_hbm.at[pl.ds(tb, TCH)], i1_v)
            pltpu.async_copy(dsc_hbm.at[i0_v], d0_v, g_sem)
            pltpu.async_copy(dsc_hbm.at[i1_v], d1_v, g_sem)
            pltpu.async_copy(y0_hbm.at[pl.ds(tb, TCH)], y0_v, g_sem)

        for b in range(2):
            start(b, bufs[b])

        def phase(j, c, bs):
            _, _, d0_v, d1_v, y0_v, yo_v, g_sem, w_sem = bs
            tb = t0 + c * TCH
            pltpu.make_async_copy(dsc_hbm.at[pl.ds(0, TCH)], d0_v, g_sem).wait()
            pltpu.make_async_copy(dsc_hbm.at[pl.ds(0, TCH)], d1_v, g_sem).wait()
            pltpu.make_async_copy(y0_hbm.at[pl.ds(0, TCH)], y0_v, g_sem).wait()

            @pl.when(j > 0)
            def _():
                pltpu.make_async_copy(yo_v, y_hbm.at[pl.ds(0, TCH)],
                                      w_sem).wait()

            def vloop(q, _):
                t = q // NV
                o = (q % NV) * _LANES
                yo_v[t, pl.ds(o, _LANES)] = (y0_v[t, pl.ds(o, _LANES)]
                                             + d0_v[t, pl.ds(o, _LANES)]
                                             + d1_v[t, pl.ds(o, _LANES)])
                return 0

            lax.fori_loop(0, TCH * NV, vloop, 0)
            pltpu.async_copy(yo_v, y_hbm.at[pl.ds(tb, TCH)], w_sem)

            @pl.when(c + 2 < NCH)
            def _():
                start(c + 2, bs)

        def body(j, _):
            phase(j, 2 * j, bufs[0])
            phase(j, 2 * j + 1, bufs[1])
            return 0

        lax.fori_loop(0, NCH // 2, body, 0)
        for b in range(2):
            _, _, _, _, _, yo_v, _, w_sem = bufs[b]
            pltpu.make_async_copy(yo_v, y_hbm.at[pl.ds(0, TCH)], w_sem).wait()

    return k(sidx0, sidx1, y0, dscaled)


def kernel(x, W_enc, b_enc, W_gate, U, V, gamma):
    B, D = x.shape
    E = W_gate.shape[0]
    R = U.shape[2]
    CAP = int(1.25 * B * _K / E)
    BT = 512

    enc_bf, y0, s1, s2, w1, w2 = _stage_a(x, W_enc, b_enc, W_gate, gamma,
                                          BT, E, CAP)
    sidx0 = s1.reshape(B)
    sidx1 = s2.reshape(B)
    wg0 = w1.reshape(B)
    wg1 = w2.reshape(B)
    buf, wslot = _dispatch(sidx0, sidx1, wg0, wg1, enc_bf, B, D, E, CAP)
    dscaled = _experts(buf, U, V, wslot, E, CAP, D, R)
    y = _combine(sidx0, sidx1, y0, dscaled, B, D)
    return y

# --- scband reference (transcript-rebuilt; emitter-appended) ---
"""Pipeline reference for scband-flash-mo-emodel-35338990912076 (READ-ONLY COPY).

The authoritative reference and input builder live on the scoring server;
editing this copy changes nothing except your own understanding.
"""

import jax, jax.numpy as jnp
import numpy as np

B = 8192
D = 768
E = 64
K = 2
C = 4
R = 48
TAU = 1.0
CAP = int(1.25 * B * K / E)


def setup_inputs(seed: int = 0) -> dict:
    key = jax.random.key(seed)
    ks = jax.random.split(key, 8)
    x = jax.random.normal(ks[0], (B, D), dtype=jnp.float32)
    W_enc = jax.random.normal(ks[1], (D, D), dtype=jnp.float32) * (1.0 / np.sqrt(D))
    b_enc = jnp.zeros((D,), dtype=jnp.float32)
    W_gate = jax.random.normal(ks[2], (E, D), dtype=jnp.float32) * (1.0 / np.sqrt(D))
    U = jax.random.normal(ks[3], (E, D, R), dtype=jnp.float32) * (1.0 / np.sqrt(D))
    V = jax.random.normal(ks[4], (E, R, D), dtype=jnp.float32) * (1.0 / np.sqrt(R))
    gamma = jnp.ones((E,), dtype=jnp.float32)
    return {"x": x, "W_enc": W_enc, "b_enc": b_enc, "W_gate": W_gate, "U": U, "V": V, "gamma": gamma}


def reference(x, W_enc, b_enc, W_gate, U, V, gamma):
    # shared encoder (nn.Linear: x @ W.T + b)
    encoded = x @ W_enc.T + b_enc
    # gating network (Linear, no bias)
    logits = encoded @ W_gate.T
    scaled = logits / TAU
    # full stable softmax probs (exposed for balancing losses in the torch module)
    m = jnp.max(scaled, axis=-1, keepdims=True)
    e = jnp.exp(scaled - m)
    probs = e / (jnp.sum(e, axis=-1, keepdims=True) + 1e-12)
    # Top-C candidates then Top-K routing
    topc_vals, topc_idx = jax.lax.top_k(scaled, C)
    topk_vals, topk_pos = jax.lax.top_k(topc_vals, K)
    topk_idx = jnp.take_along_axis(topc_idx, topk_pos, axis=1)
    # masked stable softmax over selected logits
    mk = jnp.max(topk_vals, axis=-1, keepdims=True)
    ek = jnp.exp(topk_vals - mk)
    topk_w = ek / (jnp.sum(ek, axis=-1, keepdims=True) + 1e-12)
    # vectorized dispatch: sort -> group -> batch expert compute -> scatter
    flat_e = topk_idx.reshape(-1)            # [B*K]
    flat_w = topk_w.reshape(-1)              # [B*K]
    order = jnp.argsort(flat_e)              # stable sort by expert id
    sorted_e = flat_e[order]
    tok = order // K                         # source token of each sorted slot
    counts = jnp.bincount(flat_e, length=E)
    starts = jnp.cumsum(counts) - counts
    pos = jnp.arange(B * K) - starts[sorted_e]   # position within expert group
    enc_sorted = encoded[tok]
    # scatter tokens into per-expert capacity buffers (overflow slots dropped)
    buf = jnp.zeros((E, CAP, D), dtype=jnp.float32).at[sorted_e, pos].set(enc_sorted, mode='drop')
    # batched low-rank residual experts: E(x) = x + gamma * V(silu(U x))
    h = jax.nn.silu(jnp.einsum('ecd,edr->ecr', buf, U))
    delta = jnp.einsum('ecr,erd->ecd', h, V)
    expert_out = buf + gamma[:, None, None] * delta
    # gather expert outputs back to slots; overflowed slots fall back to identity (residual pass-through)
    keep = pos < CAP
    safe_pos = jnp.minimum(pos, CAP - 1)
    slot_val = expert_out[sorted_e, safe_pos]
    slot_out = jnp.where(keep[:, None], slot_val, enc_sorted)
    w_sorted = flat_w[order]
    y = jnp.zeros((B, D), dtype=jnp.float32).at[tok].add(w_sorted[:, None] * slot_out)
    return y

if __name__ == "__main__":
    import jax
    _d = setup_inputs()
    print(jax.jit(kernel)(*tuple(_d.values())))

</pallas_src>

<mosaic_0001>
#map = affine_map<(d0, d1) -> (0)>
#map1 = affine_map<(d0, d1) -> (0, 0)>
module attributes {stable_mosaic.version = 14 : i64} {
  func.func @k(%arg0: i32, %arg1: i32, %arg2: memref<8192xi32, #tpu.memory_space<hbm>>, %arg3: memref<8192xi32, #tpu.memory_space<hbm>>, %arg4: memref<8192x768xf32, #tpu.memory_space<hbm>>, %arg5: memref<21760x768xf32, #tpu.memory_space<hbm>>, %arg6: memref<8192x768xf32, #tpu.memory_space<hbm>>, %arg7: memref<16xi32, #tpu.memory_space<vmem>>, %arg8: memref<16xi32, #tpu.memory_space<vmem>>, %arg9: memref<16xi32, #tpu.memory_space<vmem>>, %arg10: memref<16xi32, #tpu.memory_space<vmem>>, %arg11: memref<16x768xf32, #tpu.memory_space<vmem>>, %arg12: memref<16x768xf32, #tpu.memory_space<vmem>>, %arg13: memref<16x768xf32, #tpu.memory_space<vmem>>, %arg14: memref<16x768xf32, #tpu.memory_space<vmem>>, %arg15: memref<16x768xf32, #tpu.memory_space<vmem>>, %arg16: memref<16x768xf32, #tpu.memory_space<vmem>>, %arg17: memref<16x768xf32, #tpu.memory_space<vmem>>, %arg18: memref<16x768xf32, #tpu.memory_space<vmem>>, %arg19: memref<!tpu.dma_semaphore, #tpu.memory_space<semaphore_mem>>, %arg20: memref<!tpu.dma_semaphore, #tpu.memory_space<semaphore_mem>>, %arg21: memref<!tpu.dma_semaphore, #tpu.memory_space<semaphore_mem>>, %arg22: memref<!tpu.dma_semaphore, #tpu.memory_space<semaphore_mem>>) attributes {dimension_semantics = [#tpu.dimension_semantics<core_parallel>, #tpu.dimension_semantics<subcore_parallel>], iteration_bounds = array<i64: 2, 16>, scalar_prefetch = 0 : i64, scratch_operands = 16 : i64, tpu.core_type = #tpu.core_type<sc_vector_subcore>, window_params = [{transform_indices = #map}, {transform_indices = #map}, {transform_indices = #map1}, {transform_indices = #map1}, {transform_indices = #map1}]} {
    %mul3A = arith.constant 2 : i32
    %mul3A_0 = arith.muli %arg1, %mul3A : i32
    %add3A = arith.addi %mul3A_0, %arg0 : i32
    %mul3A_1 = arith.constant 256 : i32
    %mul3A_2 = arith.muli %add3A, %mul3A_1 : i32
    %add3A_3 = arith.constant 0 : i32
    %add3A_4 = arith.addi %mul3A_2, %add3A_3 : i32
    "tpu.region"() ({
      %run_scoped3A = tpu.sem_alloc : memref<!tpu.dma_semaphore, #tpu.memory_space<semaphore_mem>>
      %dma_start3A_43 = tpu.memref_slice %arg2[%add3A_4] : memref<8192xi32, #tpu.memory_space<hbm>> -> memref<16xi32, #tpu.memory_space<hbm>>
      %dma_start3A_44 = tpu.memref_slice %arg2[%add3A_4] : memref<8192xi32, #tpu.memory_space<hbm>> -> memref<16xi32, #tpu.memory_space<hbm>>
      tpu.enqueue_dma source(%dma_start3A_44 : memref<16xi32, #tpu.memory_space<hbm>>) target(%arg7 : memref<16xi32, #tpu.memory_space<vmem>>) target_semaphore(%run_scoped3A : memref<!tpu.dma_semaphore, #tpu.memory_space<semaphore_mem>>)
      %dma_wait3A_45 = tpu.memref_slice %arg2[%add3A_4] : memref<8192xi32, #tpu.memory_space<hbm>> -> memref<16xi32, #tpu.memory_space<hbm>>
      %dma_wait3A_46 = tpu.memref_slice %arg2[%add3A_4] : memref<8192xi32, #tpu.memory_space<hbm>> -> memref<16xi32, #tpu.memory_space<hbm>>
      tpu.wait_dma2 semaphore(%run_scoped3A : memref<!tpu.dma_semaphore, #tpu.memory_space<semaphore_mem>>) src(%dma_wait3A_46 : memref<16xi32, #tpu.memory_space<hbm>>) dst(%arg7 : memref<16xi32, #tpu.memory_space<vmem>>)
      tpu.yield
    }) : () -> ()
    "tpu.region"() ({
      %run_scoped3A = tpu.sem_alloc : memref<!tpu.dma_semaphore, #tpu.memory_space<semaphore_mem>>
      %dma_start3A_43 = tpu.memref_slice %arg3[%add3A_4] : memref<8192xi32, #tpu.memory_space<hbm>> -> memref<16xi32, #tpu.memory_space<hbm>>
      %dma_start3A_44 = tpu.memref_slice %arg3[%add3A_4] : memref<8192xi32, #tpu.memory_space<hbm>> -> memref<16xi32, #tpu.memory_space<hbm>>
      tpu.enqueue_dma source(%dma_start3A_44 : memref<16xi32, #tpu.memory_space<hbm>>) target(%arg8 : memref<16xi32, #tpu.memory_space<vmem>>) target_semaphore(%run_scoped3A : memref<!tpu.dma_semaphore, #tpu.memory_space<semaphore_mem>>)
      %dma_wait3A_45 = tpu.memref_slice %arg3[%add3A_4] : memref<8192xi32, #tpu.memory_space<hbm>> -> memref<16xi32, #tpu.memory_space<hbm>>
      %dma_wait3A_46 = tpu.memref_slice %arg3[%add3A_4] : memref<8192xi32, #tpu.memory_space<hbm>> -> memref<16xi32, #tpu.memory_space<hbm>>
      tpu.wait_dma2 semaphore(%run_scoped3A : memref<!tpu.dma_semaphore, #tpu.memory_space<semaphore_mem>>) src(%dma_wait3A_46 : memref<16xi32, #tpu.memory_space<hbm>>) dst(%arg8 : memref<16xi32, #tpu.memory_space<vmem>>)
      tpu.yield
    }) : () -> ()
    %dma_start3A = arith.constant 0 : i32
    %dma_start3A_5 = arith.constant 0 : i32
    %dma_start3A_6 = tpu.memref_slice %arg5[%dma_start3A, %dma_start3A_5] : memref<21760x768xf32, #tpu.memory_space<hbm>> -> memref<21760x768xf32, #tpu.memory_space<hbm>>
    tpu.enqueue_indirect_dma source(%dma_start3A_6 : memref<21760x768xf32, #tpu.memory_space<hbm>>) target(%arg11 : memref<16x768xf32, #tpu.memory_space<vmem>>) offsets(%arg7 : memref<16xi32, #tpu.memory_space<vmem>>) semaphore(%arg19 : memref<!tpu.dma_semaphore, #tpu.memory_space<semaphore_mem>>)
    %dma_start3A_7 = arith.constant 0 : i32
    %dma_start3A_8 = arith.constant 0 : i32
    %dma_start3A_9 = tpu.memref_slice %arg5[%dma_start3A_7, %dma_start3A_8] : memref<21760x768xf32, #tpu.memory_space<hbm>> -> memref<21760x768xf32, #tpu.memory_space<hbm>>
    tpu.enqueue_indirect_dma source(%dma_start3A_9 : memref<21760x768xf32, #tpu.memory_space<hbm>>) target(%arg12 : memref<16x768xf32, #tpu.memory_space<vmem>>) offsets(%arg8 : memref<16xi32, #tpu.memory_space<vmem>>) semaphore(%arg19 : memref<!tpu.dma_semaphore, #tpu.memory_space<semaphore_mem>>)
    %dma_start3A_10 = arith.constant 0 : i32
    %dma_start3A_11 = tpu.memref_slice %arg4[%add3A_4, %dma_start3A_10] : memref<8192x768xf32, #tpu.memory_space<hbm>> -> memref<16x768xf32, #tpu.memory_space<hbm>>
    %dma_start3A_12 = arith.constant 0 : i32
    %dma_start3A_13 = tpu.memref_slice %arg4[%add3A_4, %dma_start3A_12] : memref<8192x768xf32, #tpu.memory_space<hbm>> -> memref<16x768xf32, #tpu.memory_space<hbm>>
    tpu.enqueue_dma source(%dma_start3A_13 : memref<16x768xf32, #tpu.memory_space<hbm>>) target(%arg13 : memref<16x768xf32, #tpu.memory_space<vmem>>) target_semaphore(%arg19 : memref<!tpu.dma_semaphore, #tpu.memory_space<semaphore_mem>>)
    %add3A_14 = arith.constant 16 : i32
    %add3A_15 = arith.addi %mul3A_2, %add3A_14 : i32
    "tpu.region"() ({
      %run_scoped3A = tpu.sem_alloc : memref<!tpu.dma_semaphore, #tpu.memory_space<semaphore_mem>>
      %dma_start3A_43 = tpu.memref_slice %arg2[%add3A_15] : memref<8192xi32, #tpu.memory_space<hbm>> -> memref<16xi32, #tpu.memory_space<hbm>>
      %dma_start3A_44 = tpu.memref_slice %arg2[%add3A_15] : memref<8192xi32, #tpu.memory_space<hbm>> -> memref<16xi32, #tpu.memory_space<hbm>>
      tpu.enqueue_dma source(%dma_start3A_44 : memref<16xi32, #tpu.memory_space<hbm>>) target(%arg9 : memref<16xi32, #tpu.memory_space<vmem>>) target_semaphore(%run_scoped3A : memref<!tpu.dma_semaphore, #tpu.memory_space<semaphore_mem>>)
      %dma_wait3A_45 = tpu.memref_slice %arg2[%add3A_15] : memref<8192xi32, #tpu.memory_space<hbm>> -> memref<16xi32, #tpu.memory_space<hbm>>
      %dma_wait3A_46 = tpu.memref_slice %arg2[%add3A_15] : memref<8192xi32, #tpu.memory_space<hbm>> -> memref<16xi32, #tpu.memory_space<hbm>>
      tpu.wait_dma2 semaphore(%run_scoped3A : memref<!tpu.dma_semaphore, #tpu.memory_space<semaphore_mem>>) src(%dma_wait3A_46 : memref<16xi32, #tpu.memory_space<hbm>>) dst(%arg9 : memref<16xi32, #tpu.memory_space<vmem>>)
      tpu.yield
    }) : () -> ()
    "tpu.region"() ({
      %run_scoped3A = tpu.sem_alloc : memref<!tpu.dma_semaphore, #tpu.memory_space<semaphore_mem>>
      %dma_start3A_43 = tpu.memref_slice %arg3[%add3A_15] : memref<8192xi32, #tpu.memory_space<hbm>> -> memref<16xi32, #tpu.memory_space<hbm>>
      %dma_start3A_44 = tpu.memref_slice %arg3[%add3A_15] : memref<8192xi32, #tpu.memory_space<hbm>> -> memref<16xi32, #tpu.memory_space<hbm>>
      tpu.enqueue_dma source(%dma_start3A_44 : memref<16xi32, #tpu.memory_space<hbm>>) target(%arg10 : memref<16xi32, #tpu.memory_space<vmem>>) target_semaphore(%run_scoped3A : memref<!tpu.dma_semaphore, #tpu.memory_space<semaphore_mem>>)
      %dma_wait3A_45 = tpu.memref_slice %arg3[%add3A_15] : memref<8192xi32, #tpu.memory_space<hbm>> -> memref<16xi32, #tpu.memory_space<hbm>>
      %dma_wait3A_46 = tpu.memref_slice %arg3[%add3A_15] : memref<8192xi32, #tpu.memory_space<hbm>> -> memref<16xi32, #tpu.memory_space<hbm>>
      tpu.wait_dma2 semaphore(%run_scoped3A : memref<!tpu.dma_semaphore, #tpu.memory_space<semaphore_mem>>) src(%dma_wait3A_46 : memref<16xi32, #tpu.memory_space<hbm>>) dst(%arg10 : memref<16xi32, #tpu.memory_space<vmem>>)
      tpu.yield
    }) : () -> ()
    %dma_start3A_16 = arith.constant 0 : i32
    %dma_start3A_17 = arith.constant 0 : i32
    %dma_start3A_18 = tpu.memref_slice %arg5[%dma_start3A_16, %dma_start3A_17] : memref<21760x768xf32, #tpu.memory_space<hbm>> -> memref<21760x768xf32, #tpu.memory_space<hbm>>
    tpu.enqueue_indirect_dma source(%dma_start3A_18 : memref<21760x768xf32, #tpu.memory_space<hbm>>) target(%arg15 : memref<16x768xf32, #tpu.memory_space<vmem>>) offsets(%arg9 : memref<16xi32, #tpu.memory_space<vmem>>) semaphore(%arg20 : memref<!tpu.dma_semaphore, #tpu.memory_space<semaphore_mem>>)
    %dma_start3A_19 = arith.constant 0 : i32
    %dma_start3A_20 = arith.constant 0 : i32
    %dma_start3A_21 = tpu.memref_slice %arg5[%dma_start3A_19, %dma_start3A_20] : memref<21760x768xf32, #tpu.memory_space<hbm>> -> memref<21760x768xf32, #tpu.memory_space<hbm>>
    tpu.enqueue_indirect_dma source(%dma_start3A_21 : memref<21760x768xf32, #tpu.memory_space<hbm>>) target(%arg16 : memref<16x768xf32, #tpu.memory_space<vmem>>) offsets(%arg10 : memref<16xi32, #tpu.memory_space<vmem>>) semaphore(%arg20 : memref<!tpu.dma_semaphore, #tpu.memory_space<semaphore_mem>>)
    %dma_start3A_22 = arith.constant 0 : i32
    %dma_start3A_23 = tpu.memref_slice %arg4[%add3A_15, %dma_start3A_22] : memref<8192x768xf32, #tpu.memory_space<hbm>> -> memref<16x768xf32, #tpu.memory_space<hbm>>
    %dma_start3A_24 = arith.constant 0 : i32
    %dma_start3A_25 = tpu.memref_slice %arg4[%add3A_15, %dma_start3A_24] : memref<8192x768xf32, #tpu.memory_space<hbm>> -> memref<16x768xf32, #tpu.memory_space<hbm>>
    tpu.enqueue_dma source(%dma_start3A_25 : memref<16x768xf32, #tpu.memory_space<hbm>>) target(%arg17 : memref<16x768xf32, #tpu.memory_space<vmem>>) target_semaphore(%arg20 : memref<!tpu.dma_semaphore, #tpu.memory_space<semaphore_mem>>)
    %scan3A = arith.constant 0 : i32
    %scan3A_26 = arith.constant 0 : i32
    %scan3A_27 = arith.constant 8 : i32
    %scan3A_28 = arith.addi %scan3A_26, %scan3A_27 : i32
    %scan3A_29 = arith.constant 1 : i32
    %scan3A_30 = scf.for %scan3A_43 = %scan3A_26 to %scan3A_28 step %scan3A_29 iter_args(%scan3A_44 = %scan3A) -> (i32)  : i32 {
      %mul3A_45 = arith.constant 2 : i32
      %mul3A_46 = arith.muli %mul3A_45, %scan3A_43 : i32
      %mul3A_47 = arith.constant 16 : i32
      %mul3A_48 = arith.muli %mul3A_46, %mul3A_47 : i32
      %add3A_49 = arith.addi %mul3A_2, %mul3A_48 : i32
      %dma_wait3A_50 = arith.constant 0 : i32
      %dma_wait3A_51 = arith.constant 0 : i32
      %dma_wait3A_52 = tpu.memref_slice %arg5[%dma_wait3A_50, %dma_wait3A_51] : memref<21760x768xf32, #tpu.memory_space<hbm>> -> memref<16x768xf32, #tpu.memory_space<hbm>>
      %dma_wait3A_53 = arith.constant 0 : i32
      %dma_wait3A_54 = arith.constant 0 : i32
      %dma_wait3A_55 = tpu.memref_slice %arg5[%dma_wait3A_53, %dma_wait3A_54] : memref<21760x768xf32, #tpu.memory_space<hbm>> -> memref<16x768xf32, #tpu.memory_space<hbm>>
      tpu.wait_dma2 semaphore(%arg19 : memref<!tpu.dma_semaphore, #tpu.memory_space<semaphore_mem>>) src(%dma_wait3A_55 : memref<16x768xf32, #tpu.memory_space<hbm>>) dst(%arg11 : memref<16x768xf32, #tpu.memory_space<vmem>>)
      %dma_wait3A_56 = arith.constant 0 : i32
      %dma_wait3A_57 = arith.constant 0 : i32
      %dma_wait3A_58 = tpu.memref_slice %arg5[%dma_wait3A_56, %dma_wait3A_57] : memref<21760x768xf32, #tpu.memory_space<hbm>> -> memref<16x768xf32, #tpu.memory_space<hbm>>
      %dma_wait3A_59 = arith.constant 0 : i32
      %dma_wait3A_60 = arith.constant 0 : i32
      %dma_wait3A_61 = tpu.memref_slice %arg5[%dma_wait3A_59, %dma_wait3A_60] : memref<21760x768xf32, #tpu.memory_space<hbm>> -> memref<16x768xf32, #tpu.memory_space<hbm>>
      tpu.wait_dma2 semaphore(%arg19 : memref<!tpu.dma_semaphore, #tpu.memory_space<semaphore_mem>>) src(%dma_wait3A_61 : memref<16x768xf32, #tpu.memory_space<hbm>>) dst(%arg12 : memref<16x768xf32, #tpu.memory_space<vmem>>)
      %dma_wait3A_62 = arith.constant 0 : i32
      %dma_wait3A_63 = arith.constant 0 : i32
      %dma_wait3A_64 = tpu.memref_slice %arg4[%dma_wait3A_62, %dma_wait3A_63] : memref<8192x768xf32, #tpu.memory_space<hbm>> -> memref<16x768xf32, #tpu.memory_space<hbm>>
      %dma_wait3A_65 = arith.constant 0 : i32
      %dma_wait3A_66 = arith.constant 0 : i32
      %dma_wait3A_67 = tpu.memref_slice %arg4[%dma_wait3A_65, %dma_wait3A_66] : memref<8192x768xf32, #tpu.memory_space<hbm>> -> memref<16x768xf32, #tpu.memory_space<hbm>>
      tpu.wait_dma2 semaphore(%arg19 : memref<!tpu.dma_semaphore, #tpu.memory_space<semaphore_mem>>) src(%dma_wait3A_67 : memref<16x768xf32, #tpu.memory_space<hbm>>) dst(%arg13 : memref<16x768xf32, #tpu.memory_space<vmem>>)
      %gt3A = arith.constant 0 : i32
      %gt3A_68 = arith.cmpi sgt, %scan3A_43, %gt3A : i32
      %convert_element_type3A = arith.extui %gt3A_68 : i1 to i32
      %cond3A = arith.constant 0 : i32
      %cond3A_69 = arith.cmpi ne, %convert_element_type3A, %cond3A : i32
      scf.if %cond3A_69 {
        %dma_wait3A_136 = arith.constant 0 : i32
        %dma_wait3A_137 = arith.constant 0 : i32
        %dma_wait3A_138 = tpu.memref_slice %arg6[%dma_wait3A_136, %dma_wait3A_137] : memref<8192x768xf32, #tpu.memory_space<hbm>> -> memref<16x768xf32, #tpu.memory_space<hbm>>
        %dma_wait3A_139 = arith.constant 0 : i32
        %dma_wait3A_140 = arith.constant 0 : i32
        %dma_wait3A_141 = tpu.memref_slice %arg6[%dma_wait3A_139, %dma_wait3A_140] : memref<8192x768xf32, #tpu.memory_space<hbm>> -> memref<16x768xf32, #tpu.memory_space<hbm>>
        tpu.wait_dma2 semaphore(%arg21 : memref<!tpu.dma_semaphore, #tpu.memory_space<semaphore_mem>>) src(%arg14 : memref<16x768xf32, #tpu.memory_space<vmem>>) dst(%dma_wait3A_141 : memref<16x768xf32, #tpu.memory_space<hbm>>)
      } else {
      }
      %scan3A_70 = arith.constant 0 : i32
      %scan3A_71 = arith.constant 0 : i32
      %scan3A_72 = arith.constant 768 : i32
      %scan3A_73 = arith.addi %scan3A_71, %scan3A_72 : i32
      %scan3A_74 = arith.constant 1 : i32
      %scan3A_75 = scf.for %scan3A_136 = %scan3A_71 to %scan3A_73 step %scan3A_74 iter_args(%scan3A_137 = %scan3A_70) -> (i32)  : i32 {
        %jit3A = arith.constant 48 : i32
        %div3A = arith.divsi %scan3A_136, %jit3A : i32
        %sign3A = arith.constant 0 : i32
        %sign3A_138 = arith.cmpi sgt, %scan3A_136, %sign3A : i32
        %sign3A_139 = arith.extui %sign3A_138 : i1 to i32
        %sign3A_140 = arith.constant 0 : i32
        %sign3A_141 = arith.cmpi slt, %scan3A_136, %sign3A_140 : i32
        %sign3A_142 = arith.extui %sign3A_141 : i1 to i32
        %sign3A_143 = arith.subi %sign3A_139, %sign3A_142 : i32
        %sign3A_144 = arith.constant 0 : i32
        %sign3A_145 = arith.cmpi sgt, %jit3A, %sign3A_144 : i32
        %sign3A_146 = arith.extui %sign3A_145 : i1 to i32
        %sign3A_147 = arith.constant 0 : i32
        %sign3A_148 = arith.cmpi slt, %jit3A, %sign3A_147 : i32
        %sign3A_149 = arith.extui %sign3A_148 : i1 to i32
        %sign3A_150 = arith.subi %sign3A_146, %sign3A_149 : i32
        %ne3A = arith.cmpi ne, %sign3A_143, %sign3A_150 : i32
        %rem3A = arith.remsi %scan3A_136, %jit3A : i32
        %ne3A_151 = arith.constant 0 : i32
        %ne3A_152 = arith.cmpi ne, %rem3A, %ne3A_151 : i32
        %and3A = arith.andi %ne3A, %ne3A_152 : i1
        %sub3A = arith.constant 1 : i32
        %sub3A_153 = arith.subi %div3A, %sub3A : i32
        %select_n3A = arith.select %and3A, %sub3A_153, %div3A : i32
        %jit3A_154 = arith.constant 48 : i32
        %eq3A = arith.constant 0 : i32
        %eq3A_155 = arith.cmpi eq, %jit3A_154, %eq3A : i32
        %jit3A_156 = arith.constant 1 : i32
        %select_n3A_157 = arith.select %eq3A_155, %jit3A_156, %jit3A_154 : i32
        %rem3A_158 = arith.remsi %scan3A_136, %select_n3A_157 : i32
        %ne3A_159 = arith.constant 0 : i32
        %ne3A_160 = arith.cmpi ne, %rem3A_158, %ne3A_159 : i32
        %lt3A_161 = arith.constant 0 : i32
        %lt3A_162 = arith.cmpi slt, %rem3A_158, %lt3A_161 : i32
        %lt3A_163 = arith.constant 0 : i32
        %lt3A_164 = arith.cmpi slt, %select_n3A_157, %lt3A_163 : i32
        %ne3A_165 = arith.xori %lt3A_162, %lt3A_164 : i1
        %and3A_166 = arith.andi %ne3A_165, %ne3A_160 : i1
        %add3A_167 = arith.addi %rem3A_158, %select_n3A_157 : i32
        %select_n3A_168 = arith.select %and3A_166, %add3A_167, %rem3A_158 : i32
        %mul3A_169 = arith.constant 16 : i32
        %mul3A_170 = arith.muli %select_n3A_168, %mul3A_169 : i32
        %get3A = arith.index_cast %select_n3A : i32 to index
        %get3A_171 = arith.index_cast %mul3A_170 : i32 to index
        %get3A_172 = tpu.vector_load %arg13[%get3A, %get3A_171] {strides = array<i32>} : memref<16x768xf32, #tpu.memory_space<vmem>>, vector<1x16xf32>,
        %get3A_173 = vector.shape_cast %get3A_172 : vector<1x16xf32> to vector<16xf32>
        %get3A_174 = arith.index_cast %select_n3A : i32 to index
        %get3A_175 = arith.index_cast %mul3A_170 : i32 to index
        %get3A_176 = tpu.vector_load %arg11[%get3A_174, %get3A_175] {strides = array<i32>} : memref<16x768xf32, #tpu.memory_space<vmem>>, vector<1x16xf32>,
        %get3A_177 = vector.shape_cast %get3A_176 : vector<1x16xf32> to vector<16xf32>
        %add3A_178 = arith.addf %get3A_173, %get3A_177 : vector<16xf32>
        %get3A_179 = arith.index_cast %select_n3A : i32 to index
        %get3A_180 = arith.index_cast %mul3A_170 : i32 to index
        %get3A_181 = tpu.vector_load %arg12[%get3A_179, %get3A_180] {strides = array<i32>} : memref<16x768xf32, #tpu.memory_space<vmem>>, vector<1x16xf32>,
        %get3A_182 = vector.shape_cast %get3A_181 : vector<1x16xf32> to vector<16xf32>
        %add3A_183 = arith.addf %add3A_178, %get3A_182 : vector<16xf32>
        %swap3A = arith.index_cast %select_n3A : i32 to index
        %swap3A_184 = arith.index_cast %mul3A_170 : i32 to index
        %swap3A_185 = tpu.vector_load %arg14[%swap3A, %swap3A_184] {strides = array<i32>} : memref<16x768xf32, #tpu.memory_space<vmem>>, vector<1x16xf32>,
        %swap3A_186 = vector.shape_cast %swap3A_185 : vector<1x16xf32> to vector<16xf32>
        %swap3A_187 = vector.shape_cast %add3A_183 : vector<16xf32> to vector<1x16xf32>
        tpu.vector_store %arg14[%swap3A, %swap3A_184], %swap3A_187 {strides = array<i32>} : memref<16x768xf32, #tpu.memory_space<vmem>>, vector<1x16xf32>,
        %scan3A_188 = arith.constant 0 : i32
        scf.yield %scan3A_188 : i32
      }
      %scan3A_76 = arith.constant 768 : i32
      %dma_start3A_77 = arith.constant 0 : i32
      %dma_start3A_78 = tpu.memref_slice %arg6[%add3A_49, %dma_start3A_77] : memref<8192x768xf32, #tpu.memory_space<hbm>> -> memref<16x768xf32, #tpu.memory_space<hbm>>
      %dma_start3A_79 = arith.constant 0 : i32
      %dma_start3A_80 = tpu.memref_slice %arg6[%add3A_49, %dma_start3A_79] : memref<8192x768xf32, #tpu.memory_space<hbm>> -> memref<16x768xf32, #tpu.memory_space<hbm>>
      tpu.enqueue_dma source(%arg14 : memref<16x768xf32, #tpu.memory_space<vmem>>) target(%dma_start3A_80 : memref<16x768xf32, #tpu.memory_space<hbm>>) target_semaphore(%arg21 : memref<!tpu.dma_semaphore, #tpu.memory_space<semaphore_mem>>)
      %add3A_81 = arith.constant 2 : i32
      %add3A_82 = arith.addi %mul3A_46, %add3A_81 : i32
      %lt3A = arith.constant 16 : i32
      %lt3A_83 = arith.cmpi slt, %add3A_82, %lt3A : i32
      %convert_element_type3A_84 = arith.extui %lt3A_83 : i1 to i32
      %cond3A_85 = arith.constant 0 : i32
      %cond3A_86 = arith.cmpi ne, %convert_element_type3A_84, %cond3A_85 : i32
      scf.if %cond3A_86 {
        %add3A_136 = arith.constant 2 : i32
        %add3A_137 = arith.addi %mul3A_46, %add3A_136 : i32
        %mul3A_138 = arith.constant 16 : i32
        %mul3A_139 = arith.muli %add3A_137, %mul3A_138 : i32
        %add3A_140 = arith.addi %mul3A_2, %mul3A_139 : i32
        "tpu.region"() ({
          %run_scoped3A = tpu.sem_alloc : memref<!tpu.dma_semaphore, #tpu.memory_space<semaphore_mem>>
          %dma_start3A_151 = tpu.memref_slice %arg2[%add3A_140] : memref<8192xi32, #tpu.memory_space<hbm>> -> memref<16xi32, #tpu.memory_space<hbm>>
          %dma_start3A_152 = tpu.memref_slice %arg2[%add3A_140] : memref<8192xi32, #tpu.memory_space<hbm>> -> memref<16xi32, #tpu.memory_space<hbm>>
          tpu.enqueue_dma source(%dma_start3A_152 : memref<16xi32, #tpu.memory_space<hbm>>) target(%arg7 : memref<16xi32, #tpu.memory_space<vmem>>) target_semaphore(%run_scoped3A : memref<!tpu.dma_semaphore, #tpu.memory_space<semaphore_mem>>)
          %dma_wait3A_153 = tpu.memref_slice %arg2[%add3A_140] : memref<8192xi32, #tpu.memory_space<hbm>> -> memref<16xi32, #tpu.memory_space<hbm>>
          %dma_wait3A_154 = tpu.memref_slice %arg2[%add3A_140] : memref<8192xi32, #tpu.memory_space<hbm>> -> memref<16xi32, #tpu.memory_space<hbm>>
          tpu.wait_dma2 semaphore(%run_scoped3A : memref<!tpu.dma_semaphore, #tpu.memory_space<semaphore_mem>>) src(%dma_wait3A_154 : memref<16xi32, #tpu.memory_space<hbm>>) dst(%arg7 : memref<16xi32, #tpu.memory_space<vmem>>)
          tpu.yield
        }) : () -> ()
        "tpu.region"() ({
          %run_scoped3A = tpu.sem_alloc : memref<!tpu.dma_semaphore, #tpu.memory_space<semaphore_mem>>
          %dma_start3A_151 = tpu.memref_slice %arg3[%add3A_140] : memref<8192xi32, #tpu.memory_space<hbm>> -> memref<16xi32, #tpu.memory_space<hbm>>
          %dma_start3A_152 = tpu.memref_slice %arg3[%add3A_140] : memref<8192xi32, #tpu.memory_space<hbm>> -> memref<16xi32, #tpu.memory_space<hbm>>
          tpu.enqueue_dma source(%dma_start3A_152 : memref<16xi32, #tpu.memory_space<hbm>>) target(%arg8 : memref<16xi32, #tpu.memory_space<vmem>>) target_semaphore(%run_scoped3A : memref<!tpu.dma_semaphore, #tpu.memory_space<semaphore_mem>>)
          %dma_wait3A_153 = tpu.memref_slice %arg3[%add3A_140] : memref<8192xi32, #tpu.memory_space<hbm>> -> memref<16xi32, #tpu.memory_space<hbm>>
          %dma_wait3A_154 = tpu.memref_slice %arg3[%add3A_140] : memref<8192xi32, #tpu.memory_space<hbm>> -> memref<16xi32, #tpu.memory_space<hbm>>
          tpu.wait_dma2 semaphore(%run_scoped3A : memref<!tpu.dma_semaphore, #tpu.memory_space<semaphore_mem>>) src(%dma_wait3A_154 : memref<16xi32, #tpu.memory_space<hbm>>) dst(%arg8 : memref<16xi32, #tpu.memory_space<vmem>>)
          tpu.yield
        }) : () -> ()
        %dma_start3A_141 = arith.constant 0 : i32
        %dma_start3A_142 = arith.constant 0 : i32
        %dma_start3A_143 = tpu.memref_slice %arg5[%dma_start3A_141, %dma_start3A_142] : memref<21760x768xf32, #tpu.memory_space<hbm>> -> memref<21760x768xf32, #tpu.memory_space<hbm>>
        tpu.enqueue_indirect_dma source(%dma_start3A_143 : memref<21760x768xf32, #tpu.memory_space<hbm>>) target(%arg11 : memref<16x768xf32, #tpu.memory_space<vmem>>) offsets(%arg7 : memref<16xi32, #tpu.memory_space<vmem>>) semaphore(%arg19 : memref<!tpu.dma_semaphore, #tpu.memory_space<semaphore_mem>>)
        %dma_start3A_144 = arith.constant 0 : i32
        %dma_start3A_145 = arith.constant 0 : i32
        %dma_start3A_146 = tpu.memref_slice %arg5[%dma_start3A_144, %dma_start3A_145] : memref<21760x768xf32, #tpu.memory_space<hbm>> -> memref<21760x768xf32, #tpu.memory_space<hbm>>
        tpu.enqueue_indirect_dma source(%dma_start3A_146 : memref<21760x768xf32, #tpu.memory_space<hbm>>) target(%arg12 : memref<16x768xf32, #tpu.memory_space<vmem>>) offsets(%arg8 : memref<16xi32, #tpu.memory_space<vmem>>) semaphore(%arg19 : memref<!tpu.dma_semaphore, #tpu.memory_space<semaphore_mem>>)
        %dma_start3A_147 = arith.constant 0 : i32
        %dma_start3A_148 = tpu.memref_slice %arg4[%add3A_140, %dma_start3A_147] : memref<8192x768xf32, #tpu.memory_space<hbm>> -> memref<16x768xf32, #tpu.memory_space<hbm>>
        %dma_start3A_149 = arith.constant 0 : i32
        %dma_start3A_150 = tpu.memref_slice %arg4[%add3A_140, %dma_start3A_149] : memref<8192x768xf32, #tpu.memory_space<hbm>> -> memref<16x768xf32, #tpu.memory_space<hbm>>
        tpu.enqueue_dma source(%dma_start3A_150 : memref<16x768xf32, #tpu.memory_space<hbm>>) target(%arg13 : memref<16x768xf32, #tpu.memory_space<vmem>>) target_semaphore(%arg19 : memref<!tpu.dma_semaphore, #tpu.memory_space<semaphore_mem>>)
      } else {
      }
      %mul3A_87 = arith.constant 2 : i32
      %mul3A_88 = arith.muli %mul3A_87, %scan3A_43 : i32
      %add3A_89 = arith.constant 1 : i32
      %add3A_90 = arith.addi %mul3A_88, %add3A_89 : i32
      %mul3A_91 = arith.constant 16 : i32
      %mul3A_92 = arith.muli %add3A_90, %mul3A_91 : i32
      %add3A_93 = arith.addi %mul3A_2, %mul3A_92 : i32
      %dma_wait3A_94 = arith.constant 0 : i32
      %dma_wait3A_95 = arith.constant 0 : i32
      %dma_wait3A_96 = tpu.memref_slice %arg5[%dma_wait3A_94, %dma_wait3A_95] : memref<21760x768xf32, #tpu.memory_space<hbm>> -> memref<16x768xf32, #tpu.memory_space<hbm>>
      %dma_wait3A_97 = arith.constant 0 : i32
      %dma_wait3A_98 = arith.constant 0 : i32
      %dma_wait3A_99 = tpu.memref_slice %arg5[%dma_wait3A_97, %dma_wait3A_98] : memref<21760x768xf32, #tpu.memory_space<hbm>> -> memref<16x768xf32, #tpu.memory_space<hbm>>
      tpu.wait_dma2 semaphore(%arg20 : memref<!tpu.dma_semaphore, #tpu.memory_space<semaphore_mem>>) src(%dma_wait3A_99 : memref<16x768xf32, #tpu.memory_space<hbm>>) dst(%arg15 : memref<16x768xf32, #tpu.memory_space<vmem>>)
      %dma_wait3A_100 = arith.constant 0 : i32
      %dma_wait3A_101 = arith.constant 0 : i32
      %dma_wait3A_102 = tpu.memref_slice %arg5[%dma_wait3A_100, %dma_wait3A_101] : memref<21760x768xf32, #tpu.memory_space<hbm>> -> memref<16x768xf32, #tpu.memory_space<hbm>>
      %dma_wait3A_103 = arith.constant 0 : i32
      %dma_wait3A_104 = arith.constant 0 : i32
      %dma_wait3A_105 = tpu.memref_slice %arg5[%dma_wait3A_103, %dma_wait3A_104] : memref<21760x768xf32, #tpu.memory_space<hbm>> -> memref<16x768xf32, #tpu.memory_space<hbm>>
      tpu.wait_dma2 semaphore(%arg20 : memref<!tpu.dma_semaphore, #tpu.memory_space<semaphore_mem>>) src(%dma_wait3A_105 : memref<16x768xf32, #tpu.memory_space<hbm>>) dst(%arg16 : memref<16x768xf32, #tpu.memory_space<vmem>>)
      %dma_wait3A_106 = arith.constant 0 : i32
      %dma_wait3A_107 = arith.constant 0 : i32
      %dma_wait3A_108 = tpu.memref_slice %arg4[%dma_wait3A_106, %dma_wait3A_107] : memref<8192x768xf32, #tpu.memory_space<hbm>> -> memref<16x768xf32, #tpu.memory_space<hbm>>
      %dma_wait3A_109 = arith.constant 0 : i32
      %dma_wait3A_110 = arith.constant 0 : i32
      %dma_wait3A_111 = tpu.memref_slice %arg4[%dma_wait3A_109, %dma_wait3A_110] : memref<8192x768xf32, #tpu.memory_space<hbm>> -> memref<16x768xf32, #tpu.memory_space<hbm>>
      tpu.wait_dma2 semaphore(%arg20 : memref<!tpu.dma_semaphore, #tpu.memory_space<semaphore_mem>>) src(%dma_wait3A_111 : memref<16x768xf32, #tpu.memory_space<hbm>>) dst(%arg17 : memref<16x768xf32, #tpu.memory_space<vmem>>)
      %gt3A_112 = arith.constant 0 : i32
      %gt3A_113 = arith.cmpi sgt, %scan3A_43, %gt3A_112 : i32
      %convert_element_type3A_114 = arith.extui %gt3A_113 : i1 to i32
      %cond3A_115 = arith.constant 0 : i32
      %cond3A_116 = arith.cmpi ne, %convert_element_type3A_114, %cond3A_115 : i32
      scf.if %cond3A_116 {
        %dma_wait3A_136 = arith.constant 0 : i32
        %dma_wait3A_137 = arith.constant 0 : i32
        %dma_wait3A_138 = tpu.memref_slice %arg6[%dma_wait3A_136, %dma_wait3A_137] : memref<8192x768xf32, #tpu.memory_space<hbm>> -> memref<16x768xf32, #tpu.memory_space<hbm>>
        %dma_wait3A_139 = arith.constant 0 : i32
        %dma_wait3A_140 = arith.constant 0 : i32
        %dma_wait3A_141 = tpu.memref_slice %arg6[%dma_wait3A_139, %dma_wait3A_140] : memref<8192x768xf32, #tpu.memory_space<hbm>> -> memref<16x768xf32, #tpu.memory_space<hbm>>
        tpu.wait_dma2 semaphore(%arg22 : memref<!tpu.dma_semaphore, #tpu.memory_space<semaphore_mem>>) src(%arg18 : memref<16x768xf32, #tpu.memory_space<vmem>>) dst(%dma_wait3A_141 : memref<16x768xf32, #tpu.memory_space<hbm>>)
      } else {
      }
      %scan3A_117 = arith.constant 0 : i32
      %scan3A_118 = arith.constant 0 : i32
      %scan3A_119 = arith.constant 768 : i32
      %scan3A_120 = arith.addi %scan3A_118, %scan3A_119 : i32
      %scan3A_121 = arith.constant 1 : i32
      %scan3A_122 = scf.for %scan3A_136 = %scan3A_118 to %scan3A_120 step %scan3A_121 iter_args(%scan3A_137 = %scan3A_117) -> (i32)  : i32 {
        %jit3A = arith.constant 48 : i32
        %div3A = arith.divsi %scan3A_136, %jit3A : i32
        %sign3A = arith.constant 0 : i32
        %sign3A_138 = arith.cmpi sgt, %scan3A_136, %sign3A : i32
        %sign3A_139 = arith.extui %sign3A_138 : i1 to i32
        %sign3A_140 = arith.constant 0 : i32
        %sign3A_141 = arith.cmpi slt, %scan3A_136, %sign3A_140 : i32
        %sign3A_142 = arith.extui %sign3A_141 : i1 to i32
        %sign3A_143 = arith.subi %sign3A_139, %sign3A_142 : i32
        %sign3A_144 = arith.constant 0 : i32
        %sign3A_145 = arith.cmpi sgt, %jit3A, %sign3A_144 : i32
        %sign3A_146 = arith.extui %sign3A_145 : i1 to i32
        %sign3A_147 = arith.constant 0 : i32
        %sign3A_148 = arith.cmpi slt, %jit3A, %sign3A_147 : i32
        %sign3A_149 = arith.extui %sign3A_148 : i1 to i32
        %sign3A_150 = arith.subi %sign3A_146, %sign3A_149 : i32
        %ne3A = arith.cmpi ne, %sign3A_143, %sign3A_150 : i32
        %rem3A = arith.remsi %scan3A_136, %jit3A : i32
        %ne3A_151 = arith.constant 0 : i32
        %ne3A_152 = arith.cmpi ne, %rem3A, %ne3A_151 : i32
        %and3A = arith.andi %ne3A, %ne3A_152 : i1
        %sub3A = arith.constant 1 : i32
        %sub3A_153 = arith.subi %div3A, %sub3A : i32
        %select_n3A = arith.select %and3A, %sub3A_153, %div3A : i32
        %jit3A_154 = arith.constant 48 : i32
        %eq3A = arith.constant 0 : i32
        %eq3A_155 = arith.cmpi eq, %jit3A_154, %eq3A : i32
        %jit3A_156 = arith.constant 1 : i32
        %select_n3A_157 = arith.select %eq3A_155, %jit3A_156, %jit3A_154 : i32
        %rem3A_158 = arith.remsi %scan3A_136, %select_n3A_157 : i32
        %ne3A_159 = arith.constant 0 : i32
        %ne3A_160 = arith.cmpi ne, %rem3A_158, %ne3A_159 : i32
        %lt3A_161 = arith.constant 0 : i32
        %lt3A_162 = arith.cmpi slt, %rem3A_158, %lt3A_161 : i32
        %lt3A_163 = arith.constant 0 : i32
        %lt3A_164 = arith.cmpi slt, %select_n3A_157, %lt3A_163 : i32
        %ne3A_165 = arith.xori %lt3A_162, %lt3A_164 : i1
        %and3A_166 = arith.andi %ne3A_165, %ne3A_160 : i1
        %add3A_167 = arith.addi %rem3A_158, %select_n3A_157 : i32
        %select_n3A_168 = arith.select %and3A_166, %add3A_167, %rem3A_158 : i32
        %mul3A_169 = arith.constant 16 : i32
        %mul3A_170 = arith.muli %select_n3A_168, %mul3A_169 : i32
        %get3A = arith.index_cast %select_n3A : i32 to index
        %get3A_171 = arith.index_cast %mul3A_170 : i32 to index
        %get3A_172 = tpu.vector_load %arg17[%get3A, %get3A_171] {strides = array<i32>} : memref<16x768xf32, #tpu.memory_space<vmem>>, vector<1x16xf32>,
        %get3A_173 = vector.shape_cast %get3A_172 : vector<1x16xf32> to vector<16xf32>
        %get3A_174 = arith.index_cast %select_n3A : i32 to index
        %get3A_175 = arith.index_cast %mul3A_170 : i32 to index
        %get3A_176 = tpu.vector_load %arg15[%get3A_174, %get3A_175] {strides = array<i32>} : memref<16x768xf32, #tpu.memory_space<vmem>>, vector<1x16xf32>,
        %get3A_177 = vector.shape_cast %get3A_176 : vector<1x16xf32> to vector<16xf32>
        %add3A_178 = arith.addf %get3A_173, %get3A_177 : vector<16xf32>
        %get3A_179 = arith.index_cast %select_n3A : i32 to index
        %get3A_180 = arith.index_cast %mul3A_170 : i32 to index
        %get3A_181 = tpu.vector_load %arg16[%get3A_179, %get3A_180] {strides = array<i32>} : memref<16x768xf32, #tpu.memory_space<vmem>>, vector<1x16xf32>,
        %get3A_182 = vector.shape_cast %get3A_181 : vector<1x16xf32> to vector<16xf32>
        %add3A_183 = arith.addf %add3A_178, %get3A_182 : vector<16xf32>
        %swap3A = arith.index_cast %select_n3A : i32 to index
        %swap3A_184 = arith.index_cast %mul3A_170 : i32 to index
        %swap3A_185 = tpu.vector_load %arg18[%swap3A, %swap3A_184] {strides = array<i32>} : memref<16x768xf32, #tpu.memory_space<vmem>>, vector<1x16xf32>,
        %swap3A_186 = vector.shape_cast %swap3A_185 : vector<1x16xf32> to vector<16xf32>
        %swap3A_187 = vector.shape_cast %add3A_183 : vector<16xf32> to vector<1x16xf32>
        tpu.vector_store %arg18[%swap3A, %swap3A_184], %swap3A_187 {strides = array<i32>} : memref<16x768xf32, #tpu.memory_space<vmem>>, vector<1x16xf32>,
        %scan3A_188 = arith.constant 0 : i32
        scf.yield %scan3A_188 : i32
      }
      %scan3A_123 = arith.constant 768 : i32
      %dma_start3A_124 = arith.constant 0 : i32
      %dma_start3A_125 = tpu.memref_slice %arg6[%add3A_93, %dma_start3A_124] : memref<8192x768xf32, #tpu.memory_space<hbm>> -> memref<16x768xf32, #tpu.memory_space<hbm>>
      %dma_start3A_126 = arith.constant 0 : i32
      %dma_start3A_127 = tpu.memref_slice %arg6[%add3A_93, %dma_start3A_126] : memref<8192x768xf32, #tpu.memory_space<hbm>> -> memref<16x768xf32, #tpu.memory_space<hbm>>
      tpu.enqueue_dma source(%arg18 : memref<16x768xf32, #tpu.memory_space<vmem>>) target(%dma_start3A_127 : memref<16x768xf32, #tpu.memory_space<hbm>>) target_semaphore(%arg22 : memref<!tpu.dma_semaphore, #tpu.memory_space<semaphore_mem>>)
      %add3A_128 = arith.constant 2 : i32
      %add3A_129 = arith.addi %add3A_90, %add3A_128 : i32
      %lt3A_130 = arith.constant 16 : i32
      %lt3A_131 = arith.cmpi slt, %add3A_129, %lt3A_130 : i32
      %convert_element_type3A_132 = arith.extui %lt3A_131 : i1 to i32
      %cond3A_133 = arith.constant 0 : i32
      %cond3A_134 = arith.cmpi ne, %convert_element_type3A_132, %cond3A_133 : i32
      scf.if %cond3A_134 {
        %add3A_136 = arith.constant 2 : i32
        %add3A_137 = arith.addi %add3A_90, %add3A_136 : i32
        %mul3A_138 = arith.constant 16 : i32
        %mul3A_139 = arith.muli %add3A_137, %mul3A_138 : i32
        %add3A_140 = arith.addi %mul3A_2, %mul3A_139 : i32
        "tpu.region"() ({
          %run_scoped3A = tpu.sem_alloc : memref<!tpu.dma_semaphore, #tpu.memory_space<semaphore_mem>>
          %dma_start3A_151 = tpu.memref_slice %arg2[%add3A_140] : memref<8192xi32, #tpu.memory_space<hbm>> -> memref<16xi32, #tpu.memory_space<hbm>>
          %dma_start3A_152 = tpu.memref_slice %arg2[%add3A_140] : memref<8192xi32, #tpu.memory_space<hbm>> -> memref<16xi32, #tpu.memory_space<hbm>>
          tpu.enqueue_dma source(%dma_start3A_152 : memref<16xi32, #tpu.memory_space<hbm>>) target(%arg9 : memref<16xi32, #tpu.memory_space<vmem>>) target_semaphore(%run_scoped3A : memref<!tpu.dma_semaphore, #tpu.memory_space<semaphore_mem>>)
          %dma_wait3A_153 = tpu.memref_slice %arg2[%add3A_140] : memref<8192xi32, #tpu.memory_space<hbm>> -> memref<16xi32, #tpu.memory_space<hbm>>
          %dma_wait3A_154 = tpu.memref_slice %arg2[%add3A_140] : memref<8192xi32, #tpu.memory_space<hbm>> -> memref<16xi32, #tpu.memory_space<hbm>>
          tpu.wait_dma2 semaphore(%run_scoped3A : memref<!tpu.dma_semaphore, #tpu.memory_space<semaphore_mem>>) src(%dma_wait3A_154 : memref<16xi32, #tpu.memory_space<hbm>>) dst(%arg9 : memref<16xi32, #tpu.memory_space<vmem>>)
          tpu.yield
        }) : () -> ()
        "tpu.region"() ({
          %run_scoped3A = tpu.sem_alloc : memref<!tpu.dma_semaphore, #tpu.memory_space<semaphore_mem>>
          %dma_start3A_151 = tpu.memref_slice %arg3[%add3A_140] : memref<8192xi32, #tpu.memory_space<hbm>> -> memref<16xi32, #tpu.memory_space<hbm>>
          %dma_start3A_152 = tpu.memref_slice %arg3[%add3A_140] : memref<8192xi32, #tpu.memory_space<hbm>> -> memref<16xi32, #tpu.memory_space<hbm>>
          tpu.enqueue_dma source(%dma_start3A_152 : memref<16xi32, #tpu.memory_space<hbm>>) target(%arg10 : memref<16xi32, #tpu.memory_space<vmem>>) target_semaphore(%run_scoped3A : memref<!tpu.dma_semaphore, #tpu.memory_space<semaphore_mem>>)
          %dma_wait3A_153 = tpu.memref_slice %arg3[%add3A_140] : memref<8192xi32, #tpu.memory_space<hbm>> -> memref<16xi32, #tpu.memory_space<hbm>>
          %dma_wait3A_154 = tpu.memref_slice %arg3[%add3A_140] : memref<8192xi32, #tpu.memory_space<hbm>> -> memref<16xi32, #tpu.memory_space<hbm>>
          tpu.wait_dma2 semaphore(%run_scoped3A : memref<!tpu.dma_semaphore, #tpu.memory_space<semaphore_mem>>) src(%dma_wait3A_154 : memref<16xi32, #tpu.memory_space<hbm>>) dst(%arg10 : memref<16xi32, #tpu.memory_space<vmem>>)
          tpu.yield
        }) : () -> ()
        %dma_start3A_141 = arith.constant 0 : i32
        %dma_start3A_142 = arith.constant 0 : i32
        %dma_start3A_143 = tpu.memref_slice %arg5[%dma_start3A_141, %dma_start3A_142] : memref<21760x768xf32, #tpu.memory_space<hbm>> -> memref<21760x768xf32, #tpu.memory_space<hbm>>
        tpu.enqueue_indirect_dma source(%dma_start3A_143 : memref<21760x768xf32, #tpu.memory_space<hbm>>) target(%arg15 : memref<16x768xf32, #tpu.memory_space<vmem>>) offsets(%arg9 : memref<16xi32, #tpu.memory_space<vmem>>) semaphore(%arg20 : memref<!tpu.dma_semaphore, #tpu.memory_space<semaphore_mem>>)
        %dma_start3A_144 = arith.constant 0 : i32
        %dma_start3A_145 = arith.constant 0 : i32
        %dma_start3A_146 = tpu.memref_slice %arg5[%dma_start3A_144, %dma_start3A_145] : memref<21760x768xf32, #tpu.memory_space<hbm>> -> memref<21760x768xf32, #tpu.memory_space<hbm>>
        tpu.enqueue_indirect_dma source(%dma_start3A_146 : memref<21760x768xf32, #tpu.memory_space<hbm>>) target(%arg16 : memref<16x768xf32, #tpu.memory_space<vmem>>) offsets(%arg10 : memref<16xi32, #tpu.memory_space<vmem>>) semaphore(%arg20 : memref<!tpu.dma_semaphore, #tpu.memory_space<semaphore_mem>>)
        %dma_start3A_147 = arith.constant 0 : i32
        %dma_start3A_148 = tpu.memref_slice %arg4[%add3A_140, %dma_start3A_147] : memref<8192x768xf32, #tpu.memory_space<hbm>> -> memref<16x768xf32, #tpu.memory_space<hbm>>
        %dma_start3A_149 = arith.constant 0 : i32
        %dma_start3A_150 = tpu.memref_slice %arg4[%add3A_140, %dma_start3A_149] : memref<8192x768xf32, #tpu.memory_space<hbm>> -> memref<16x768xf32, #tpu.memory_space<hbm>>
        tpu.enqueue_dma source(%dma_start3A_150 : memref<16x768xf32, #tpu.memory_space<hbm>>) target(%arg17 : memref<16x768xf32, #tpu.memory_space<vmem>>) target_semaphore(%arg20 : memref<!tpu.dma_semaphore, #tpu.memory_space<semaphore_mem>>)
      } else {
      }
      %scan3A_135 = arith.constant 0 : i32
      scf.yield %scan3A_135 : i32
    }
    %scan3A_31 = arith.constant 8 : i32
    %dma_wait3A = arith.constant 0 : i32
    %dma_wait3A_32 = arith.constant 0 : i32
    %dma_wait3A_33 = tpu.memref_slice %arg6[%dma_wait3A, %dma_wait3A_32] : memref<8192x768xf32, #tpu.memory_space<hbm>> -> memref<16x768xf32, #tpu.memory_space<hbm>>
    %dma_wait3A_34 = arith.constant 0 : i32
    %dma_wait3A_35 = arith.constant 0 : i32
    %dma_wait3A_36 = tpu.memref_slice %arg6[%dma_wait3A_34, %dma_wait3A_35] : memref<8192x768xf32, #tpu.memory_space<hbm>> -> memref<16x768xf32, #tpu.memory_space<hbm>>
    tpu.wait_dma2 semaphore(%arg21 : memref<!tpu.dma_semaphore, #tpu.memory_space<semaphore_mem>>) src(%arg14 : memref<16x768xf32, #tpu.memory_space<vmem>>) dst(%dma_wait3A_36 : memref<16x768xf32, #tpu.memory_space<hbm>>)
    %dma_wait3A_37 = arith.constant 0 : i32
    %dma_wait3A_38 = arith.constant 0 : i32
    %dma_wait3A_39 = tpu.memref_slice %arg6[%dma_wait3A_37, %dma_wait3A_38] : memref<8192x768xf32, #tpu.memory_space<hbm>> -> memref<16x768xf32, #tpu.memory_space<hbm>>
    %dma_wait3A_40 = arith.constant 0 : i32
    %dma_wait3A_41 = arith.constant 0 : i32
    %dma_wait3A_42 = tpu.memref_slice %arg6[%dma_wait3A_40, %dma_wait3A_41] : memref<8192x768xf32, #tpu.memory_space<hbm>> -> memref<16x768xf32, #tpu.memory_space<hbm>>
    tpu.wait_dma2 semaphore(%arg22 : memref<!tpu.dma_semaphore, #tpu.memory_space<semaphore_mem>>) src(%arg18 : memref<16x768xf32, #tpu.memory_space<vmem>>) dst(%dma_wait3A_42 : memref<16x768xf32, #tpu.memory_space<hbm>>)
    return
  }
}

#map = affine_map<(d0, d1) -> (0)>
#map1 = affine_map<(d0, d1) -> (0, 0)>
module attributes {stable_mosaic.version = 14 : i64} {
  func.func @k(%arg0: i32, %arg1: i32, %arg2: memref<8192xi32, #tpu.memory_space<hbm>>, %arg3: memref<8192xi32, #tpu.memory_space<hbm>>, %arg4: memref<8192xf32, #tpu.memory_space<hbm>>, %arg5: memref<8192xf32, #tpu.memory_space<hbm>>, %arg6: memref<8192x384xi32, #tpu.memory_space<hbm>>, %arg7: memref<21760x384xi32, #tpu.memory_space<hbm>>, %arg8: memref<21760xf32, #tpu.memory_space<hbm>>, %arg9: memref<128xi32, #tpu.memory_space<vmem>>, %arg10: memref<128xi32, #tpu.memory_space<vmem>>, %arg11: memref<128xi32, #tpu.memory_space<vmem>>, %arg12: memref<128xi32, #tpu.memory_space<vmem>>, %arg13: memref<128xf32, #tpu.memory_space<vmem>>, %arg14: memref<128xf32, #tpu.memory_space<vmem>>, %arg15: memref<128xf32, #tpu.memory_space<vmem>>, %arg16: memref<128xf32, #tpu.memory_space<vmem>>, %arg17: memref<128x384xi32, #tpu.memory_space<vmem>>, %arg18: memref<128x384xi32, #tpu.memory_space<vmem>>, %arg19: memref<!tpu.dma_semaphore, #tpu.memory_space<semaphore_mem>>, %arg20: memref<!tpu.dma_semaphore, #tpu.memory_space<semaphore_mem>>, %arg21: memref<!tpu.dma_semaphore, #tpu.memory_space<semaphore_mem>>, %arg22: memref<!tpu.dma_semaphore, #tpu.memory_space<semaphore_mem>>) attributes {dimension_semantics = [#tpu.dimension_semantics<core_parallel>, #tpu.dimension_semantics<subcore_parallel>], iteration_bounds = array<i64: 2, 16>, scalar_prefetch = 0 : i64, scratch_operands = 14 : i64, tpu.core_type = #tpu.core_type<sc_vector_subcore>, window_params = [{transform_indices = #map}, {transform_indices = #map}, {transform_indices = #map}, {transform_indices = #map}, {transform_indices = #map1}, {transform_indices = #map1}, {transform_indices = #map}]} {
    %mul3A = arith.constant 2 : i32
    %mul3A_0 = arith.muli %arg1, %mul3A : i32
    %add3A = arith.addi %mul3A_0, %arg0 : i32
    %mul3A_1 = arith.constant 256 : i32
    %mul3A_2 = arith.muli %add3A, %mul3A_1 : i32
    %add3A_3 = arith.constant 0 : i32
    %add3A_4 = arith.addi %mul3A_2, %add3A_3 : i32
    %dma_start3A = tpu.memref_slice %arg2[%add3A_4] : memref<8192xi32, #tpu.memory_space<hbm>> -> memref<128xi32, #tpu.memory_space<hbm>>
    %dma_start3A_5 = tpu.memref_slice %arg2[%add3A_4] : memref<8192xi32, #tpu.memory_space<hbm>> -> memref<128xi32, #tpu.memory_space<hbm>>
    tpu.enqueue_dma source(%dma_start3A_5 : memref<128xi32, #tpu.memory_space<hbm>>) target(%arg9 : memref<128xi32, #tpu.memory_space<vmem>>) target_semaphore(%arg19 : memref<!tpu.dma_semaphore, #tpu.memory_space<semaphore_mem>>)
    %dma_start3A_6 = tpu.memref_slice %arg3[%add3A_4] : memref<8192xi32, #tpu.memory_space<hbm>> -> memref<128xi32, #tpu.memory_space<hbm>>
    %dma_start3A_7 = tpu.memref_slice %arg3[%add3A_4] : memref<8192xi32, #tpu.memory_space<hbm>> -> memref<128xi32, #tpu.memory_space<hbm>>
    tpu.enqueue_dma source(%dma_start3A_7 : memref<128xi32, #tpu.memory_space<hbm>>) target(%arg10 : memref<128xi32, #tpu.memory_space<vmem>>) target_semaphore(%arg19 : memref<!tpu.dma_semaphore, #tpu.memory_space<semaphore_mem>>)
    %dma_start3A_8 = tpu.memref_slice %arg4[%add3A_4] : memref<8192xf32, #tpu.memory_space<hbm>> -> memref<128xf32, #tpu.memory_space<hbm>>
    %dma_start3A_9 = tpu.memref_slice %arg4[%add3A_4] : memref<8192xf32, #tpu.memory_space<hbm>> -> memref<128xf32, #tpu.memory_space<hbm>>
    tpu.enqueue_dma source(%dma_start3A_9 : memref<128xf32, #tpu.memory_space<hbm>>) target(%arg13 : memref<128xf32, #tpu.memory_space<vmem>>) target_semaphore(%arg19 : memref<!tpu.dma_semaphore, #tpu.memory_space<semaphore_mem>>)
    %dma_start3A_10 = tpu.memref_slice %arg5[%add3A_4] : memref<8192xf32, #tpu.memory_space<hbm>> -> memref<128xf32, #tpu.memory_space<hbm>>
    %dma_start3A_11 = tpu.memref_slice %arg5[%add3A_4] : memref<8192xf32, #tpu.memory_space<hbm>> -> memref<128xf32, #tpu.memory_space<hbm>>
    tpu.enqueue_dma source(%dma_start3A_11 : memref<128xf32, #tpu.memory_space<hbm>>) target(%arg14 : memref<128xf32, #tpu.memory_space<vmem>>) target_semaphore(%arg19 : memref<!tpu.dma_semaphore, #tpu.memory_space<semaphore_mem>>)
    %dma_start3A_12 = arith.constant 0 : i32
    %dma_start3A_13 = tpu.memref_slice %arg6[%add3A_4, %dma_start3A_12] : memref<8192x384xi32, #tpu.memory_space<hbm>> -> memref<128x384xi32, #tpu.memory_space<hbm>>
    %dma_start3A_14 = arith.constant 0 : i32
    %dma_start3A_15 = tpu.memref_slice %arg6[%add3A_4, %dma_start3A_14] : memref<8192x384xi32, #tpu.memory_space<hbm>> -> memref<128x384xi32, #tpu.memory_space<hbm>>
    tpu.enqueue_dma source(%dma_start3A_15 : memref<128x384xi32, #tpu.memory_space<hbm>>) target(%arg17 : memref<128x384xi32, #tpu.memory_space<vmem>>) target_semaphore(%arg19 : memref<!tpu.dma_semaphore, #tpu.memory_space<semaphore_mem>>)
    %mul3A_16 = arith.constant 256 : i32
    %mul3A_17 = arith.muli %add3A, %mul3A_16 : i32
    %add3A_18 = arith.constant 128 : i32
    %add3A_19 = arith.addi %mul3A_17, %add3A_18 : i32
    %dma_start3A_20 = tpu.memref_slice %arg2[%add3A_19] : memref<8192xi32, #tpu.memory_space<hbm>> -> memref<128xi32, #tpu.memory_space<hbm>>
    %dma_start3A_21 = tpu.memref_slice %arg2[%add3A_19] : memref<8192xi32, #tpu.memory_space<hbm>> -> memref<128xi32, #tpu.memory_space<hbm>>
    tpu.enqueue_dma source(%dma_start3A_21 : memref<128xi32, #tpu.memory_space<hbm>>) target(%arg11 : memref<128xi32, #tpu.memory_space<vmem>>) target_semaphore(%arg20 : memref<!tpu.dma_semaphore, #tpu.memory_space<semaphore_mem>>)
    %dma_start3A_22 = tpu.memref_slice %arg3[%add3A_19] : memref<8192xi32, #tpu.memory_space<hbm>> -> memref<128xi32, #tpu.memory_space<hbm>>
    %dma_start3A_23 = tpu.memref_slice %arg3[%add3A_19] : memref<8192xi32, #tpu.memory_space<hbm>> -> memref<128xi32, #tpu.memory_space<hbm>>
    tpu.enqueue_dma source(%dma_start3A_23 : memref<128xi32, #tpu.memory_space<hbm>>) target(%arg12 : memref<128xi32, #tpu.memory_space<vmem>>) target_semaphore(%arg20 : memref<!tpu.dma_semaphore, #tpu.memory_space<semaphore_mem>>)
    %dma_start3A_24 = tpu.memref_slice %arg4[%add3A_19] : memref<8192xf32, #tpu.memory_space<hbm>> -> memref<128xf32, #tpu.memory_space<hbm>>
    %dma_start3A_25 = tpu.memref_slice %arg4[%add3A_19] : memref<8192xf32, #tpu.memory_space<hbm>> -> memref<128xf32, #tpu.memory_space<hbm>>
    tpu.enqueue_dma source(%dma_start3A_25 : memref<128xf32, #tpu.memory_space<hbm>>) target(%arg15 : memref<128xf32, #tpu.memory_space<vmem>>) target_semaphore(%arg20 : memref<!tpu.dma_semaphore, #tpu.memory_space<semaphore_mem>>)
    %dma_start3A_26 = tpu.memref_slice %arg5[%add3A_19] : memref<8192xf32, #tpu.memory_space<hbm>> -> memref<128xf32, #tpu.memory_space<hbm>>
    %dma_start3A_27 = tpu.memref_slice %arg5[%add3A_19] : memref<8192xf32, #tpu.memory_space<hbm>> -> memref<128xf32, #tpu.memory_space<hbm>>
    tpu.enqueue_dma source(%dma_start3A_27 : memref<128xf32, #tpu.memory_space<hbm>>) target(%arg16 : memref<128xf32, #tpu.memory_space<vmem>>) target_semaphore(%arg20 : memref<!tpu.dma_semaphore, #tpu.memory_space<semaphore_mem>>)
    %dma_start3A_28 = arith.constant 0 : i32
    %dma_start3A_29 = tpu.memref_slice %arg6[%add3A_19, %dma_start3A_28] : memref<8192x384xi32, #tpu.memory_space<hbm>> -> memref<128x384xi32, #tpu.memory_space<hbm>>
    %dma_start3A_30 = arith.constant 0 : i32
    %dma_start3A_31 = tpu.memref_slice %arg6[%add3A_19, %dma_start3A_30] : memref<8192x384xi32, #tpu.memory_space<hbm>> -> memref<128x384xi32, #tpu.memory_space<hbm>>
    tpu.enqueue_dma source(%dma_start3A_31 : memref<128x384xi32, #tpu.memory_space<hbm>>) target(%arg18 : memref<128x384xi32, #tpu.memory_space<vmem>>) target_semaphore(%arg20 : memref<!tpu.dma_semaphore, #tpu.memory_space<semaphore_mem>>)
    %dma_wait3A = arith.constant 0 : i32
    %dma_wait3A_32 = tpu.memref_slice %arg2[%dma_wait3A] : memref<8192xi32, #tpu.memory_space<hbm>> -> memref<128xi32, #tpu.memory_space<hbm>>
    %dma_wait3A_33 = arith.constant 0 : i32
    %dma_wait3A_34 = tpu.memref_slice %arg2[%dma_wait3A_33] : memref<8192xi32, #tpu.memory_space<hbm>> -> memref<128xi32, #tpu.memory_space<hbm>>
    tpu.wait_dma2 semaphore(%arg19 : memref<!tpu.dma_semaphore, #tpu.memory_space<semaphore_mem>>) src(%dma_wait3A_34 : memref<128xi32, #tpu.memory_space<hbm>>) dst(%arg9 : memref<128xi32, #tpu.memory_space<vmem>>)
    %dma_wait3A_35 = arith.constant 0 : i32
    %dma_wait3A_36 = tpu.memref_slice %arg3[%dma_wait3A_35] : memref<8192xi32, #tpu.memory_space<hbm>> -> memref<128xi32, #tpu.memory_space<hbm>>
    %dma_wait3A_37 = arith.constant 0 : i32
    %dma_wait3A_38 = tpu.memref_slice %arg3[%dma_wait3A_37] : memref<8192xi32, #tpu.memory_space<hbm>> -> memref<128xi32, #tpu.memory_space<hbm>>
    tpu.wait_dma2 semaphore(%arg19 : memref<!tpu.dma_semaphore, #tpu.memory_space<semaphore_mem>>) src(%dma_wait3A_38 : memref<128xi32, #tpu.memory_space<hbm>>) dst(%arg10 : memref<128xi32, #tpu.memory_space<vmem>>)
    %dma_wait3A_39 = arith.constant 0 : i32
    %dma_wait3A_40 = tpu.memref_slice %arg4[%dma_wait3A_39] : memref<8192xf32, #tpu.memory_space<hbm>> -> memref<128xf32, #tpu.memory_space<hbm>>
    %dma_wait3A_41 = arith.constant 0 : i32
    %dma_wait3A_42 = tpu.memref_slice %arg4[%dma_wait3A_41] : memref<8192xf32, #tpu.memory_space<hbm>> -> memref<128xf32, #tpu.memory_space<hbm>>
    tpu.wait_dma2 semaphore(%arg19 : memref<!tpu.dma_semaphore, #tpu.memory_space<semaphore_mem>>) src(%dma_wait3A_42 : memref<128xf32, #tpu.memory_space<hbm>>) dst(%arg13 : memref<128xf32, #tpu.memory_space<vmem>>)
    %dma_wait3A_43 = arith.constant 0 : i32
    %dma_wait3A_44 = tpu.memref_slice %arg5[%dma_wait3A_43] : memref<8192xf32, #tpu.memory_space<hbm>> -> memref<128xf32, #tpu.memory_space<hbm>>
    %dma_wait3A_45 = arith.constant 0 : i32
    %dma_wait3A_46 = tpu.memref_slice %arg5[%dma_wait3A_45] : memref<8192xf32, #tpu.memory_space<hbm>> -> memref<128xf32, #tpu.memory_space<hbm>>
    tpu.wait_dma2 semaphore(%arg19 : memref<!tpu.dma_semaphore, #tpu.memory_space<semaphore_mem>>) src(%dma_wait3A_46 : memref<128xf32, #tpu.memory_space<hbm>>) dst(%arg14 : memref<128xf32, #tpu.memory_space<vmem>>)
    %dma_wait3A_47 = arith.constant 0 : i32
    %dma_wait3A_48 = arith.constant 0 : i32
    %dma_wait3A_49 = tpu.memref_slice %arg6[%dma_wait3A_47, %dma_wait3A_48] : memref<8192x384xi32, #tpu.memory_space<hbm>> -> memref<128x384xi32, #tpu.memory_space<hbm>>
    %dma_wait3A_50 = arith.constant 0 : i32
    %dma_wait3A_51 = arith.constant 0 : i32
    %dma_wait3A_52 = tpu.memref_slice %arg6[%dma_wait3A_50, %dma_wait3A_51] : memref<8192x384xi32, #tpu.memory_space<hbm>> -> memref<128x384xi32, #tpu.memory_space<hbm>>
    tpu.wait_dma2 semaphore(%arg19 : memref<!tpu.dma_semaphore, #tpu.memory_space<semaphore_mem>>) src(%dma_wait3A_52 : memref<128x384xi32, #tpu.memory_space<hbm>>) dst(%arg17 : memref<128x384xi32, #tpu.memory_space<vmem>>)
    %dma_start3A_53 = arith.constant 0 : i32
    %dma_start3A_54 = arith.constant 0 : i32
    %dma_start3A_55 = tpu.memref_slice %arg7[%dma_start3A_53, %dma_start3A_54] : memref<21760x384xi32, #tpu.memory_space<hbm>> -> memref<21760x384xi32, #tpu.memory_space<hbm>>
    tpu.enqueue_indirect_dma source(%arg17 : memref<128x384xi32, #tpu.memory_space<vmem>>) target(%dma_start3A_55 : memref<21760x384xi32, #tpu.memory_space<hbm>>) offsets(%arg9 : memref<128xi32, #tpu.memory_space<vmem>>) semaphore(%arg21 : memref<!tpu.dma_semaphore, #tpu.memory_space<semaphore_mem>>)
    %dma_start3A_56 = arith.constant 0 : i32
    %dma_start3A_57 = arith.constant 0 : i32
    %dma_start3A_58 = tpu.memref_slice %arg7[%dma_start3A_56, %dma_start3A_57] : memref<21760x384xi32, #tpu.memory_space<hbm>> -> memref<21760x384xi32, #tpu.memory_space<hbm>>
    tpu.enqueue_indirect_dma source(%arg17 : memref<128x384xi32, #tpu.memory_space<vmem>>) target(%dma_start3A_58 : memref<21760x384xi32, #tpu.memory_space<hbm>>) offsets(%arg10 : memref<128xi32, #tpu.memory_space<vmem>>) semaphore(%arg21 : memref<!tpu.dma_semaphore, #tpu.memory_space<semaphore_mem>>)
    %dma_start3A_59 = arith.constant 0 : i32
    %dma_start3A_60 = tpu.memref_slice %arg8[%dma_start3A_59] : memref<21760xf32, #tpu.memory_space<hbm>> -> memref<21760xf32, #tpu.memory_space<hbm>>
    tpu.enqueue_indirect_dma source(%arg13 : memref<128xf32, #tpu.memory_space<vmem>>) target(%dma_start3A_60 : memref<21760xf32, #tpu.memory_space<hbm>>) offsets(%arg9 : memref<128xi32, #tpu.memory_space<vmem>>) semaphore(%arg21 : memref<!tpu.dma_semaphore, #tpu.memory_space<semaphore_mem>>)
    %dma_start3A_61 = arith.constant 0 : i32
    %dma_start3A_62 = tpu.memref_slice %arg8[%dma_start3A_61] : memref<21760xf32, #tpu.memory_space<hbm>> -> memref<21760xf32, #tpu.memory_space<hbm>>
    tpu.enqueue_indirect_dma source(%arg14 : memref<128xf32, #tpu.memory_space<vmem>>) target(%dma_start3A_62 : memref<21760xf32, #tpu.memory_space<hbm>>) offsets(%arg10 : memref<128xi32, #tpu.memory_space<vmem>>) semaphore(%arg21 : memref<!tpu.dma_semaphore, #tpu.memory_space<semaphore_mem>>)
    %dma_wait3A_63 = arith.constant 0 : i32
    %dma_wait3A_64 = tpu.memref_slice %arg2[%dma_wait3A_63] : memref<8192xi32, #tpu.memory_space<hbm>> -> memref<128xi32, #tpu.memory_space<hbm>>
    %dma_wait3A_65 = arith.constant 0 : i32
    %dma_wait3A_66 = tpu.memref_slice %arg2[%dma_wait3A_65] : memref<8192xi32, #tpu.memory_space<hbm>> -> memref<128xi32, #tpu.memory_space<hbm>>
    tpu.wait_dma2 semaphore(%arg20 : memref<!tpu.dma_semaphore, #tpu.memory_space<semaphore_mem>>) src(%dma_wait3A_66 : memref<128xi32, #tpu.memory_space<hbm>>) dst(%arg11 : memref<128xi32, #tpu.memory_space<vmem>>)
    %dma_wait3A_67 = arith.constant 0 : i32
    %dma_wait3A_68 = tpu.memref_slice %arg3[%dma_wait3A_67] : memref<8192xi32, #tpu.memory_space<hbm>> -> memref<128xi32, #tpu.memory_space<hbm>>
    %dma_wait3A_69 = arith.constant 0 : i32
    %dma_wait3A_70 = tpu.memref_slice %arg3[%dma_wait3A_69] : memref<8192xi32, #tpu.memory_space<hbm>> -> memref<128xi32, #tpu.memory_space<hbm>>
    tpu.wait_dma2 semaphore(%arg20 : memref<!tpu.dma_semaphore, #tpu.memory_space<semaphore_mem>>) src(%dma_wait3A_70 : memref<128xi32, #tpu.memory_space<hbm>>) dst(%arg12 : memref<128xi32, #tpu.memory_space<vmem>>)
    %dma_wait3A_71 = arith.constant 0 : i32
    %dma_wait3A_72 = tpu.memref_slice %arg4[%dma_wait3A_71] : memref<8192xf32, #tpu.memory_space<hbm>> -> memref<128xf32, #tpu.memory_space<hbm>>
    %dma_wait3A_73 = arith.constant 0 : i32
    %dma_wait3A_74 = tpu.memref_slice %arg4[%dma_wait3A_73] : memref<8192xf32, #tpu.memory_space<hbm>> -> memref<128xf32, #tpu.memory_space<hbm>>
    tpu.wait_dma2 semaphore(%arg20 : memref<!tpu.dma_semaphore, #tpu.memory_space<semaphore_mem>>) src(%dma_wait3A_74 : memref<128xf32, #tpu.memory_space<hbm>>) dst(%arg15 : memref<128xf32, #tpu.memory_space<vmem>>)
    %dma_wait3A_75 = arith.constant 0 : i32
    %dma_wait3A_76 = tpu.memref_slice %arg5[%dma_wait3A_75] : memref<8192xf32, #tpu.memory_space<hbm>> -> memref<128xf32, #tpu.memory_space<hbm>>
    %dma_wait3A_77 = arith.constant 0 : i32
    %dma_wait3A_78 = tpu.memref_slice %arg5[%dma_wait3A_77] : memref<8192xf32, #tpu.memory_space<hbm>> -> memref<128xf32, #tpu.memory_space<hbm>>
    tpu.wait_dma2 semaphore(%arg20 : memref<!tpu.dma_semaphore, #tpu.memory_space<semaphore_mem>>) src(%dma_wait3A_78 : memref<128xf32, #tpu.memory_space<hbm>>) dst(%arg16 : memref<128xf32, #tpu.memory_space<vmem>>)
    %dma_wait3A_79 = arith.constant 0 : i32
    %dma_wait3A_80 = arith.constant 0 : i32
    %dma_wait3A_81 = tpu.memref_slice %arg6[%dma_wait3A_79, %dma_wait3A_80] : memref<8192x384xi32, #tpu.memory_space<hbm>> -> memref<128x384xi32, #tpu.memory_space<hbm>>
    %dma_wait3A_82 = arith.constant 0 : i32
    %dma_wait3A_83 = arith.constant 0 : i32
    %dma_wait3A_84 = tpu.memref_slice %arg6[%dma_wait3A_82, %dma_wait3A_83] : memref<8192x384xi32, #tpu.memory_space<hbm>> -> memref<128x384xi32, #tpu.memory_space<hbm>>
    tpu.wait_dma2 semaphore(%arg20 : memref<!tpu.dma_semaphore, #tpu.memory_space<semaphore_mem>>) src(%dma_wait3A_84 : memref<128x384xi32, #tpu.memory_space<hbm>>) dst(%arg18 : memref<128x384xi32, #tpu.memory_space<vmem>>)
    %dma_start3A_85 = arith.constant 0 : i32
    %dma_start3A_86 = arith.constant 0 : i32
    %dma_start3A_87 = tpu.memref_slice %arg7[%dma_start3A_85, %dma_start3A_86] : memref<21760x384xi32, #tpu.memory_space<hbm>> -> memref<21760x384xi32, #tpu.memory_space<hbm>>
    tpu.enqueue_indirect_dma source(%arg18 : memref<128x384xi32, #tpu.memory_space<vmem>>) target(%dma_start3A_87 : memref<21760x384xi32, #tpu.memory_space<hbm>>) offsets(%arg11 : memref<128xi32, #tpu.memory_space<vmem>>) semaphore(%arg22 : memref<!tpu.dma_semaphore, #tpu.memory_space<semaphore_mem>>)
    %dma_start3A_88 = arith.constant 0 : i32
    %dma_start3A_89 = arith.constant 0 : i32
    %dma_start3A_90 = tpu.memref_slice %arg7[%dma_start3A_88, %dma_start3A_89] : memref<21760x384xi32, #tpu.memory_space<hbm>> -> memref<21760x384xi32, #tpu.memory_space<hbm>>
    tpu.enqueue_indirect_dma source(%arg18 : memref<128x384xi32, #tpu.memory_space<vmem>>) target(%dma_start3A_90 : memref<21760x384xi32, #tpu.memory_space<hbm>>) offsets(%arg12 : memref<128xi32, #tpu.memory_space<vmem>>) semaphore(%arg22 : memref<!tpu.dma_semaphore, #tpu.memory_space<semaphore_mem>>)
    %dma_start3A_91 = arith.constant 0 : i32
    %dma_start3A_92 = tpu.memref_slice %arg8[%dma_start3A_91] : memref<21760xf32, #tpu.memory_space<hbm>> -> memref<21760xf32, #tpu.memory_space<hbm>>
    tpu.enqueue_indirect_dma source(%arg15 : memref<128xf32, #tpu.memory_space<vmem>>) target(%dma_start3A_92 : memref<21760xf32, #tpu.memory_space<hbm>>) offsets(%arg11 : memref<128xi32, #tpu.memory_space<vmem>>) semaphore(%arg22 : memref<!tpu.dma_semaphore, #tpu.memory_space<semaphore_mem>>)
    %dma_start3A_93 = arith.constant 0 : i32
    %dma_start3A_94 = tpu.memref_slice %arg8[%dma_start3A_93] : memref<21760xf32, #tpu.memory_space<hbm>> -> memref<21760xf32, #tpu.memory_space<hbm>>
    tpu.enqueue_indirect_dma source(%arg16 : memref<128xf32, #tpu.memory_space<vmem>>) target(%dma_start3A_94 : memref<21760xf32, #tpu.memory_space<hbm>>) offsets(%arg12 : memref<128xi32, #tpu.memory_space<vmem>>) semaphore(%arg22 : memref<!tpu.dma_semaphore, #tpu.memory_space<semaphore_mem>>)
    %dma_wait3A_95 = arith.constant 0 : i32
    %dma_wait3A_96 = arith.constant 0 : i32
    %dma_wait3A_97 = tpu.memref_slice %arg7[%dma_wait3A_95, %dma_wait3A_96] : memref<21760x384xi32, #tpu.memory_space<hbm>> -> memref<128x384xi32, #tpu.memory_space<hbm>>
    %dma_wait3A_98 = arith.constant 0 : i32
    %dma_wait3A_99 = arith.constant 0 : i32
    %dma_wait3A_100 = tpu.memref_slice %arg7[%dma_wait3A_98, %dma_wait3A_99] : memref<21760x384xi32, #tpu.memory_space<hbm>> -> memref<128x384xi32, #tpu.memory_space<hbm>>
    tpu.wait_dma2 semaphore(%arg21 : memref<!tpu.dma_semaphore, #tpu.memory_space<semaphore_mem>>) src(%arg17 : memref<128x384xi32, #tpu.memory_space<vmem>>) dst(%dma_wait3A_100 : memref<128x384xi32, #tpu.memory_space<hbm>>)
    %dma_wait3A_101 = arith.constant 0 : i32
    %dma_wait3A_102 = arith.constant 0 : i32
    %dma_wait3A_103 = tpu.memref_slice %arg7[%dma_wait3A_101, %dma_wait3A_102] : memref<21760x384xi32, #tpu.memory_space<hbm>> -> memref<128x384xi32, #tpu.memory_space<hbm>>
    %dma_wait3A_104 = arith.constant 0 : i32
    %dma_wait3A_105 = arith.constant 0 : i32
    %dma_wait3A_106 = tpu.memref_slice %arg7[%dma_wait3A_104, %dma_wait3A_105] : memref<21760x384xi32, #tpu.memory_space<hbm>> -> memref<128x384xi32, #tpu.memory_space<hbm>>
    tpu.wait_dma2 semaphore(%arg21 : memref<!tpu.dma_semaphore, #tpu.memory_space<semaphore_mem>>) src(%arg17 : memref<128x384xi32, #tpu.memory_space<vmem>>) dst(%dma_wait3A_106 : memref<128x384xi32, #tpu.memory_space<hbm>>)
    %dma_wait3A_107 = arith.constant 0 : i32
    %dma_wait3A_108 = tpu.memref_slice %arg8[%dma_wait3A_107] : memref<21760xf32, #tpu.memory_space<hbm>> -> memref<128xf32, #tpu.memory_space<hbm>>
    %dma_wait3A_109 = arith.constant 0 : i32
    %dma_wait3A_110 = tpu.memref_slice %arg8[%dma_wait3A_109] : memref<21760xf32, #tpu.memory_space<hbm>> -> memref<128xf32, #tpu.memory_space<hbm>>
    tpu.wait_dma2 semaphore(%arg21 : memref<!tpu.dma_semaphore, #tpu.memory_space<semaphore_mem>>) src(%arg13 : memref<128xf32, #tpu.memory_space<vmem>>) dst(%dma_wait3A_110 : memref<128xf32, #tpu.memory_space<hbm>>)
    %dma_wait3A_111 = arith.constant 0 : i32
    %dma_wait3A_112 = tpu.memref_slice %arg8[%dma_wait3A_111] : memref<21760xf32, #tpu.memory_space<hbm>> -> memref<128xf32, #tpu.memory_space<hbm>>
    %dma_wait3A_113 = arith.constant 0 : i32
    %dma_wait3A_114 = tpu.memref_slice %arg8[%dma_wait3A_113] : memref<21760xf32, #tpu.memory_space<hbm>> -> memref<128xf32, #tpu.memory_space<hbm>>
    tpu.wait_dma2 semaphore(%arg21 : memref<!tpu.dma_semaphore, #tpu.memory_space<semaphore_mem>>) src(%arg14 : memref<128xf32, #tpu.memory_space<vmem>>) dst(%dma_wait3A_114 : memref<128xf32, #tpu.memory_space<hbm>>)
    %dma_wait3A_115 = arith.constant 0 : i32
    %dma_wait3A_116 = arith.constant 0 : i32
    %dma_wait3A_117 = tpu.memref_slice %arg7[%dma_wait3A_115, %dma_wait3A_116] : memref<21760x384xi32, #tpu.memory_space<hbm>> -> memref<128x384xi32, #tpu.memory_space<hbm>>
    %dma_wait3A_118 = arith.constant 0 : i32
    %dma_wait3A_119 = arith.constant 0 : i32
    %dma_wait3A_120 = tpu.memref_slice %arg7[%dma_wait3A_118, %dma_wait3A_119] : memref<21760x384xi32, #tpu.memory_space<hbm>> -> memref<128x384xi32, #tpu.memory_space<hbm>>
    tpu.wait_dma2 semaphore(%arg22 : memref<!tpu.dma_semaphore, #tpu.memory_space<semaphore_mem>>) src(%arg18 : memref<128x384xi32, #tpu.memory_space<vmem>>) dst(%dma_wait3A_120 : memref<128x384xi32, #tpu.memory_space<hbm>>)
    %dma_wait3A_121 = arith.constant 0 : i32
    %dma_wait3A_122 = arith.constant 0 : i32
    %dma_wait3A_123 = tpu.memref_slice %arg7[%dma_wait3A_121, %dma_wait3A_122] : memref<21760x384xi32, #tpu.memory_space<hbm>> -> memref<128x384xi32, #tpu.memory_space<hbm>>
    %dma_wait3A_124 = arith.constant 0 : i32
    %dma_wait3A_125 = arith.constant 0 : i32
    %dma_wait3A_126 = tpu.memref_slice %arg7[%dma_wait3A_124, %dma_wait3A_125] : memref<21760x384xi32, #tpu.memory_space<hbm>> -> memref<128x384xi32, #tpu.memory_space<hbm>>
    tpu.wait_dma2 semaphore(%arg22 : memref<!tpu.dma_semaphore, #tpu.memory_space<semaphore_mem>>) src(%arg18 : memref<128x384xi32, #tpu.memory_space<vmem>>) dst(%dma_wait3A_126 : memref<128x384xi32, #tpu.memory_space<hbm>>)
    %dma_wait3A_127 = arith.constant 0 : i32
    %dma_wait3A_128 = tpu.memref_slice %arg8[%dma_wait3A_127] : memref<21760xf32, #tpu.memory_space<hbm>> -> memref<128xf32, #tpu.memory_space<hbm>>
    %dma_wait3A_129 = arith.constant 0 : i32
    %dma_wait3A_130 = tpu.memref_slice %arg8[%dma_wait3A_129] : memref<21760xf32, #tpu.memory_space<hbm>> -> memref<128xf32, #tpu.memory_space<hbm>>
    tpu.wait_dma2 semaphore(%arg22 : memref<!tpu.dma_semaphore, #tpu.memory_space<semaphore_mem>>) src(%arg15 : memref<128xf32, #tpu.memory_space<vmem>>) dst(%dma_wait3A_130 : memref<128xf32, #tpu.memory_space<hbm>>)
    %dma_wait3A_131 = arith.constant 0 : i32
    %dma_wait3A_132 = tpu.memref_slice %arg8[%dma_wait3A_131] : memref<21760xf32, #tpu.memory_space<hbm>> -> memref<128xf32, #tpu.memory_space<hbm>>
    %dma_wait3A_133 = arith.constant 0 : i32
    %dma_wait3A_134 = tpu.memref_slice %arg8[%dma_wait3A_133] : memref<21760xf32, #tpu.memory_space<hbm>> -> memref<128xf32, #tpu.memory_space<hbm>>
    tpu.wait_dma2 semaphore(%arg22 : memref<!tpu.dma_semaphore, #tpu.memory_space<semaphore_mem>>) src(%arg16 : memref<128xf32, #tpu.memory_space<vmem>>) dst(%dma_wait3A_134 : memref<128xf32, #tpu.memory_space<hbm>>)
    return
  }
}

module attributes {stable_mosaic.version = 14 : i64} {
  func.func @body(%arg0: i32, %arg1: memref<512x768xf32, #tpu.memory_space<vmem>>, %arg2: memref<768x768xf32, #tpu.memory_space<vmem>>, %arg3: memref<64x768xf32, #tpu.memory_space<vmem>>, %arg4: memref<1x768xf32, #tpu.memory_space<vmem>>, %arg5: memref<1x64xf32, #tpu.memory_space<vmem>>, %arg6: memref<512x384xi32, #tpu.memory_space<vmem>>, %arg7: memref<512x768xf32, #tpu.memory_space<vmem>>, %arg8: memref<512x1xi32, #tpu.memory_space<vmem>>, %arg9: memref<512x1xi32, #tpu.memory_space<vmem>>, %arg10: memref<512x1xf32, #tpu.memory_space<vmem>>, %arg11: memref<512x1xf32, #tpu.memory_space<vmem>>, %arg12: memref<1x64xf32, #tpu.memory_space<vmem>>, %arg13: memref<512x512xf32, #tpu.memory_space<vmem>>) attributes {dimension_semantics = [#tpu.dimension_semantics<arbitrary>], iteration_bounds = array<i64: 16>, scalar_prefetch = 0 : i64, scratch_operands = 2 : i64, tpu.core_type = #tpu.core_type<tc>, window_params = [{transform_indices = @transform_0, window_bounds = array<i64: 512, 768>}, {pipeline_mode = #tpu.pipeline_mode<synchronous>, transform_indices = @transform_1, window_bounds = array<i64: 768, 768>}, {pipeline_mode = #tpu.pipeline_mode<synchronous>, transform_indices = @transform_2, window_bounds = array<i64: 64, 768>}, {pipeline_mode = #tpu.pipeline_mode<synchronous>, transform_indices = @transform_3, window_bounds = array<i64: 1, 768>}, {pipeline_mode = #tpu.pipeline_mode<synchronous>, transform_indices = @transform_4, window_bounds = array<i64: 1, 64>}, {transform_indices = @transform_5, window_bounds = array<i64: 512, 384>}, {transform_indices = @transform_6, window_bounds = array<i64: 512, 768>}, {transform_indices = @transform_7, window_bounds = array<i64: 512, 1>}, {transform_indices = @transform_8, window_bounds = array<i64: 512, 1>}, {transform_indices = @transform_9, window_bounds = array<i64: 512, 1>}, {transform_indices = @transform_10, window_bounds = array<i64: 512, 1>}]} {
    %eq3A = arith.constant 0 : i32
    %eq3A_0 = arith.cmpi eq, %arg0, %eq3A : i32
    %convert_element_type3A = arith.extui %eq3A_0 : i1 to i32
    %cond3A = arith.constant 0 : i32
    %cond3A_1 = arith.cmpi ne, %convert_element_type3A, %cond3A : i32
    scf.if %cond3A_1 {
      %broadcast_in_dim3A_141 = arith.constant 0.000000e+00 : f32
      %broadcast_in_dim3A_142 = vector.broadcast %broadcast_in_dim3A_141 : f32 to vector<1x64xf32>
      %swap3A_143 = arith.constant 0 : index
      %swap3A_144 = arith.constant 0 : index
      %swap3A_145 = vector.load %arg12[%swap3A_143, %swap3A_144] : memref<1x64xf32, #tpu.memory_space<vmem>>, vector<1x64xf32>
      tpu.vector_store %arg12[%swap3A_143, %swap3A_144], %broadcast_in_dim3A_142 {strides = array<i32>} : memref<1x64xf32, #tpu.memory_space<vmem>>, vector<1x64xf32>,
      %iota3A_146 = tpu.iota {dimensions = array<i32: 0>} : vector<512x512xi32>
      %iota3A_147 = tpu.iota {dimensions = array<i32: 1>} : vector<512x512xi32>
      %gt3A = arith.cmpi sgt, %iota3A_146, %iota3A_147 : vector<512x512xi32>
      %convert_element_type3A_148 = arith.extui %gt3A : vector<512x512xi1> to vector<512x512xi32>
      %convert_element_type3A_149 = arith.sitofp %convert_element_type3A_148 : vector<512x512xi32> to vector<512x512xf32>
      %swap3A_150 = arith.constant 0 : index
      %swap3A_151 = arith.constant 0 : index
      %swap3A_152 = vector.load %arg13[%swap3A_150, %swap3A_151] : memref<512x512xf32, #tpu.memory_space<vmem>>, vector<512x512xf32>
      tpu.vector_store %arg13[%swap3A_150, %swap3A_151], %convert_element_type3A_149 {strides = array<i32>} : memref<512x512xf32, #tpu.memory_space<vmem>>, vector<512x512xf32>,
    } else {
    }
    %get3A = arith.constant 0 : index
    %get3A_2 = arith.constant 0 : index
    %get3A_3 = vector.load %arg1[%get3A, %get3A_2] : memref<512x768xf32, #tpu.memory_space<vmem>>, vector<512x768xf32>
    %get3A_4 = arith.constant 0 : index
    %get3A_5 = arith.constant 0 : index
    %get3A_6 = vector.load %arg2[%get3A_4, %get3A_5] : memref<768x768xf32, #tpu.memory_space<vmem>>, vector<768x768xf32>
    %dot_general3A = arith.constant dense<0.000000e+00> : vector<512x768xf32>
    %dot_general3A_7 = tpu.matmul %get3A_3, %get3A_6, %dot_general3A {dimension_numbers = #tpu.dot_dimension_numbers<[1], [1], [0], [0], [0, 0, 1, 0], [], []>, transpose_lhs_hint = false} : vector<512x768xf32>, vector<768x768xf32>, vector<512x768xf32> -> vector<512x768xf32>
    %get3A_8 = arith.constant 0 : index
    %get3A_9 = arith.constant 0 : index
    %get3A_10 = vector.load %arg4[%get3A_8, %get3A_9] : memref<1x768xf32, #tpu.memory_space<vmem>>, vector<1x768xf32>
    %add3A = vector.broadcast %get3A_10 : vector<1x768xf32> to vector<512x768xf32>
    %add3A_11 = arith.addf %dot_general3A_7, %add3A : vector<512x768xf32>
    %convert_element_type3A_12 = arith.truncf %add3A_11 : vector<512x768xf32> to vector<512x768xbf16>
    %reshape3A = vector.shape_cast %convert_element_type3A_12 : vector<512x768xbf16> to vector<512x2x384xbf16>
    %bitcast3A = tpu.bitcast %reshape3A : vector<512x2x384xbf16> -> vector<512x1x384xi32>
    %reshape3A_13 = vector.shape_cast %bitcast3A : vector<512x1x384xi32> to vector<512x384xi32>
    %swap3A = arith.constant 0 : index
    %swap3A_14 = arith.constant 0 : index
    %swap3A_15 = vector.load %arg6[%swap3A, %swap3A_14] : memref<512x384xi32, #tpu.memory_space<vmem>>, vector<512x384xi32>
    tpu.vector_store %arg6[%swap3A, %swap3A_14], %reshape3A_13 {strides = array<i32>} : memref<512x384xi32, #tpu.memory_space<vmem>>, vector<512x384xi32>,
    %get3A_16 = arith.constant 0 : index
    %get3A_17 = arith.constant 0 : index
    %get3A_18 = vector.load %arg3[%get3A_16, %get3A_17] : memref<64x768xf32, #tpu.memory_space<vmem>>, vector<64x768xf32>
    %dot_general3A_19 = arith.constant dense<0.000000e+00> : vector<512x64xf32>
    %dot_general3A_20 = tpu.matmul %add3A_11, %get3A_18, %dot_general3A_19 {dimension_numbers = #tpu.dot_dimension_numbers<[1], [1], [0], [0], [0, 0, 1, 0], [], []>, transpose_lhs_hint = false} : vector<512x768xf32>, vector<64x768xf32>, vector<512x64xf32> -> vector<512x64xf32>
    %iota3A = tpu.iota {dimensions = array<i32: 1>} : vector<512x64xi32>
    %reduce_max3A = arith.constant dense<0xFF800000> : vector<512xf32>
    %reduce_max3A_21 = vector.multi_reduction <maximumf>, %dot_general3A_20, %reduce_max3A [1] : vector<512x64xf32> to vector<512xf32>
    %broadcast_in_dim3A = vector.shape_cast %reduce_max3A_21 : vector<512xf32> to vector<512x1xf32>
    %eq3A_22 = vector.broadcast %broadcast_in_dim3A : vector<512x1xf32> to vector<512x64xf32>
    %eq3A_23 = arith.cmpf oeq, %dot_general3A_20, %eq3A_22 : vector<512x64xf32>
    %jit3A = arith.constant 64 : i32
    %broadcast_in_dim3A_24 = vector.broadcast %jit3A : i32 to vector<512x64xi32>
    %select_n3A = arith.select %eq3A_23, %iota3A, %broadcast_in_dim3A_24 : vector<512x64xi1>, vector<512x64xi32>
    %reduce_min3A = arith.constant dense<2147483647> : vector<512xi32>
    %reduce_min3A_25 = vector.multi_reduction <minsi>, %select_n3A, %reduce_min3A [1] : vector<512x64xi32> to vector<512xi32>
    %broadcast_in_dim3A_26 = vector.shape_cast %reduce_min3A_25 : vector<512xi32> to vector<512x1xi32>
    %eq3A_27 = vector.broadcast %broadcast_in_dim3A_26 : vector<512x1xi32> to vector<512x64xi32>
    %eq3A_28 = arith.cmpi eq, %iota3A, %eq3A_27 : vector<512x64xi32>
    %jit3A_29 = arith.constant 0xFF800000 : f32
    %broadcast_in_dim3A_30 = vector.broadcast %jit3A_29 : f32 to vector<512x64xf32>
    %select_n3A_31 = arith.select %eq3A_28, %broadcast_in_dim3A_30, %dot_general3A_20 : vector<512x64xi1>, vector<512x64xf32>
    %reduce_max3A_32 = arith.constant dense<0xFF800000> : vector<512xf32>
    %reduce_max3A_33 = vector.multi_reduction <maximumf>, %select_n3A_31, %reduce_max3A_32 [1] : vector<512x64xf32> to vector<512xf32>
    %broadcast_in_dim3A_34 = vector.shape_cast %reduce_max3A_33 : vector<512xf32> to vector<512x1xf32>
    %eq3A_35 = vector.broadcast %broadcast_in_dim3A_34 : vector<512x1xf32> to vector<512x64xf32>
    %eq3A_36 = arith.cmpf oeq, %select_n3A_31, %eq3A_35 : vector<512x64xf32>
    %jit3A_37 = arith.constant 64 : i32
    %broadcast_in_dim3A_38 = vector.broadcast %jit3A_37 : i32 to vector<512x64xi32>
    %select_n3A_39 = arith.select %eq3A_36, %iota3A, %broadcast_in_dim3A_38 : vector<512x64xi1>, vector<512x64xi32>
    %reduce_min3A_40 = arith.constant dense<2147483647> : vector<512xi32>
    %reduce_min3A_41 = vector.multi_reduction <minsi>, %select_n3A_39, %reduce_min3A_40 [1] : vector<512x64xi32> to vector<512xi32>
    %broadcast_in_dim3A_42 = vector.shape_cast %reduce_min3A_41 : vector<512xi32> to vector<512x1xi32>
    %sub3A = arith.subf %broadcast_in_dim3A_34, %broadcast_in_dim3A : vector<512x1xf32>
    %exp3A = math.exp %sub3A : vector<512x1xf32>
    %add3A_43 = arith.constant 1.000000e+00 : f32
    %add3A_44 = vector.broadcast %add3A_43 : f32 to vector<512x1xf32>
    %add3A_45 = arith.addf %add3A_44, %exp3A : vector<512x1xf32>
    %add3A_46 = arith.constant 9.99999996E-13 : f32
    %add3A_47 = vector.broadcast %add3A_46 : f32 to vector<512x1xf32>
    %add3A_48 = arith.addf %add3A_45, %add3A_47 : vector<512x1xf32>
    %add3A_49 = arith.constant 1.000000e+00 : f32
    %add3A_50 = vector.broadcast %add3A_49 : f32 to vector<512x1xf32>
    %add3A_51 = arith.addf %add3A_50, %exp3A : vector<512x1xf32>
    %div3A = arith.divf %add3A_51, %add3A_48 : vector<512x1xf32>
    %mul3A = vector.broadcast %div3A : vector<512x1xf32> to vector<512x768xf32>
    %mul3A_52 = arith.mulf %add3A_11, %mul3A : vector<512x768xf32>
    %swap3A_53 = arith.constant 0 : index
    %swap3A_54 = arith.constant 0 : index
    %swap3A_55 = vector.load %arg7[%swap3A_53, %swap3A_54] : memref<512x768xf32, #tpu.memory_space<vmem>>, vector<512x768xf32>
    tpu.vector_store %arg7[%swap3A_53, %swap3A_54], %mul3A_52 {strides = array<i32>} : memref<512x768xf32, #tpu.memory_space<vmem>>, vector<512x768xf32>,
    %eq3A_56 = vector.broadcast %broadcast_in_dim3A_26 : vector<512x1xi32> to vector<512x64xi32>
    %eq3A_57 = arith.cmpi eq, %iota3A, %eq3A_56 : vector<512x64xi32>
    %convert_element_type3A_58 = arith.extui %eq3A_57 : vector<512x64xi1> to vector<512x64xi32>
    %convert_element_type3A_59 = arith.sitofp %convert_element_type3A_58 : vector<512x64xi32> to vector<512x64xf32>
    %eq3A_60 = vector.broadcast %broadcast_in_dim3A_42 : vector<512x1xi32> to vector<512x64xi32>
    %eq3A_61 = arith.cmpi eq, %iota3A, %eq3A_60 : vector<512x64xi32>
    %convert_element_type3A_62 = arith.extui %eq3A_61 : vector<512x64xi1> to vector<512x64xi32>
    %convert_element_type3A_63 = arith.sitofp %convert_element_type3A_62 : vector<512x64xi32> to vector<512x64xf32>
    %add3A_64 = arith.addf %convert_element_type3A_59, %convert_element_type3A_63 : vector<512x64xf32>
    %get3A_65 = arith.constant 0 : index
    %get3A_66 = arith.constant 0 : index
    %get3A_67 = vector.load %arg12[%get3A_65, %get3A_66] : memref<1x64xf32, #tpu.memory_space<vmem>>, vector<1x64xf32>
    %get3A_68 = arith.constant 0 : index
    %get3A_69 = arith.constant 0 : index
    %get3A_70 = vector.load %arg13[%get3A_68, %get3A_69] : memref<512x512xf32, #tpu.memory_space<vmem>>, vector<512x512xf32>
    %dot_general3A_71 = arith.constant dense<0.000000e+00> : vector<512x64xf32>
    %dot_general3A_72 = tpu.matmul %get3A_70, %add3A_64, %dot_general3A_71 {dimension_numbers = #tpu.dot_dimension_numbers<[1], [0], [0], [1], [0, 0, 1, 1], [], []>, transpose_lhs_hint = false} : vector<512x512xf32>, vector<512x64xf32>, vector<512x64xf32> -> vector<512x64xf32>
    %add3A_73 = vector.broadcast %get3A_67 : vector<1x64xf32> to vector<512x64xf32>
    %add3A_74 = arith.addf %dot_general3A_72, %add3A_73 : vector<512x64xf32>
    %reduce_sum3A = arith.constant dense<0.000000e+00> : vector<64xf32>
    %reduce_sum3A_75 = vector.multi_reduction <add>, %add3A_64, %reduce_sum3A [0] : vector<512x64xf32> to vector<64xf32>
    %broadcast_in_dim3A_76 = vector.shape_cast %reduce_sum3A_75 : vector<64xf32> to vector<1x64xf32>
    %add3A_77 = arith.addf %get3A_67, %broadcast_in_dim3A_76 : vector<1x64xf32>
    %swap3A_78 = arith.constant 0 : index
    %swap3A_79 = arith.constant 0 : index
    %swap3A_80 = vector.load %arg12[%swap3A_78, %swap3A_79] : memref<1x64xf32, #tpu.memory_space<vmem>>, vector<1x64xf32>
    tpu.vector_store %arg12[%swap3A_78, %swap3A_79], %add3A_77 {strides = array<i32>} : memref<1x64xf32, #tpu.memory_space<vmem>>, vector<1x64xf32>,
    %mul3A_81 = arith.mulf %convert_element_type3A_59, %add3A_74 : vector<512x64xf32>
    %reduce_sum3A_82 = arith.constant dense<0.000000e+00> : vector<512xf32>
    %reduce_sum3A_83 = vector.multi_reduction <add>, %mul3A_81, %reduce_sum3A_82 [1] : vector<512x64xf32> to vector<512xf32>
    %broadcast_in_dim3A_84 = vector.shape_cast %reduce_sum3A_83 : vector<512xf32> to vector<512x1xf32>
    %convert_element_type3A_85 = arith.fptosi %broadcast_in_dim3A_84 : vector<512x1xf32> to vector<512x1xi32>
    %mul3A_86 = arith.mulf %convert_element_type3A_63, %add3A_74 : vector<512x64xf32>
    %reduce_sum3A_87 = arith.constant dense<0.000000e+00> : vector<512xf32>
    %reduce_sum3A_88 = vector.multi_reduction <add>, %mul3A_86, %reduce_sum3A_87 [1] : vector<512x64xf32> to vector<512xf32>
    %broadcast_in_dim3A_89 = vector.shape_cast %reduce_sum3A_88 : vector<512xf32> to vector<512x1xf32>
    %convert_element_type3A_90 = arith.fptosi %broadcast_in_dim3A_89 : vector<512x1xf32> to vector<512x1xi32>
    %lt3A = arith.constant 320 : i32
    %lt3A_91 = vector.broadcast %lt3A : i32 to vector<512x1xi32>
    %lt3A_92 = arith.cmpi slt, %convert_element_type3A_85, %lt3A_91 : vector<512x1xi32>
    %mul3A_93 = arith.constant 320 : i32
    %mul3A_94 = vector.broadcast %mul3A_93 : i32 to vector<512x1xi32>
    %mul3A_95 = arith.muli %broadcast_in_dim3A_26, %mul3A_94 : vector<512x1xi32>
    %add3A_96 = arith.addi %mul3A_95, %convert_element_type3A_85 : vector<512x1xi32>
    %jit3A_97 = arith.constant 20480 : i32
    %broadcast_in_dim3A_98 = vector.broadcast %jit3A_97 : i32 to vector<512x1xi32>
    %select_n3A_99 = arith.select %lt3A_92, %add3A_96, %broadcast_in_dim3A_98 : vector<512x1xi1>, vector<512x1xi32>
    %swap3A_100 = arith.constant 0 : index
    %swap3A_101 = arith.constant 0 : index
    %swap3A_102 = vector.load %arg8[%swap3A_100, %swap3A_101] : memref<512x1xi32, #tpu.memory_space<vmem>>, vector<512x1xi32>
    tpu.vector_store %arg8[%swap3A_100, %swap3A_101], %select_n3A_99 {strides = array<i32>} : memref<512x1xi32, #tpu.memory_space<vmem>>, vector<512x1xi32>,
    %lt3A_103 = arith.constant 320 : i32
    %lt3A_104 = vector.broadcast %lt3A_103 : i32 to vector<512x1xi32>
    %lt3A_105 = arith.cmpi slt, %convert_element_type3A_90, %lt3A_104 : vector<512x1xi32>
    %mul3A_106 = arith.constant 320 : i32
    %mul3A_107 = vector.broadcast %mul3A_106 : i32 to vector<512x1xi32>
    %mul3A_108 = arith.muli %broadcast_in_dim3A_42, %mul3A_107 : vector<512x1xi32>
    %add3A_109 = arith.addi %mul3A_108, %convert_element_type3A_90 : vector<512x1xi32>
    %jit3A_110 = arith.constant 20480 : i32
    %broadcast_in_dim3A_111 = vector.broadcast %jit3A_110 : i32 to vector<512x1xi32>
    %select_n3A_112 = arith.select %lt3A_105, %add3A_109, %broadcast_in_dim3A_111 : vector<512x1xi1>, vector<512x1xi32>
    %swap3A_113 = arith.constant 0 : index
    %swap3A_114 = arith.constant 0 : index
    %swap3A_115 = vector.load %arg9[%swap3A_113, %swap3A_114] : memref<512x1xi32, #tpu.memory_space<vmem>>, vector<512x1xi32>
    tpu.vector_store %arg9[%swap3A_113, %swap3A_114], %select_n3A_112 {strides = array<i32>} : memref<512x1xi32, #tpu.memory_space<vmem>>, vector<512x1xi32>,
    %get3A_116 = arith.constant 0 : index
    %get3A_117 = arith.constant 0 : index
    %get3A_118 = vector.load %arg5[%get3A_116, %get3A_117] : memref<1x64xf32, #tpu.memory_space<vmem>>, vector<1x64xf32>
    %mul3A_119 = vector.broadcast %get3A_118 : vector<1x64xf32> to vector<512x64xf32>
    %mul3A_120 = arith.mulf %convert_element_type3A_59, %mul3A_119 : vector<512x64xf32>
    %reduce_sum3A_121 = arith.constant dense<0.000000e+00> : vector<512xf32>
    %reduce_sum3A_122 = vector.multi_reduction <add>, %mul3A_120, %reduce_sum3A_121 [1] : vector<512x64xf32> to vector<512xf32>
    %broadcast_in_dim3A_123 = vector.shape_cast %reduce_sum3A_122 : vector<512xf32> to vector<512x1xf32>
    %get3A_124 = arith.constant 0 : index
    %get3A_125 = arith.constant 0 : index
    %get3A_126 = vector.load %arg5[%get3A_124, %get3A_125] : memref<1x64xf32, #tpu.memory_space<vmem>>, vector<1x64xf32>
    %mul3A_127 = vector.broadcast %get3A_126 : vector<1x64xf32> to vector<512x64xf32>
    %mul3A_128 = arith.mulf %convert_element_type3A_63, %mul3A_127 : vector<512x64xf32>
    %reduce_sum3A_129 = arith.constant dense<0.000000e+00> : vector<512xf32>
    %reduce_sum3A_130 = vector.multi_reduction <add>, %mul3A_128, %reduce_sum3A_129 [1] : vector<512x64xf32> to vector<512xf32>
    %broadcast_in_dim3A_131 = vector.shape_cast %reduce_sum3A_130 : vector<512xf32> to vector<512x1xf32>
    %div3A_132 = arith.divf %broadcast_in_dim3A_123, %add3A_48 : vector<512x1xf32>
    %swap3A_133 = arith.constant 0 : index
    %swap3A_134 = arith.constant 0 : index
    %swap3A_135 = vector.load %arg10[%swap3A_133, %swap3A_134] : memref<512x1xf32, #tpu.memory_space<vmem>>, vector<512x1xf32>
    tpu.vector_store %arg10[%swap3A_133, %swap3A_134], %div3A_132 {strides = array<i32>} : memref<512x1xf32, #tpu.memory_space<vmem>>, vector<512x1xf32>,
    %div3A_136 = arith.divf %exp3A, %add3A_48 : vector<512x1xf32>
    %mul3A_137 = arith.mulf %div3A_136, %broadcast_in_dim3A_131 : vector<512x1xf32>
    %swap3A_138 = arith.constant 0 : index
    %swap3A_139 = arith.constant 0 : index
    %swap3A_140 = vector.load %arg11[%swap3A_138, %swap3A_139] : memref<512x1xf32, #tpu.memory_space<vmem>>, vector<512x1xf32>
    tpu.vector_store %arg11[%swap3A_138, %swap3A_139], %mul3A_137 {strides = array<i32>} : memref<512x1xf32, #tpu.memory_space<vmem>>, vector<512x1xf32>,
    return
  }
  func.func @transform_0(%arg0: i32) -> (i32, i32) {
    %c0_i32 = arith.constant 0 : i32
    %c0_i32_0 = arith.constant 0 : i32
    return %arg0, %c0_i32 : i32, i32
  }
  func.func @transform_1(%arg0: i32) -> (i32, i32) {
    %c0_i32 = arith.constant 0 : i32
    %c0_i32_0 = arith.constant 0 : i32
    %c0_i32_1 = arith.constant 0 : i32
    return %c0_i32, %c0_i32_0 : i32, i32
  }
  func.func @transform_2(%arg0: i32) -> (i32, i32) {
    %c0_i32 = arith.constant 0 : i32
    %c0_i32_0 = arith.constant 0 : i32
    %c0_i32_1 = arith.constant 0 : i32
    return %c0_i32, %c0_i32_0 : i32, i32
  }
  func.func @transform_3(%arg0: i32) -> (i32, i32) {
    %c0_i32 = arith.constant 0 : i32
    %c0_i32_0 = arith.constant 0 : i32
    %c0_i32_1 = arith.constant 0 : i32
    return %c0_i32, %c0_i32_0 : i32, i32
  }
  func.func @transform_4(%arg0: i32) -> (i32, i32) {
    %c0_i32 = arith.constant 0 : i32
    %c0_i32_0 = arith.constant 0 : i32
    %c0_i32_1 = arith.constant 0 : i32
    return %c0_i32, %c0_i32_0 : i32, i32
  }
  func.func @transform_5(%arg0: i32) -> (i32, i32) {
    %c0_i32 = arith.constant 0 : i32
    %c0_i32_0 = arith.constant 0 : i32
    return %arg0, %c0_i32 : i32, i32
  }
  func.func @transform_6(%arg0: i32) -> (i32, i32) {
    %c0_i32 = arith.constant 0 : i32
    %c0_i32_0 = arith.constant 0 : i32
    return %arg0, %c0_i32 : i32, i32
  }
  func.func @transform_7(%arg0: i32) -> (i32, i32) {
    %c0_i32 = arith.constant 0 : i32
    %c0_i32_0 = arith.constant 0 : i32
    return %arg0, %c0_i32 : i32, i32
  }
  func.func @transform_8(%arg0: i32) -> (i32, i32) {
    %c0_i32 = arith.constant 0 : i32
    %c0_i32_0 = arith.constant 0 : i32
    return %arg0, %c0_i32 : i32, i32
  }
  func.func @transform_9(%arg0: i32) -> (i32, i32) {
    %c0_i32 = arith.constant 0 : i32
    %c0_i32_0 = arith.constant 0 : i32
    return %arg0, %c0_i32 : i32, i32
  }
  func.func @transform_10(%arg0: i32) -> (i32, i32) {
    %c0_i32 = arith.constant 0 : i32
    %c0_i32_0 = arith.constant 0 : i32
    return %arg0, %c0_i32 : i32, i32
  }
}

module attributes {stable_mosaic.version = 14 : i64} {
  func.func @body(%arg0: i32, %arg1: memref<1280x384xi32, #tpu.memory_space<vmem>>, %arg2: memref<4x768x48xbf16, #tpu.memory_space<vmem>>, %arg3: memref<4x48x768xbf16, #tpu.memory_space<vmem>>, %arg4: memref<1x1280x1xf32, #tpu.memory_space<vmem>>, %arg5: memref<1280x768xf32, #tpu.memory_space<vmem>>) attributes {dimension_semantics = [#tpu.dimension_semantics<arbitrary>], iteration_bounds = array<i64: 17>, scalar_prefetch = 0 : i64, scratch_operands = 0 : i64, tpu.core_type = #tpu.core_type<tc>, window_params = [{transform_indices = @transform_0, window_bounds = array<i64: 1280, 384>}, {transform_indices = @transform_1, window_bounds = array<i64: 4, 768, 48>}, {transform_indices = @transform_2, window_bounds = array<i64: 4, 48, 768>}, {transform_indices = @transform_3, window_bounds = array<i64: 1, 1280, 1>}, {transform_indices = @transform_4, window_bounds = array<i64: 1280, 768>}]} {
    %get3A = arith.constant 0 : index
    %get3A_0 = arith.constant 0 : index
    %get3A_1 = vector.load %arg1[%get3A, %get3A_0] : memref<1280x384xi32, #tpu.memory_space<vmem>>, vector<1280x384xi32>
    %reshape3A = vector.shape_cast %get3A_1 : vector<1280x384xi32> to vector<1280x1x384xi32>
    %bitcast3A = tpu.bitcast %reshape3A : vector<1280x1x384xi32> -> vector<1280x2x384xbf16>
    %reshape3A_2 = vector.shape_cast %bitcast3A : vector<1280x2x384xbf16> to vector<1280x768xbf16>
    %slice3A = vector.extract_strided_slice %reshape3A_2 {offsets = [0, 0], sizes = [320, 768], strides = [1, 1]} : vector<1280x768xbf16> to vector<320x768xbf16>
    %get3A_3 = arith.constant 0 : index
    %get3A_4 = arith.constant 0 : index
    %get3A_5 = arith.constant 0 : index
    %get3A_6 = vector.load %arg2[%get3A_3, %get3A_4, %get3A_5] : memref<4x768x48xbf16, #tpu.memory_space<vmem>>, vector<1x768x48xbf16>
    %get3A_7 = vector.shape_cast %get3A_6 : vector<1x768x48xbf16> to vector<768x48xbf16>
    %dot_general3A = arith.constant dense<0.000000e+00> : vector<320x48xf32>
    %dot_general3A_8 = tpu.matmul %slice3A, %get3A_7, %dot_general3A {dimension_numbers = #tpu.dot_dimension_numbers<[1], [0], [0], [1], [0, 0, 1, 1], [], []>, transpose_lhs_hint = false} : vector<320x768xbf16>, vector<768x48xbf16>, vector<320x48xf32> -> vector<320x48xf32>
    %neg3A = arith.constant 0.000000e+00 : f32
    %neg3A_9 = vector.broadcast %neg3A : f32 to vector<320x48xf32>
    %neg3A_10 = arith.subf %neg3A_9, %dot_general3A_8 : vector<320x48xf32>
    %exp3A = math.exp %neg3A_10 : vector<320x48xf32>
    %add3A = arith.constant 1.000000e+00 : f32
    %add3A_11 = vector.broadcast %add3A : f32 to vector<320x48xf32>
    %add3A_12 = arith.addf %add3A_11, %exp3A : vector<320x48xf32>
    %div3A = arith.constant 1.000000e+00 : f32
    %div3A_13 = vector.broadcast %div3A : f32 to vector<320x48xf32>
    %div3A_14 = arith.divf %div3A_13, %add3A_12 : vector<320x48xf32>
    %mul3A = arith.mulf %dot_general3A_8, %div3A_14 : vector<320x48xf32>
    %convert_element_type3A = arith.truncf %mul3A : vector<320x48xf32> to vector<320x48xbf16>
    %get3A_15 = arith.constant 0 : index
    %get3A_16 = arith.constant 0 : index
    %get3A_17 = arith.constant 0 : index
    %get3A_18 = vector.load %arg3[%get3A_15, %get3A_16, %get3A_17] : memref<4x48x768xbf16, #tpu.memory_space<vmem>>, vector<1x48x768xbf16>
    %get3A_19 = vector.shape_cast %get3A_18 : vector<1x48x768xbf16> to vector<48x768xbf16>
    %dot_general3A_20 = arith.constant dense<0.000000e+00> : vector<320x768xf32>
    %dot_general3A_21 = tpu.matmul %convert_element_type3A, %get3A_19, %dot_general3A_20 {dimension_numbers = #tpu.dot_dimension_numbers<[1], [0], [0], [1], [0, 0, 1, 1], [], []>, transpose_lhs_hint = false} : vector<320x48xbf16>, vector<48x768xbf16>, vector<320x768xf32> -> vector<320x768xf32>
    %slice3A_22 = vector.extract_strided_slice %reshape3A_2 {offsets = [320, 0], sizes = [320, 768], strides = [1, 1]} : vector<1280x768xbf16> to vector<320x768xbf16>
    %get3A_23 = arith.constant 1 : index
    %get3A_24 = arith.constant 0 : index
    %get3A_25 = arith.constant 0 : index
    %get3A_26 = vector.load %arg2[%get3A_23, %get3A_24, %get3A_25] : memref<4x768x48xbf16, #tpu.memory_space<vmem>>, vector<1x768x48xbf16>
    %get3A_27 = vector.shape_cast %get3A_26 : vector<1x768x48xbf16> to vector<768x48xbf16>
    %dot_general3A_28 = arith.constant dense<0.000000e+00> : vector<320x48xf32>
    %dot_general3A_29 = tpu.matmul %slice3A_22, %get3A_27, %dot_general3A_28 {dimension_numbers = #tpu.dot_dimension_numbers<[1], [0], [0], [1], [0, 0, 1, 1], [], []>, transpose_lhs_hint = false} : vector<320x768xbf16>, vector<768x48xbf16>, vector<320x48xf32> -> vector<320x48xf32>
    %neg3A_30 = arith.constant 0.000000e+00 : f32
    %neg3A_31 = vector.broadcast %neg3A_30 : f32 to vector<320x48xf32>
    %neg3A_32 = arith.subf %neg3A_31, %dot_general3A_29 : vector<320x48xf32>
    %exp3A_33 = math.exp %neg3A_32 : vector<320x48xf32>
    %add3A_34 = arith.constant 1.000000e+00 : f32
    %add3A_35 = vector.broadcast %add3A_34 : f32 to vector<320x48xf32>
    %add3A_36 = arith.addf %add3A_35, %exp3A_33 : vector<320x48xf32>
    %div3A_37 = arith.constant 1.000000e+00 : f32
    %div3A_38 = vector.broadcast %div3A_37 : f32 to vector<320x48xf32>
    %div3A_39 = arith.divf %div3A_38, %add3A_36 : vector<320x48xf32>
    %mul3A_40 = arith.mulf %dot_general3A_29, %div3A_39 : vector<320x48xf32>
    %convert_element_type3A_41 = arith.truncf %mul3A_40 : vector<320x48xf32> to vector<320x48xbf16>
    %get3A_42 = arith.constant 1 : index
    %get3A_43 = arith.constant 0 : index
    %get3A_44 = arith.constant 0 : index
    %get3A_45 = vector.load %arg3[%get3A_42, %get3A_43, %get3A_44] : memref<4x48x768xbf16, #tpu.memory_space<vmem>>, vector<1x48x768xbf16>
    %get3A_46 = vector.shape_cast %get3A_45 : vector<1x48x768xbf16> to vector<48x768xbf16>
    %dot_general3A_47 = arith.constant dense<0.000000e+00> : vector<320x768xf32>
    %dot_general3A_48 = tpu.matmul %convert_element_type3A_41, %get3A_46, %dot_general3A_47 {dimension_numbers = #tpu.dot_dimension_numbers<[1], [0], [0], [1], [0, 0, 1, 1], [], []>, transpose_lhs_hint = false} : vector<320x48xbf16>, vector<48x768xbf16>, vector<320x768xf32> -> vector<320x768xf32>
    %slice3A_49 = vector.extract_strided_slice %reshape3A_2 {offsets = [640, 0], sizes = [320, 768], strides = [1, 1]} : vector<1280x768xbf16> to vector<320x768xbf16>
    %get3A_50 = arith.constant 2 : index
    %get3A_51 = arith.constant 0 : index
    %get3A_52 = arith.constant 0 : index
    %get3A_53 = vector.load %arg2[%get3A_50, %get3A_51, %get3A_52] : memref<4x768x48xbf16, #tpu.memory_space<vmem>>, vector<1x768x48xbf16>
    %get3A_54 = vector.shape_cast %get3A_53 : vector<1x768x48xbf16> to vector<768x48xbf16>
    %dot_general3A_55 = arith.constant dense<0.000000e+00> : vector<320x48xf32>
    %dot_general3A_56 = tpu.matmul %slice3A_49, %get3A_54, %dot_general3A_55 {dimension_numbers = #tpu.dot_dimension_numbers<[1], [0], [0], [1], [0, 0, 1, 1], [], []>, transpose_lhs_hint = false} : vector<320x768xbf16>, vector<768x48xbf16>, vector<320x48xf32> -> vector<320x48xf32>
    %neg3A_57 = arith.constant 0.000000e+00 : f32
    %neg3A_58 = vector.broadcast %neg3A_57 : f32 to vector<320x48xf32>
    %neg3A_59 = arith.subf %neg3A_58, %dot_general3A_56 : vector<320x48xf32>
    %exp3A_60 = math.exp %neg3A_59 : vector<320x48xf32>
    %add3A_61 = arith.constant 1.000000e+00 : f32
    %add3A_62 = vector.broadcast %add3A_61 : f32 to vector<320x48xf32>
    %add3A_63 = arith.addf %add3A_62, %exp3A_60 : vector<320x48xf32>
    %div3A_64 = arith.constant 1.000000e+00 : f32
    %div3A_65 = vector.broadcast %div3A_64 : f32 to vector<320x48xf32>
    %div3A_66 = arith.divf %div3A_65, %add3A_63 : vector<320x48xf32>
    %mul3A_67 = arith.mulf %dot_general3A_56, %div3A_66 : vector<320x48xf32>
    %convert_element_type3A_68 = arith.truncf %mul3A_67 : vector<320x48xf32> to vector<320x48xbf16>
    %get3A_69 = arith.constant 2 : index
    %get3A_70 = arith.constant 0 : index
    %get3A_71 = arith.constant 0 : index
    %get3A_72 = vector.load %arg3[%get3A_69, %get3A_70, %get3A_71] : memref<4x48x768xbf16, #tpu.memory_space<vmem>>, vector<1x48x768xbf16>
    %get3A_73 = vector.shape_cast %get3A_72 : vector<1x48x768xbf16> to vector<48x768xbf16>
    %dot_general3A_74 = arith.constant dense<0.000000e+00> : vector<320x768xf32>
    %dot_general3A_75 = tpu.matmul %convert_element_type3A_68, %get3A_73, %dot_general3A_74 {dimension_numbers = #tpu.dot_dimension_numbers<[1], [0], [0], [1], [0, 0, 1, 1], [], []>, transpose_lhs_hint = false} : vector<320x48xbf16>, vector<48x768xbf16>, vector<320x768xf32> -> vector<320x768xf32>
    %slice3A_76 = vector.extract_strided_slice %reshape3A_2 {offsets = [960, 0], sizes = [320, 768], strides = [1, 1]} : vector<1280x768xbf16> to vector<320x768xbf16>
    %get3A_77 = arith.constant 3 : index
    %get3A_78 = arith.constant 0 : index
    %get3A_79 = arith.constant 0 : index
    %get3A_80 = vector.load %arg2[%get3A_77, %get3A_78, %get3A_79] : memref<4x768x48xbf16, #tpu.memory_space<vmem>>, vector<1x768x48xbf16>
    %get3A_81 = vector.shape_cast %get3A_80 : vector<1x768x48xbf16> to vector<768x48xbf16>
    %dot_general3A_82 = arith.constant dense<0.000000e+00> : vector<320x48xf32>
    %dot_general3A_83 = tpu.matmul %slice3A_76, %get3A_81, %dot_general3A_82 {dimension_numbers = #tpu.dot_dimension_numbers<[1], [0], [0], [1], [0, 0, 1, 1], [], []>, transpose_lhs_hint = false} : vector<320x768xbf16>, vector<768x48xbf16>, vector<320x48xf32> -> vector<320x48xf32>
    %neg3A_84 = arith.constant 0.000000e+00 : f32
    %neg3A_85 = vector.broadcast %neg3A_84 : f32 to vector<320x48xf32>
    %neg3A_86 = arith.subf %neg3A_85, %dot_general3A_83 : vector<320x48xf32>
    %exp3A_87 = math.exp %neg3A_86 : vector<320x48xf32>
    %add3A_88 = arith.constant 1.000000e+00 : f32
    %add3A_89 = vector.broadcast %add3A_88 : f32 to vector<320x48xf32>
    %add3A_90 = arith.addf %add3A_89, %exp3A_87 : vector<320x48xf32>
    %div3A_91 = arith.constant 1.000000e+00 : f32
    %div3A_92 = vector.broadcast %div3A_91 : f32 to vector<320x48xf32>
    %div3A_93 = arith.divf %div3A_92, %add3A_90 : vector<320x48xf32>
    %mul3A_94 = arith.mulf %dot_general3A_83, %div3A_93 : vector<320x48xf32>
    %convert_element_type3A_95 = arith.truncf %mul3A_94 : vector<320x48xf32> to vector<320x48xbf16>
    %get3A_96 = arith.constant 3 : index
    %get3A_97 = arith.constant 0 : index
    %get3A_98 = arith.constant 0 : index
    %get3A_99 = vector.load %arg3[%get3A_96, %get3A_97, %get3A_98] : memref<4x48x768xbf16, #tpu.memory_space<vmem>>, vector<1x48x768xbf16>
    %get3A_100 = vector.shape_cast %get3A_99 : vector<1x48x768xbf16> to vector<48x768xbf16>
    %dot_general3A_101 = arith.constant dense<0.000000e+00> : vector<320x768xf32>
    %dot_general3A_102 = tpu.matmul %convert_element_type3A_95, %get3A_100, %dot_general3A_101 {dimension_numbers = #tpu.dot_dimension_numbers<[1], [0], [0], [1], [0, 0, 1, 1], [], []>, transpose_lhs_hint = false} : vector<320x48xbf16>, vector<48x768xbf16>, vector<320x768xf32> -> vector<320x768xf32>
    %concatenate3A = tpu.concatenate %dot_general3A_21, %dot_general3A_48, %dot_general3A_75, %dot_general3A_102 in 0 : vector<320x768xf32>, vector<320x768xf32>, vector<320x768xf32>, vector<320x768xf32> -> vector<1280x768xf32>
    %get3A_103 = arith.constant 0 : index
    %get3A_104 = arith.constant 0 : index
    %get3A_105 = arith.constant 0 : index
    %get3A_106 = vector.load %arg4[%get3A_103, %get3A_104, %get3A_105] : memref<1x1280x1xf32, #tpu.memory_space<vmem>>, vector<1x1280x1xf32>
    %get3A_107 = vector.shape_cast %get3A_106 : vector<1x1280x1xf32> to vector<1280x1xf32>
    %mul3A_108 = vector.broadcast %get3A_107 : vector<1280x1xf32> to vector<1280x768xf32>
    %mul3A_109 = arith.mulf %concatenate3A, %mul3A_108 : vector<1280x768xf32>
    %eq3A = arith.constant 16 : i32
    %eq3A_110 = arith.cmpi eq, %arg0, %eq3A : i32
    %jit3A = arith.constant 0.000000e+00 : f32
    %broadcast_in_dim3A = vector.broadcast %jit3A : f32 to vector<1280x768xf32>
    %select_n3A = arith.select %eq3A_110, %broadcast_in_dim3A, %mul3A_109 : vector<1280x768xf32>
    %swap3A = arith.constant 0 : index
    %swap3A_111 = arith.constant 0 : index
    %swap3A_112 = vector.load %arg5[%swap3A, %swap3A_111] : memref<1280x768xf32, #tpu.memory_space<vmem>>, vector<1280x768xf32>
    tpu.vector_store %arg5[%swap3A, %swap3A_111], %select_n3A {strides = array<i32>} : memref<1280x768xf32, #tpu.memory_space<vmem>>, vector<1280x768xf32>,
    return
  }
  func.func @transform_0(%arg0: i32) -> (i32, i32) {
    %c0_i32 = arith.constant 0 : i32
    %c0_i32_0 = arith.constant 0 : i32
    return %arg0, %c0_i32 : i32, i32
  }
  func.func @transform_1(%arg0: i32) -> (i32, i32, i32) {
    %min3A = arith.constant 15 : i32
    %min3A_0 = arith.minsi %arg0, %min3A : i32
    %c0_i32 = arith.constant 0 : i32
    %c0_i32_1 = arith.constant 0 : i32
    %c0_i32_2 = arith.constant 0 : i32
    return %min3A_0, %c0_i32, %c0_i32_1 : i32, i32, i32
  }
  func.func @transform_2(%arg0: i32) -> (i32, i32, i32) {
    %min3A = arith.constant 15 : i32
    %min3A_0 = arith.minsi %arg0, %min3A : i32
    %c0_i32 = arith.constant 0 : i32
    %c0_i32_1 = arith.constant 0 : i32
    %c0_i32_2 = arith.constant 0 : i32
    return %min3A_0, %c0_i32, %c0_i32_1 : i32, i32, i32
  }
  func.func @transform_3(%arg0: i32) -> (i32, i32, i32) {
    %c0_i32 = arith.constant 0 : i32
    %c0_i32_0 = arith.constant 0 : i32
    %c0_i32_1 = arith.constant 0 : i32
    return %arg0, %c0_i32, %c0_i32_0 : i32, i32, i32
  }
  func.func @transform_4(%arg0: i32) -> (i32, i32) {
    %c0_i32 = arith.constant 0 : i32
    %c0_i32_0 = arith.constant 0 : i32
    return %arg0, %c0_i32 : i32, i32
  }
}

</mosaic_0001>

<sc_bundles>
// kernel: kernel.6.cloned.1.call-start
scs
__scs_entry_jumppad:
0x0: {  	(pc) =	sbr.rel $0x88, $3  }
0x1: {  	(tag) =	ssettag $0x0;
	lr =	simm.s32 $0x1  }
0x2: {  	[smem:$0x3F9A] =	sst lr;
	_ =	strace $0xD0000000  }
0x3: {  	_ = 	snop  }
0x4: {  	_ = 	snop  }
0x5: {  	_ = 	snop  }
0x6: {  	_ = 	snop  }
0x7: {  	_ = 	snop  }
__scs_overlays_trampoline_lowered:
0x8: {  	[smem:$0x3FA9] =	sst s0  }
0x9: {  	[smem:$0x3FAA] =	sst s1  }
0xa: {  	[smem:$0x3FAB] =	sst s2  }
0xb: {  	[smem:$0x3FAC] =	sst s3  }
0xc: {  	[smem:$0x3FAD] =	sst s4  }
0xd: {  	[smem:$0x3FAE] =	sst s5  }
0xe: {  	[smem:$0x3FAF] =	sst s6  }
0xf: {  	[smem:$0x3FB0] =	sst s7  }
0x10: {  	[smem:$0x3FB1] =	sst s8  }
0x11: {  	[smem:$0x3FB2] =	sst s9;
	s0 =	simm.s32 @!p0 $0x0  }
0x12: {  	s1 =	sld [smem:$0x3F98];
	s0 =	simm.s32 @p0 $0x1  }
0x13: {  	[smem:$0x3FB3] =	sst s0;
	s0 =	simm.s32 @!p1 $0x0  }
0x14: {  	s2 =	sld [smem:$0x3F97];
	s0 =	simm.s32 @p1 $0x1  }
0x15: {  	[smem:$0x3FB4] =	sst s0;
	s0 =	simm.s32 @!p2 $0x0  }
0x16: {  	s3 =	sld [smem:$0x3FDB];
	s0 =	simm.s32 @p2 $0x1  }
0x17: {  	s4 =	simm.s32 $0x1BF5;
	[smem:$0x3FB6] =	sst s0  }
0x18: {  	s0 =	sld [smem:$0x3F99];
	_ =	swait.ge [sflag:s4], $0x0  }
0x19: {  	s7 =	sld [smem:$0x3F9A]  }
0x1a: {  	s8 =	sadd.s32 $0xFFFFE003, lr  }
0x1b: {  	s9 =	sadd.s32 $0xFFFFFEF7, lr;
	s5 =	simm.s32 $0xFFFFFFFF;
	p2 =	slt.u32 s8, $0xFFFFF086  }
0x1c: {  	p1 =	slt.u32 s9, $0xF7A;
	s5 =	simm.s32 @!p2 $0x0  }
0x1d: {  	s5 =	simm.s32 @p1 $0x1;
	p0 =	seq.s32 s7, s2  }
0x1e: {  	s7 =	smul.u32 @!p0 $0xF7A, s2;
	p2 =	seq.s32 @!p0 s5, $0x0  }
0x1f: {  	s9 =	smul.u32 $0xF7A, s1;
	s8 =	simm.s32 @!p0 $0x1BF5;
	p2 =	por !p2, p0  }
0x20: {  	[sflag:s8] =	ssyncset.s32 @!p0 $0xFFFFF086;
	s6 =	sadd.s32 @!p0 s3, s7;
	s7 =	simm.s32 @!p0 $0x108  }
0x21: {  	s3 =	sadd.s32 s3, s9;
	s6 =	sadd.s32 @!p0 $0x88, s6;
	s7 =	simm.s32 @p2 $0x1082  }
0x22: {  	[simem:s7], [sflag:s8] =	dma.local @!p0 [hbm:s6], $0xF7A  }
0x23: {  	s9 =	sor.u32 $0xD0000000, s2;
	s6 =	simm.s32 $0x108;
	_ =	swait.ge @!p0 [sflag:s8], $0x0  }
0x24: {  	s3 =	sadd.s32 $0x88, s3;
	s6 =	simm.s32 @!p1 $0x1082;
	[sflag:s4] =	ssyncset.s32 $0xFFFFF086  }
0x25: {  	[simem:s6], [sflag:s4] =	dma.local [hbm:s3], $0xF7A  }
0x26: {  	[smem:$0x3F9A] =	sst s1;
	(tag) =	ssettag s2;
	_ =	strace s9  }
0x27: {  	s1 =	sld [smem:$0x3FAA]  }
0x28: {  	s2 =	sld [smem:$0x3FAB]  }
0x29: {  	s4 =	sld [smem:$0x3FAD]  }
0x2a: {  	p0 =	seq.s32 s5, $0x0;
	s5 =	sld [smem:$0x3FAE]  }
0x2b: {  	s6 =	sld [smem:$0x3FAF]  }
0x2c: {  	s7 =	sld [smem:$0x3FB0]  }
0x2d: {  	s3 =	simm.s32 $0x108;
	s8 =	sld [smem:$0x3FB1]  }
0x2e: {  	s3 =	simm.s32 @!p0 $0x1082;
	s9 =	sld [smem:$0x3FB2]  }
0x2f: {  	lr =	sadd.s32 s0, s3;
	s0 =	sld [smem:$0x3FA9]  }
0x30: {  	s3 =	sld [smem:$0x3FAC]  }
0x31: {  	[smem:$0x3FB5] =	sst s10  }
0x32: {  	s10 =	sld [smem:$0x3FB3];
	_ =	sdelay $0x3  }
0x33: {  	p0 =	seq.s32 s10, $0x1;
	s10 =	sld [smem:$0x3FB5];
	_ =	sdelay $0x3  }
0x34: {  	[smem:$0x3FB5] =	sst s10  }
0x35: {  	s10 =	sld [smem:$0x3FB4];
	_ =	sdelay $0x3  }
0x36: {  	p1 =	seq.s32 s10, $0x1;
	s10 =	sld [smem:$0x3FB5];
	_ =	sdelay $0x3  }
0x37: {  	[smem:$0x3FB5] =	sst s10  }
0x38: {  	s10 =	sld [smem:$0x3FB6]  }
0x39: {  	_ = 	snop;
	(pc) =	sbr.ind lr, $3  }
0x3a: {  	_ = 	snop  }
0x3b: {  	_ = 	snop  }
0x3c: {  	p2 =	seq.s32 s10, $0x1;
	s10 =	sld [smem:$0x3FB5]  }
0x3d: {  	_ =	shalt  }
0x3e: {  	_ =	shalt  }
0x3f: {  	_ =	shalt  }
0x40: {  	_ =	shalt  }
0x41: {  	_ =	shalt  }
0x42: {  	_ =	shalt  }
0x43: {  	_ =	shalt  }
0x44: {  	_ =	shalt  }
0x45: {  	_ =	shalt  }
0x46: {  	_ =	shalt  }
0x47: {  	_ =	shalt  }
0x48: {  	_ =	shalt  }
0x49: {  	_ =	shalt  }
0x4a: {  	_ =	shalt  }
0x4b: {  	_ =	shalt  }
0x4c: {  	_ =	shalt  }
0x4d: {  	_ =	shalt  }
0x4e: {  	_ =	shalt  }
0x4f: {  	_ =	shalt  }
0x50: {  	_ =	shalt  }
0x51: {  	_ =	shalt  }
0x52: {  	_ =	shalt  }
0x53: {  	_ =	shalt  }
0x54: {  	_ =	shalt  }
0x55: {  	_ =	shalt  }
0x56: {  	_ =	shalt  }
0x57: {  	_ =	shalt  }
0x58: {  	_ =	shalt  }
0x59: {  	_ =	shalt  }
0x5a: {  	_ =	shalt  }
0x5b: {  	_ =	shalt  }
0x5c: {  	_ =	shalt  }
0x5d: {  	_ =	shalt  }
0x5e: {  	_ =	shalt  }
0x5f: {  	_ =	shalt  }
0x60: {  	_ =	shalt  }
0x61: {  	_ =	shalt  }
0x62: {  	_ =	shalt  }
0x63: {  	_ =	shalt  }
0x64: {  	_ =	shalt  }
0x65: {  	_ =	shalt  }
0x66: {  	_ =	shalt  }
0x67: {  	_ =	shalt  }
0x68: {  	_ =	shalt  }
0x69: {  	_ =	shalt  }
0x6a: {  	_ =	shalt  }
0x6b: {  	_ =	shalt  }
0x6c: {  	_ =	shalt  }
0x6d: {  	_ =	shalt  }
0x6e: {  	_ =	shalt  }
0x6f: {  	_ =	shalt  }
0x70: {  	_ =	shalt  }
0x71: {  	_ =	shalt  }
0x72: {  	_ =	shalt  }
0x73: {  	_ =	shalt  }
0x74: {  	_ =	shalt  }
0x75: {  	_ =	shalt  }
0x76: {  	_ =	shalt  }
0x77: {  	_ =	shalt  }
0x78: {  	_ =	shalt  }
0x79: {  	_ =	shalt  }
0x7a: {  	_ =	shalt  }
0x7b: {  	_ =	shalt  }
0x7c: {  	_ =	shalt  }
0x7d: {  	_ =	shalt  }
0x7e: {  	_ =	shalt  }
0x7f: {  	_ =	shalt  }
0x80: {  	_ =	shalt  }
0x81: {  	_ =	shalt  }
0x82: {  	_ =	shalt  }
0x83: {  	_ =	shalt  }
0x84: {  	_ =	shalt  }
0x85: {  	_ =	shalt  }
0x86: {  	_ =	shalt  }
0x87: {  	_ =	shalt  }
.Lfunc_end0:
.L_simem_size_0:
called_computation_lowered:
.L_overlay_start_0:
0x88: {  	s2 =	sld [smem:$0x3FD9]  }
0x89: {  	s3 =	sld [smem:$0x3FFE];
	_ =	sdelay $0x1  }
0x8a: {  	s1 =	srdreg.scid  }
0x8b: {  	s0 =	sand.u32 $0x1, s1  }
0x8c: {  	s17 =	sshll.u32 s0, $0xA;
	s2 =	sadd.s32 s3, s2  }
0x8d: {  	s2 =	sadd.s32 s2, s17  }
0x8e: {  	[smem:$0x3FC1] =	sst s2  }
0x8f: {  	_ = 	snop  }
0x90: {  	s2 =	sld [smem:$0x3FD0];
	(tm) =	ssettm $0x1  }
0x91: {  	s18 =	sld [smem:$0x3FFB];
	_ =	sdelay $0x3  }
0x92: {  	_ =	strace s18  }
0x93: {  	s3 =	sld [smem:$0x3FFC];
	_ =	sdelay $0x3  }
0x94: {  	_ =	strace s3  }
0x95: {  	s3 =	sld [smem:$0x3FFD];
	_ =	sdelay $0x3  }
0x96: {  	_ =	strace s3  }
0x97: {  	_ =	strace $0x8FFFFFFF  }
0x98: {  	s19 =	sld [smem:$0x3FDB];
	_ =	sdelay $0x1  }
0x99: {  	s4 =	simm.s32 $_scs_section_size  }
0x9a: {  	s5 =	simm.s32 $_size__tile_overlayer_lowered;
	s6 =	simm.s32 $_tile_overlayer_lowered  }
0x9b: {  	s22 =	simm.s32 $0x1BFF;
	s21 =	sshll.u32 s6, $0x1;
	s3 =	sadd.s32 s4, s19  }
0x9c: {  	s7 =	simm.s32 $0x0;
	s20 =	sshll.u32 s5, $0x1;
	s5 =	sadd.s32 s21, s3  }
0x9d: {  	[timem:s7], [sflag:s22] =	dma.local [hbm:s5], s20  }
0x9e: {  	_ =	swait.ge [sflag:s22], s20  }
0x9f: {  	s4 =	ssub.s32 $0x0, s20;
	[sflag:s22] =	ssyncset.done $0x0  }
0xa0: {  	[sflag:s22] =	ssyncadd.s32 s4;
	_ =	sdelay $0x1  }
0xa1: {  	s23 =	simm.s32 $0x1B8B  }
0xa2: {  	_ =	swait.ge [sflag:s23], $0x1  }
0xa3: {  	[sflag:s23] =	ssyncset.done $0x0  }
0xa4: {  	s25 =	simm.s32 $0x1B8E;
	s24 =	sld [smem:$0x3FFE];
	[sflag:s23] =	ssyncadd.s32 $0xFFFFFFFF  }
0xa5: {  	s26 =	simm.s32 $execute0_lowered;
	[smem:$0x3FD2] =	sst s25  }
0xa6: {  	s5 =	sshll.u32 s26, $0x1;
	_ =	strace $0x80000046;
	[dreg:$0x1] =	wrdreg $0xFFFFFFFF  }
0xa7: {  	s28 =	simm.s32 $_size_execute0_lowered;
	s3 =	sadd.s32 s3, s5;
	[dreg:$0x0] =	wrdreg $0x0  }
0xa8: {  	s5 =	sshll.u32 s28, $0x1;
	[dreg:$0x2] =	wrdreg s3  }
0xa9: {  	[dreg:$0x3] =	wrdreg s5  }
0xaa: {  	[dreg:$0x4] =	wrdreg $0xC0  }
0xab: {  	_ =	task [dreg:s7], $0x5FFFF  }
0xac: {  	[dreg:$0x1] =	wrdreg $0xFFFFFFFF  }
0xad: {  	[dreg:$0x0] =	wrdreg $0x60  }
0xae: {  	[dreg:$0x2] =	wrdreg s24  }
0xaf: {  	[dreg:$0x3] =	wrdreg s2  }
0xb0: {  	[dreg:$0x4] =	wrdreg $0x9  }
0xb1: {  	_ =	task.clear_ibuf [dreg:s7], $0x5FFFF;
	_ =	strace $0x90000046  }
0xb2: {  	s29 =	simm.s32 $0x9;
	_ =	strace $0x80000048  }
0xb3: {  	_ =	swait.ge [sflag:s29], $0x1  }
0xb4: {  	[sflag:s29] =	ssyncadd.s32 $0xFFFFFFFF  }
0xb5: {  	_ =	strace $0x90000048  }
0xb6: {  	_ =	sfence  }
0xb7: {  	s30 =	sld [smem:$0x0];
	_ =	sdelay $0x2  }
0xb8: {  	s31 =	sshll.u32 s1, $0xD;
	s1 =	sshrl.u32 s1, $0x2  }
0xb9: {  	s3 =	sand.u32 $0x4000, s31;
	s1 =	sadd.s32 s1, s30  }
0xba: {  	s0 =	sor.u32 s3, s0;
	s1 =	sshll.u32 s1, $0x11  }
0xbb: {  	s0 =	sor.u32 s1, s0  }
0xbc: {  	s0 =	sadd.s32 $0x8F2B, s0  }
0xbd: {  	[sflag:s0] =	ssyncadd.remote.s32 $0x1  }
0xbe: {  	_ =	sfence.sel $0xFFFF  }
0xbf: {  	[dreg:$0x0] =	wrdreg $0xFFFFFFFF;
	(pc) =	sbr.abs _section_cstart, $3  }
0xc0: {  	[dreg:$0x1] =	wrdreg $0xFFFFFFFF  }
0xc1: {  	_ =	task.clear_ibuf [dreg:s7], $0x2FFFF;
	_ =	strace $0x9FFFFFFF  }
0xc2: {  	(tm) =	ssettm $0x7FFFFFFF  }
0xc3: {  	_ =	shalt  }
tec
execute0_lowered:
.L_overlay_start_1:
0x0: {  	(tag) =	ssettag $0x1  }
0x1: {  	s0 =	rddreg [dreg:$0x0]  }
0x2: {  	s1 =	rddreg [dreg:$0x1];
	s3 =	srdreg.scid  }
0x3: {  	s2 =	simm.s32 $0x0;
	s4 =	stileid.u32;
	s16 =	simm.s32 $0x1  }
0x4: {  	s5 =	sand.u32 $0x1, s3;
	[smem:$0x7FF] =	sst s2;
	s19 =	sshll.u32 s4, $0x6  }
0x5: {  	s6 =	sadd.s32 $0xC1600, s0;
	s7 =	sadd.s32 $0xC1A00, s0;
	s20 =	sshll.u32 s5, $0x5  }
0x6: {  	s8 =	sadd.s32 $0xC1E00, s0;
	s25 =	sadd.s32 $0xC2600, s0;
	s4 =	sor.u32 s20, s19  }
0x7: {  	_ =	strace $0x80000047;
	[dreg:$0xd] =	wrdreg s25;
	s3 =	sadd.s32 s6, s4  }
0x8: {  	s9 =	sadd.s32 $0xC2200, s0;
	s21 =	sadd.s32 s7, s4;
	[dreg:$0x3] =	wrdreg s3  }
0x9: {  	s5 =	ssub.s32 $0x2, s5;
	s10 =	sadd.s32 s8, s4;
	[dreg:$0x4] =	wrdreg s21  }
0xa: {  	s22 =	sadd.s32 s9, s4;
	s24 =	sor.u32 $0x10, s4;
	[dreg:$0x5] =	wrdreg s10  }
0xb: {  	s30 =	sshrl.u32 s5, $0x1;
	[dreg:$0x6] =	wrdreg s22;
	s6 =	sadd.s32 s6, s24  }
0xc: {  	s11 =	smul.u32 $0x180, s4;
	s26 =	sadd.s32 s7, s24;
	[dreg:$0x8] =	wrdreg s6  }
0xd: {  	s3 =	sadd.s32 $0xC3200, s0;
	s28 =	sadd.s32 s8, s24;
	[dreg:$0x9] =	wrdreg s26  }
0xe: {  	s29 =	smul.u32 $0x180, s24;
	s31 =	sadd.s32 s9, s24;
	[dreg:$0xa] =	wrdreg s28  }
0xf: {  	v2 =	vlaneseq.u32;
	s8 =	ssub.s32 s5, s30;
	s23 =	sadd.s32 s1, s11;
	[dreg:$0xb] =	wrdreg s31  }
0x10: {  	vm0 =	vmmov $0xffff;
	vm1 =	vmmov $0xff;
	v1 =	vshrl.u32 v2, $0x3;
	s5 =	sadd.s32 $0xC3300, s0;
	[dreg:$0x7] =	wrdreg s23;
	s1 =	sadd.s32 s1, s29  }
0x11: {  	v0 =	vand.u32 $0x7, v2;
	v2 =	vor.u32 $0x8, v2;
	v1 =	vmul.u32 $0x8, v1;
	s6 =	smax.u32 s8, $0x1;
	s26 =	simm.s32 $0x2;
	[dreg:$0xc] =	wrdreg s1  }
.LBB2_1:
0x12: {  	s17 =	rddreg [dreg:$0x3]  }
0x13: {  	[tilespmem:s2], [sflag:$0x1] =	stream.linear.gather [hbm4b:s17+s2], $0x80, $0x38;
	[tilespmem:$0x18400] =	vst v63  }
0x14: {  	s18 =	rddreg [dreg:$0x4];
	s0 =	simm.s32 $0x80  }
0x15: {  	[tilespmem:s0], [sflag:$0x1] =	stream.linear.gather [hbm4b:s18+s2], $0x80, $0x38;
	[tilespmem:$0x18400] =	vst v63  }
0x16: {  	s1 =	rddreg [dreg:$0x5];
	s7 =	simm.s32 $0x200  }
0x17: {  	[tilespmem:s7], [sflag:$0x1] =	stream.linear.gather [hbm4b:s1+s2], $0x80, $0x38;
	[tilespmem:$0x18400] =	vst v63  }
0x18: {  	s4 =	rddreg [dreg:$0x6];
	s9 =	simm.s32 $0x280  }
0x19: {  	[tilespmem:s9], [sflag:$0x1] =	stream.linear.gather [hbm4b:s4+s2], $0x80, $0x38;
	[tilespmem:$0x18400] =	vst v63  }
0x1a: {  	s8 =	rddreg [dreg:$0x7];
	s15 =	simm.s32 $0x400  }
0x1b: {  	[tilespmem:s15], [sflag:$0x1] =	stream.linear.gather [hbm4b:s8+s2], $0xC000, $0x38;
	[tilespmem:$0x18400] =	vst v63  }
0x1c: {  	s10 =	rddreg [dreg:$0x8];
	s12 =	simm.s32 $0x100  }
0x1d: {  	[tilespmem:s12], [sflag:$0x2] =	stream.linear.gather [hbm4b:s10+s2], $0x80, $0x38;
	[tilespmem:$0x18400] =	vst v63  }
0x1e: {  	s11 =	rddreg [dreg:$0x9];
	s14 =	simm.s32 $0x180  }
0x1f: {  	[tilespmem:s14], [sflag:$0x2] =	stream.linear.gather [hbm4b:s11+s2], $0x80, $0x38;
	[tilespmem:$0x18400] =	vst v63  }
0x20: {  	s13 =	rddreg [dreg:$0xa];
	s20 =	simm.s32 $0x300  }
0x21: {  	[tilespmem:s20], [sflag:$0x2] =	stream.linear.gather [hbm4b:s13+s2], $0x80, $0x38;
	[tilespmem:$0x18400] =	vst v63  }
0x22: {  	s19 =	rddreg [dreg:$0xb];
	s22 =	simm.s32 $0x380  }
0x23: {  	[tilespmem:s22], [sflag:$0x2] =	stream.linear.gather [hbm4b:s19+s2], $0x80, $0x38;
	[tilespmem:$0x18400] =	vst v63  }
0x24: {  	s21 =	rddreg [dreg:$0xc];
	s23 =	simm.s32 $0xC400  }
0x25: {  	[tilespmem:s23], [sflag:$0x2] =	stream.linear.gather [hbm4b:s21+s2], $0xC000, $0x38;
	[tilespmem:$0x18400] =	vst v63  }
0x26: {  	_ =	swait.ge [sflag:s16], $0x80  }
0x27: {  	[sflag:s16] =	ssyncset.done $0x0  }
0x28: {  	[sflag:s16] =	ssyncadd.s32 $0xFFFFFF80  }
0x29: {  	_ =	swait.ge [sflag:s16], $0x80  }
0x2a: {  	[sflag:s16] =	ssyncset.done $0x0  }
0x2b: {  	[sflag:s16] =	ssyncadd.s32 $0xFFFFFF80  }
0x2c: {  	_ =	swait.ge [sflag:s16], $0x80  }
0x2d: {  	[sflag:s16] =	ssyncset.done $0x0  }
0x2e: {  	[sflag:s16] =	ssyncadd.s32 $0xFFFFFF80  }
0x2f: {  	_ =	swait.ge [sflag:s16], $0x80  }
0x30: {  	[sflag:s16] =	ssyncset.done $0x0  }
0x31: {  	[sflag:s16] =	ssyncadd.s32 $0xFFFFFF80  }
0x32: {  	_ =	swait.ge [sflag:s16], $0xC000  }
0x33: {  	[sflag:s16] =	ssyncset.done $0x0  }
0x34: {  	[sflag:s16] =	ssyncadd.s32 $0xFFFF4000  }
0x35: {  	v3 =	vld [tilespmem:$0x0];
	_ =	sdelay $0x4  }
0x36: {  	v4 =	vshrl.u32 v3, $0x3  }
0x37: {  	v4 =	vmul.u32 $0x18, v4  }
0x38: {  	v3 =	vand.u32 $0x7, v3  }
0x39: {  	v3 =	vor.u32 v3, v4  }
0x3a: {  	v4 =	vperm.xlane v3, v0;
	_ =	sdelay $0x1  }
0x3b: {  	v4 =	vadd.s32 v1, v4;
	_ =	sdelay $0x1  }
0x3c: {  	v3 =	vperm.xlane v3, v2;
	_ =	sdelay $0x1  }
0x3d: {  	v3 =	vadd.s32 v1, v3  }
0x3e: {  	[hbm4b:s3+s2] =	stream.indirect_vreg.scatter [tilespmem:s15], [sflag:$0x3], $0x80, v4, vm0, $0xb8;
	[tilespmem:$0x18400] =	vst v63  }
0x3f: {  	s17 =	simm.s32 $0xC00  }
0x40: {  	[hbm4b:s5+s2] =	stream.indirect_vreg.scatter [tilespmem:s17], [sflag:$0x3], $0x80, v4, vm1, $0xb8;
	[tilespmem:$0x18400] =	vst v63  }
0x41: {  	s18 =	simm.s32 $0x1000  }
0x42: {  	[hbm4b:s3+s2] =	stream.indirect_vreg.scatter [tilespmem:s18], [sflag:$0x3], $0x80, v3, vm0, $0xb8;
	[tilespmem:$0x18400] =	vst v63  }
0x43: {  	s25 =	simm.s32 $0x1800  }
0x44: {  	[hbm4b:s5+s2] =	stream.indirect_vreg.scatter [tilespmem:s25], [sflag:$0x3], $0x80, v3, vm1, $0xb8;
	[tilespmem:$0x18400] =	vst v63  }
0x45: {  	v3 =	vld [tilespmem:$0x10];
	_ =	sdelay $0x4  }
0x46: {  	v33 =	vshrl.u32 v3, $0x3  }
0x47: {  	v4 =	vmul.u32 $0x18, v33  }
0x48: {  	v3 =	vand.u32 $0x7, v3  }
0x49: {  	v3 =	vor.u32 v3, v4  }
0x4a: {  	v4 =	vperm.xlane v3, v0;
	_ =	sdelay $0x1  }
0x4b: {  	v4 =	vadd.s32 v1, v4;
	_ =	sdelay $0x1  }
0x4c: {  	v3 =	vperm.xlane v3, v2;
	_ =	sdelay $0x1  }
0x4d: {  	s28 =	simm.s32 $0x1C00;
	v3 =	vadd.s32 v1, v3  }
0x4e: {  	[hbm4b:s3+s2] =	stream.indirect_vreg.scatter [tilespmem:s28], [sflag:$0x3], $0x80, v4, vm0, $0xb8;
	[tilespmem:$0x18400] =	vst v63  }
0x4f: {  	s29 =	simm.s32 $0x2400  }
0x50: {  	[hbm4b:s5+s2] =	stream.indirect_vreg.scatter [tilespmem:s29], [sflag:$0x3], $0x80, v4, vm1, $0xb8;
	[tilespmem:$0x18400] =	vst v63  }
0x51: {  	s30 =	simm.s32 $0x2800  }
0x52: {  	[hbm4b:s3+s2] =	stream.indirect_vreg.scatter [tilespmem:s30], [sflag:$0x3], $0x80, v3, vm0, $0xb8;
	[tilespmem:$0x18400] =	vst v63  }
0x53: {  	s31 =	simm.s32 $0x3000  }
0x54: {  	[hbm4b:s5+s2] =	stream.indirect_vreg.scatter [tilespmem:s31], [sflag:$0x3], $0x80, v3, vm1, $0xb8;
	[tilespmem:$0x18400] =	vst v63  }
0x55: {  	v3 =	vld [tilespmem:$0x20];
	_ =	sdelay $0x4  }
0x56: {  	v34 =	vshrl.u32 v3, $0x3  }
0x57: {  	v4 =	vmul.u32 $0x18, v34  }
0x58: {  	v3 =	vand.u32 $0x7, v3  }
0x59: {  	v3 =	vor.u32 v3, v4  }
0x5a: {  	v4 =	vperm.xlane v3, v0;
	_ =	sdelay $0x1  }
0x5b: {  	v4 =	vadd.s32 v1, v4;
	_ =	sdelay $0x1  }
0x5c: {  	v3 =	vperm.xlane v3, v2;
	_ =	sdelay $0x1  }
0x5d: {  	s24 =	simm.s32 $0x3400;
	v3 =	vadd.s32 v1, v3  }
0x5e: {  	[hbm4b:s3+s2] =	stream.indirect_vreg.scatter [tilespmem:s24], [sflag:$0x3], $0x80, v4, vm0, $0xb8;
	[tilespmem:$0x18400] =	vst v63  }
0x5f: {  	s1 =	simm.s32 $0x3C00  }
0x60: {  	[hbm4b:s5+s2] =	stream.indirect_vreg.scatter [tilespmem:s1], [sflag:$0x3], $0x80, v4, vm1, $0xb8;
	[tilespmem:$0x18400] =	vst v63  }
0x61: {  	s8 =	simm.s32 $0x4000  }
0x62: {  	[hbm4b:s3+s2] =	stream.indirect_vreg.scatter [tilespmem:s8], [sflag:$0x3], $0x80, v3, vm0, $0xb8;
	[tilespmem:$0x18400] =	vst v63  }
0x63: {  	s9 =	simm.s32 $0x4800  }
0x64: {  	[hbm4b:s5+s2] =	stream.indirect_vreg.scatter [tilespmem:s9], [sflag:$0x3], $0x80, v3, vm1, $0xb8;
	[tilespmem:$0x18400] =	vst v63  }
0x65: {  	v3 =	vld [tilespmem:$0x30];
	_ =	sdelay $0x4  }
0x66: {  	v35 =	vshrl.u32 v3, $0x3  }
0x67: {  	v4 =	vmul.u32 $0x18, v35  }
0x68: {  	v3 =	vand.u32 $0x7, v3  }
0x69: {  	v3 =	vor.u32 v3, v4  }
0x6a: {  	v4 =	vperm.xlane v3, v0;
	_ =	sdelay $0x1  }
0x6b: {  	v4 =	vadd.s32 v1, v4;
	_ =	sdelay $0x1  }
0x6c: {  	v3 =	vperm.xlane v3, v2;
	_ =	sdelay $0x1  }
0x6d: {  	s11 =	simm.s32 $0x4C00;
	v3 =	vadd.s32 v1, v3  }
0x6e: {  	[hbm4b:s3+s2] =	stream.indirect_vreg.scatter [tilespmem:s11], [sflag:$0x3], $0x80, v4, vm0, $0xb8;
	[tilespmem:$0x18400] =	vst v63  }
0x6f: {  	s12 =	simm.s32 $0x5400  }
0x70: {  	[hbm4b:s5+s2] =	stream.indirect_vreg.scatter [tilespmem:s12], [sflag:$0x3], $0x80, v4, vm1, $0xb8;
	[tilespmem:$0x18400] =	vst v63  }
0x71: {  	s10 =	simm.s32 $0x5800  }
0x72: {  	[hbm4b:s3+s2] =	stream.indirect_vreg.scatter [tilespmem:s10], [sflag:$0x3], $0x80, v3, vm0, $0xb8;
	[tilespmem:$0x18400] =	vst v63  }
0x73: {  	s21 =	simm.s32 $0x6000  }
0x74: {  	[hbm4b:s5+s2] =	stream.indirect_vreg.scatter [tilespmem:s21], [sflag:$0x3], $0x80, v3, vm1, $0xb8;
	[tilespmem:$0x18400] =	vst v63  }
0x75: {  	v3 =	vld [tilespmem:$0x40];
	_ =	sdelay $0x4  }
0x76: {  	v36 =	vshrl.u32 v3, $0x3  }
0x77: {  	v4 =	vmul.u32 $0x18, v36  }
0x78: {  	v3 =	vand.u32 $0x7, v3  }
0x79: {  	v3 =	vor.u32 v3, v4  }
0x7a: {  	v4 =	vperm.xlane v3, v0;
	_ =	sdelay $0x1  }
0x7b: {  	v4 =	vadd.s32 v1, v4;
	_ =	sdelay $0x1  }
0x7c: {  	v3 =	vperm.xlane v3, v2;
	_ =	sdelay $0x1  }
0x7d: {  	s22 =	simm.s32 $0x6400;
	v3 =	vadd.s32 v1, v3  }
0x7e: {  	[hbm4b:s3+s2] =	stream.indirect_vreg.scatter [tilespmem:s22], [sflag:$0x3], $0x80, v4, vm0, $0xb8;
	[tilespmem:$0x18400] =	vst v63  }
0x7f: {  	s23 =	simm.s32 $0x6C00  }
0x80: {  	[hbm4b:s5+s2] =	stream.indirect_vreg.scatter [tilespmem:s23], [sflag:$0x3], $0x80, v4, vm1, $0xb8;
	[tilespmem:$0x18400] =	vst v63  }
0x81: {  	s24 =	simm.s32 $0x7000  }
0x82: {  	[hbm4b:s3+s2] =	stream.indirect_vreg.scatter [tilespmem:s24], [sflag:$0x3], $0x80, v3, vm0, $0xb8;
	[tilespmem:$0x18400] =	vst v63  }
0x83: {  	s4 =	simm.s32 $0x7800  }
0x84: {  	[hbm4b:s5+s2] =	stream.indirect_vreg.scatter [tilespmem:s4], [sflag:$0x3], $0x80, v3, vm1, $0xb8;
	[tilespmem:$0x18400] =	vst v63  }
0x85: {  	v3 =	vld [tilespmem:$0x50];
	_ =	sdelay $0x4  }
0x86: {  	v37 =	vshrl.u32 v3, $0x3  }
0x87: {  	v4 =	vmul.u32 $0x18, v37  }
0x88: {  	v3 =	vand.u32 $0x7, v3  }
0x89: {  	v3 =	vor.u32 v3, v4  }
0x8a: {  	v4 =	vperm.xlane v3, v0;
	_ =	sdelay $0x1  }
0x8b: {  	v4 =	vadd.s32 v1, v4;
	_ =	sdelay $0x1  }
0x8c: {  	v3 =	vperm.xlane v3, v2;
	_ =	sdelay $0x1  }
0x8d: {  	s7 =	simm.s32 $0x7C00;
	v3 =	vadd.s32 v1, v3  }
0x8e: {  	[hbm4b:s3+s2] =	stream.indirect_vreg.scatter [tilespmem:s7], [sflag:$0x3], $0x80, v4, vm0, $0xb8;
	[tilespmem:$0x18400] =	vst v63  }
0x8f: {  	s19 =	simm.s32 $0x8400  }
0x90: {  	[hbm4b:s5+s2] =	stream.indirect_vreg.scatter [tilespmem:s19], [sflag:$0x3], $0x80, v4, vm1, $0xb8;
	[tilespmem:$0x18400] =	vst v63  }
0x91: {  	s20 =	simm.s32 $0x8800  }
0x92: {  	[hbm4b:s3+s2] =	stream.indirect_vreg.scatter [tilespmem:s20], [sflag:$0x3], $0x80, v3, vm0, $0xb8;
	[tilespmem:$0x18400] =	vst v63  }
0x93: {  	s13 =	simm.s32 $0x9000  }
0x94: {  	[hbm4b:s5+s2] =	stream.indirect_vreg.scatter [tilespmem:s13], [sflag:$0x3], $0x80, v3, vm1, $0xb8;
	[tilespmem:$0x18400] =	vst v63  }
0x95: {  	v3 =	vld [tilespmem:$0x60];
	_ =	sdelay $0x4  }
0x96: {  	v38 =	vshrl.u32 v3, $0x3  }
0x97: {  	v4 =	vmul.u32 $0x18, v38  }
0x98: {  	v3 =	vand.u32 $0x7, v3  }
0x99: {  	v3 =	vor.u32 v3, v4  }
0x9a: {  	v4 =	vperm.xlane v3, v0;
	_ =	sdelay $0x1  }
0x9b: {  	v4 =	vadd.s32 v1, v4;
	_ =	sdelay $0x1  }
0x9c: {  	v3 =	vperm.xlane v3, v2;
	_ =	sdelay $0x1  }
0x9d: {  	s14 =	simm.s32 $0x9400;
	v3 =	vadd.s32 v1, v3  }
0x9e: {  	[hbm4b:s3+s2] =	stream.indirect_vreg.scatter [tilespmem:s14], [sflag:$0x3], $0x80, v4, vm0, $0xb8;
	[tilespmem:$0x18400] =	vst v63  }
0x9f: {  	s0 =	simm.s32 $0x9C00  }
0xa0: {  	[hbm4b:s5+s2] =	stream.indirect_vreg.scatter [tilespmem:s0], [sflag:$0x3], $0x80, v4, vm1, $0xb8;
	[tilespmem:$0x18400] =	vst v63  }
0xa1: {  	s0 =	simm.s32 $0xA000  }
0xa2: {  	[hbm4b:s3+s2] =	stream.indirect_vreg.scatter [tilespmem:s0], [sflag:$0x3], $0x80, v3, vm0, $0xb8;
	[tilespmem:$0x18400] =	vst v63  }
0xa3: {  	s0 =	simm.s32 $0xA800  }
0xa4: {  	[hbm4b:s5+s2] =	stream.indirect_vreg.scatter [tilespmem:s0], [sflag:$0x3], $0x80, v3, vm1, $0xb8;
	[tilespmem:$0x18400] =	vst v63  }
0xa5: {  	v3 =	vld [tilespmem:$0x70];
	_ =	sdelay $0x4  }
0xa6: {  	v39 =	vshrl.u32 v3, $0x3  }
0xa7: {  	v4 =	vmul.u32 $0x18, v39  }
0xa8: {  	v3 =	vand.u32 $0x7, v3  }
0xa9: {  	v3 =	vor.u32 v3, v4  }
0xaa: {  	v4 =	vperm.xlane v3, v0;
	_ =	sdelay $0x1  }
0xab: {  	v4 =	vadd.s32 v1, v4;
	_ =	sdelay $0x1  }
0xac: {  	v3 =	vperm.xlane v3, v2;
	_ =	sdelay $0x1  }
0xad: {  	s0 =	simm.s32 $0xAC00;
	v3 =	vadd.s32 v1, v3  }
0xae: {  	[hbm4b:s3+s2] =	stream.indirect_vreg.scatter [tilespmem:s0], [sflag:$0x3], $0x80, v4, vm0, $0xb8;
	[tilespmem:$0x18400] =	vst v63  }
0xaf: {  	s0 =	simm.s32 $0xB400  }
0xb0: {  	[hbm4b:s5+s2] =	stream.indirect_vreg.scatter [tilespmem:s0], [sflag:$0x3], $0x80, v4, vm1, $0xb8;
	[tilespmem:$0x18400] =	vst v63  }
0xb1: {  	s0 =	simm.s32 $0xB800  }
0xb2: {  	[hbm4b:s3+s2] =	stream.indirect_vreg.scatter [tilespmem:s0], [sflag:$0x3], $0x80, v3, vm0, $0xb8;
	[tilespmem:$0x18400] =	vst v63  }
0xb3: {  	s0 =	simm.s32 $0xC000  }
0xb4: {  	[hbm4b:s5+s2] =	stream.indirect_vreg.scatter [tilespmem:s0], [sflag:$0x3], $0x80, v3, vm1, $0xb8;
	[tilespmem:$0x18400] =	vst v63  }
0xb5: {  	v3 =	vld [tilespmem:$0x80];
	_ =	sdelay $0x4  }
0xb6: {  	v40 =	vshrl.u32 v3, $0x3  }
0xb7: {  	v4 =	vmul.u32 $0x18, v40  }
0xb8: {  	v3 =	vand.u32 $0x7, v3  }
0xb9: {  	v3 =	vor.u32 v3, v4  }
0xba: {  	v4 =	vperm.xlane v3, v0;
	_ =	sdelay $0x1  }
0xbb: {  	v4 =	vadd.s32 v1, v4;
	_ =	sdelay $0x1  }
0xbc: {  	v3 =	vperm.xlane v3, v2;
	_ =	sdelay $0x1  }
0xbd: {  	v3 =	vadd.s32 v1, v3  }
0xbe: {  	[hbm4b:s3+s2] =	stream.indirect_vreg.scatter [tilespmem:s15], [sflag:$0x3], $0x80, v4, vm0, $0xb8;
	[tilespmem:$0x18400] =	vst v63  }
0xbf: {  	_ = 	snop  }
0xc0: {  	[hbm4b:s5+s2] =	stream.indirect_vreg.scatter [tilespmem:s17], [sflag:$0x3], $0x80, v4, vm1, $0xb8;
	[tilespmem:$0x18400] =	vst v63  }
0xc1: {  	_ = 	snop  }
0xc2: {  	[hbm4b:s3+s2] =	stream.indirect_vreg.scatter [tilespmem:s18], [sflag:$0x3], $0x80, v3, vm0, $0xb8;
	[tilespmem:$0x18400] =	vst v63  }
0xc3: {  	_ = 	snop  }
0xc4: {  	[hbm4b:s5+s2] =	stream.indirect_vreg.scatter [tilespmem:s25], [sflag:$0x3], $0x80, v3, vm1, $0xb8;
	[tilespmem:$0x18400] =	vst v63  }
0xc5: {  	v3 =	vld [tilespmem:$0x90];
	_ =	sdelay $0x4  }
0xc6: {  	v41 =	vshrl.u32 v3, $0x3  }
0xc7: {  	v4 =	vmul.u32 $0x18, v41  }
0xc8: {  	v3 =	vand.u32 $0x7, v3  }
0xc9: {  	v3 =	vor.u32 v3, v4  }
0xca: {  	v4 =	vperm.xlane v3, v0;
	_ =	sdelay $0x1  }
0xcb: {  	v4 =	vadd.s32 v1, v4;
	_ =	sdelay $0x1  }
0xcc: {  	v3 =	vperm.xlane v3, v2;
	_ =	sdelay $0x1  }
0xcd: {  	v3 =	vadd.s32 v1, v3  }
0xce: {  	[hbm4b:s3+s2] =	stream.indirect_vreg.scatter [tilespmem:s28], [sflag:$0x3], $0x80, v4, vm0, $0xb8;
	[tilespmem:$0x18400] =	vst v63  }
0xcf: {  	_ = 	snop  }
0xd0: {  	[hbm4b:s5+s2] =	stream.indirect_vreg.scatter [tilespmem:s29], [sflag:$0x3], $0x80, v4, vm1, $0xb8;
	[tilespmem:$0x18400] =	vst v63  }
0xd1: {  	_ = 	snop  }
0xd2: {  	[hbm4b:s3+s2] =	stream.indirect_vreg.scatter [tilespmem:s30], [sflag:$0x3], $0x80, v3, vm0, $0xb8;
	[tilespmem:$0x18400] =	vst v63  }
0xd3: {  	_ = 	snop  }
0xd4: {  	[hbm4b:s5+s2] =	stream.indirect_vreg.scatter [tilespmem:s31], [sflag:$0x3], $0x80, v3, vm1, $0xb8;
	[tilespmem:$0x18400] =	vst v63  }
0xd5: {  	v3 =	vld [tilespmem:$0xA0];
	_ =	sdelay $0x4  }
0xd6: {  	v42 =	vshrl.u32 v3, $0x3  }
0xd7: {  	v4 =	vmul.u32 $0x18, v42  }
0xd8: {  	v3 =	vand.u32 $0x7, v3  }
0xd9: {  	v3 =	vor.u32 v3, v4  }
0xda: {  	v4 =	vperm.xlane v3, v0;
	_ =	sdelay $0x1  }
0xdb: {  	v4 =	vadd.s32 v1, v4;
	_ =	sdelay $0x1  }
0xdc: {  	v3 =	vperm.xlane v3, v2;
	_ =	sdelay $0x1  }
0xdd: {  	s29 =	simm.s32 $0x3400;
	v3 =	vadd.s32 v1, v3  }
0xde: {  	[hbm4b:s3+s2] =	stream.indirect_vreg.scatter [tilespmem:s29], [sflag:$0x3], $0x80, v4, vm0, $0xb8;
	[tilespmem:$0x18400] =	vst v63  }
0xdf: {  	_ = 	snop  }
0xe0: {  	[hbm4b:s5+s2] =	stream.indirect_vreg.scatter [tilespmem:s1], [sflag:$0x3], $0x80, v4, vm1, $0xb8;
	[tilespmem:$0x18400] =	vst v63  }
0xe1: {  	_ = 	snop  }
0xe2: {  	[hbm4b:s3+s2] =	stream.indirect_vreg.scatter [tilespmem:s8], [sflag:$0x3], $0x80, v3, vm0, $0xb8;
	[tilespmem:$0x18400] =	vst v63  }
0xe3: {  	_ = 	snop  }
0xe4: {  	[hbm4b:s5+s2] =	stream.indirect_vreg.scatter [tilespmem:s9], [sflag:$0x3], $0x80, v3, vm1, $0xb8;
	[tilespmem:$0x18400] =	vst v63  }
0xe5: {  	v3 =	vld [tilespmem:$0xB0];
	_ =	sdelay $0x4  }
0xe6: {  	v43 =	vshrl.u32 v3, $0x3  }
0xe7: {  	v4 =	vmul.u32 $0x18, v43  }
0xe8: {  	v3 =	vand.u32 $0x7, v3  }
0xe9: {  	v3 =	vor.u32 v3, v4  }
0xea: {  	v4 =	vperm.xlane v3, v0;
	_ =	sdelay $0x1  }
0xeb: {  	v4 =	vadd.s32 v1, v4;
	_ =	sdelay $0x1  }
0xec: {  	v3 =	vperm.xlane v3, v2;
	_ =	sdelay $0x1  }
0xed: {  	v3 =	vadd.s32 v1, v3  }
0xee: {  	[hbm4b:s3+s2] =	stream.indirect_vreg.scatter [tilespmem:s11], [sflag:$0x3], $0x80, v4, vm0, $0xb8;
	[tilespmem:$0x18400] =	vst v63  }
0xef: {  	_ = 	snop  }
0xf0: {  	[hbm4b:s5+s2] =	stream.indirect_vreg.scatter [tilespmem:s12], [sflag:$0x3], $0x80, v4, vm1, $0xb8;
	[tilespmem:$0x18400] =	vst v63  }
0xf1: {  	_ = 	snop  }
0xf2: {  	[hbm4b:s3+s2] =	stream.indirect_vreg.scatter [tilespmem:s10], [sflag:$0x3], $0x80, v3, vm0, $0xb8;
	[tilespmem:$0x18400] =	vst v63  }
0xf3: {  	_ = 	snop  }
0xf4: {  	[hbm4b:s5+s2] =	stream.indirect_vreg.scatter [tilespmem:s21], [sflag:$0x3], $0x80, v3, vm1, $0xb8;
	[tilespmem:$0x18400] =	vst v63  }
0xf5: {  	v3 =	vld [tilespmem:$0xC0];
	_ =	sdelay $0x4  }
0xf6: {  	v44 =	vshrl.u32 v3, $0x3  }
0xf7: {  	v4 =	vmul.u32 $0x18, v44  }
0xf8: {  	v3 =	vand.u32 $0x7, v3  }
0xf9: {  	v3 =	vor.u32 v3, v4  }
0xfa: {  	v4 =	vperm.xlane v3, v0;
	_ =	sdelay $0x1  }
0xfb: {  	v4 =	vadd.s32 v1, v4;
	_ =	sdelay $0x1  }
0xfc: {  	v3 =	vperm.xlane v3, v2;
	_ =	sdelay $0x1  }
0xfd: {  	v3 =	vadd.s32 v1, v3  }
0xfe: {  	[hbm4b:s3+s2] =	stream.indirect_vreg.scatter [tilespmem:s22], [sflag:$0x3], $0x80, v4, vm0, $0xb8;
	[tilespmem:$0x18400] =	vst v63  }
0xff: {  	_ = 	snop  }
0x100: {  	[hbm4b:s5+s2] =	stream.indirect_vreg.scatter [tilespmem:s23], [sflag:$0x3], $0x80, v4, vm1, $0xb8;
	[tilespmem:$0x18400] =	vst v63  }
0x101: {  	_ = 	snop  }
0x102: {  	[hbm4b:s3+s2] =	stream.indirect_vreg.scatter [tilespmem:s24], [sflag:$0x3], $0x80, v3, vm0, $0xb8;
	[tilespmem:$0x18400] =	vst v63  }
0x103: {  	_ = 	snop  }
0x104: {  	[hbm4b:s5+s2] =	stream.indirect_vreg.scatter [tilespmem:s4], [sflag:$0x3], $0x80, v3, vm1, $0xb8;
	[tilespmem:$0x18400] =	vst v63  }
0x105: {  	v3 =	vld [tilespmem:$0xD0];
	_ =	sdelay $0x4  }
0x106: {  	v45 =	vshrl.u32 v3, $0x3  }
0x107: {  	v4 =	vmul.u32 $0x18, v45  }
0x108: {  	v3 =	vand.u32 $0x7, v3  }
0x109: {  	v3 =	vor.u32 v3, v4  }
0x10a: {  	v4 =	vperm.xlane v3, v0;
	_ =	sdelay $0x1  }
0x10b: {  	v4 =	vadd.s32 v1, v4;
	_ =	sdelay $0x1  }
0x10c: {  	v3 =	vperm.xlane v3, v2;
	_ =	sdelay $0x1  }
0x10d: {  	v3 =	vadd.s32 v1, v3  }
0x10e: {  	[hbm4b:s3+s2] =	stream.indirect_vreg.scatter [tilespmem:s7], [sflag:$0x3], $0x80, v4, vm0, $0xb8;
	[tilespmem:$0x18400] =	vst v63  }
0x10f: {  	_ = 	snop  }
0x110: {  	[hbm4b:s5+s2] =	stream.indirect_vreg.scatter [tilespmem:s19], [sflag:$0x3], $0x80, v4, vm1, $0xb8;
	[tilespmem:$0x18400] =	vst v63  }
0x111: {  	_ = 	snop  }
0x112: {  	[hbm4b:s3+s2] =	stream.indirect_vreg.scatter [tilespmem:s20], [sflag:$0x3], $0x80, v3, vm0, $0xb8;
	[tilespmem:$0x18400] =	vst v63  }
0x113: {  	_ = 	snop  }
0x114: {  	[hbm4b:s5+s2] =	stream.indirect_vreg.scatter [tilespmem:s13], [sflag:$0x3], $0x80, v3, vm1, $0xb8;
	[tilespmem:$0x18400] =	vst v63  }
0x115: {  	v3 =	vld [tilespmem:$0xE0];
	_ =	sdelay $0x4  }
0x116: {  	v46 =	vshrl.u32 v3, $0x3  }
0x117: {  	v4 =	vmul.u32 $0x18, v46  }
0x118: {  	v3 =	vand.u32 $0x7, v3  }
0x119: {  	v3 =	vor.u32 v3, v4  }
0x11a: {  	v4 =	vperm.xlane v3, v0;
	_ =	sdelay $0x1  }
0x11b: {  	v4 =	vadd.s32 v1, v4;
	_ =	sdelay $0x1  }
0x11c: {  	v3 =	vperm.xlane v3, v2;
	_ =	sdelay $0x1  }
0x11d: {  	v3 =	vadd.s32 v1, v3  }
0x11e: {  	[hbm4b:s3+s2] =	stream.indirect_vreg.scatter [tilespmem:s14], [sflag:$0x3], $0x80, v4, vm0, $0xb8;
	[tilespmem:$0x18400] =	vst v63  }
0x11f: {  	s30 =	simm.s32 $0x9C00  }
0x120: {  	[hbm4b:s5+s2] =	stream.indirect_vreg.scatter [tilespmem:s30], [sflag:$0x3], $0x80, v4, vm1, $0xb8;
	[tilespmem:$0x18400] =	vst v63  }
0x121: {  	s31 =	simm.s32 $0xA000  }
0x122: {  	[hbm4b:s3+s2] =	stream.indirect_vreg.scatter [tilespmem:s31], [sflag:$0x3], $0x80, v3, vm0, $0xb8;
	[tilespmem:$0x18400] =	vst v63  }
0x123: {  	s1 =	simm.s32 $0xA800  }
0x124: {  	[hbm4b:s5+s2] =	stream.indirect_vreg.scatter [tilespmem:s1], [sflag:$0x3], $0x80, v3, vm1, $0xb8;
	[tilespmem:$0x18400] =	vst v63  }
0x125: {  	v3 =	vld [tilespmem:$0xF0];
	_ =	sdelay $0x4  }
0x126: {  	v47 =	vshrl.u32 v3, $0x3  }
0x127: {  	v4 =	vmul.u32 $0x18, v47  }
0x128: {  	v3 =	vand.u32 $0x7, v3  }
0x129: {  	v3 =	vor.u32 v3, v4  }
0x12a: {  	v4 =	vperm.xlane v3, v0;
	_ =	sdelay $0x1  }
0x12b: {  	v4 =	vadd.s32 v1, v4;
	_ =	sdelay $0x1  }
0x12c: {  	v3 =	vperm.xlane v3, v2;
	_ =	sdelay $0x1  }
0x12d: {  	s4 =	simm.s32 $0xAC00;
	v3 =	vadd.s32 v1, v3  }
0x12e: {  	[hbm4b:s3+s2] =	stream.indirect_vreg.scatter [tilespmem:s4], [sflag:$0x3], $0x80, v4, vm0, $0xb8;
	[tilespmem:$0x18400] =	vst v63  }
0x12f: {  	s7 =	simm.s32 $0xB400  }
0x130: {  	[hbm4b:s5+s2] =	stream.indirect_vreg.scatter [tilespmem:s7], [sflag:$0x3], $0x80, v4, vm1, $0xb8;
	[tilespmem:$0x18400] =	vst v63  }
0x131: {  	s8 =	simm.s32 $0xB800  }
0x132: {  	[hbm4b:s3+s2] =	stream.indirect_vreg.scatter [tilespmem:s8], [sflag:$0x3], $0x80, v3, vm0, $0xb8;
	[tilespmem:$0x18400] =	vst v63  }
0x133: {  	s9 =	simm.s32 $0xC000  }
0x134: {  	[hbm4b:s5+s2] =	stream.indirect_vreg.scatter [tilespmem:s9], [sflag:$0x3], $0x80, v3, vm1, $0xb8;
	[tilespmem:$0x18400] =	vst v63  }
0x135: {  	s0 =	rddreg [dreg:$0xd];
	s11 =	simm.s32 $0x200;
	s10 =	simm.s32 $0x80  }
0x136: {  	[hbm4b:s0+s10] =	stream.indirect.scatter [tilespmem:s11], [sflag:$0x3], $0x1, s2, s10, $0xb8;
	[tilespmem:$0x18400] =	vst v63  }
0x137: {  	s12 =	simm.s32 $0x280  }
0x138: {  	[hbm4b:s0+s10] =	stream.indirect.scatter [tilespmem:s12], [sflag:$0x3], $0x1, s10, s10, $0xb8;
	[tilespmem:$0x18400] =	vst v63  }
0x139: {  	_ =	swait.ge [sflag:s26], $0x80  }
0x13a: {  	[sflag:s26] =	ssyncset.done $0x0  }
0x13b: {  	[sflag:s26] =	ssyncadd.s32 $0xFFFFFF80  }
0x13c: {  	_ =	swait.ge [sflag:s26], $0x80  }
0x13d: {  	[sflag:s26] =	ssyncset.done $0x0  }
0x13e: {  	[sflag:s26] =	ssyncadd.s32 $0xFFFFFF80  }
0x13f: {  	_ =	swait.ge [sflag:s26], $0x80  }
0x140: {  	[sflag:s26] =	ssyncset.done $0x0  }
0x141: {  	[sflag:s26] =	ssyncadd.s32 $0xFFFFFF80  }
0x142: {  	_ =	swait.ge [sflag:s26], $0x80  }
0x143: {  	[sflag:s26] =	ssyncset.done $0x0  }
0x144: {  	[sflag:s26] =	ssyncadd.s32 $0xFFFFFF80  }
0x145: {  	_ =	swait.ge [sflag:s26], $0xC000  }
0x146: {  	[sflag:s26] =	ssyncset.done $0x0  }
0x147: {  	[sflag:s26] =	ssyncadd.s32 $0xFFFF4000  }
0x148: {  	v3 =	vld [tilespmem:$0x100];
	_ =	sdelay $0x4  }
0x149: {  	v48 =	vshrl.u32 v3, $0x3  }
0x14a: {  	v4 =	vmul.u32 $0x18, v48  }
0x14b: {  	v3 =	vand.u32 $0x7, v3  }
0x14c: {  	v3 =	vor.u32 v3, v4  }
0x14d: {  	v4 =	vperm.xlane v3, v0;
	_ =	sdelay $0x1  }
0x14e: {  	v4 =	vadd.s32 v1, v4;
	_ =	sdelay $0x1  }
0x14f: {  	v3 =	vperm.xlane v3, v2;
	_ =	sdelay $0x1  }
0x150: {  	s13 =	simm.s32 $0xC400;
	v3 =	vadd.s32 v1, v3  }
0x151: {  	[hbm4b:s3+s2] =	stream.indirect_vreg.scatter [tilespmem:s13], [sflag:$0x4], $0x80, v4, vm0, $0xb8;
	[tilespmem:$0x18400] =	vst v63  }
0x152: {  	s14 =	simm.s32 $0xCC00  }
0x153: {  	[hbm4b:s5+s2] =	stream.indirect_vreg.scatter [tilespmem:s14], [sflag:$0x4], $0x80, v4, vm1, $0xb8;
	[tilespmem:$0x18400] =	vst v63  }
0x154: {  	s4 =	simm.s32 $0xD000  }
0x155: {  	[hbm4b:s3+s2] =	stream.indirect_vreg.scatter [tilespmem:s4], [sflag:$0x4], $0x80, v3, vm0, $0xb8;
	[tilespmem:$0x18400] =	vst v63  }
0x156: {  	s7 =	simm.s32 $0xD800  }
0x157: {  	[hbm4b:s5+s2] =	stream.indirect_vreg.scatter [tilespmem:s7], [sflag:$0x4], $0x80, v3, vm1, $0xb8;
	[tilespmem:$0x18400] =	vst v63  }
0x158: {  	v3 =	vld [tilespmem:$0x110];
	_ =	sdelay $0x4  }
0x159: {  	v49 =	vshrl.u32 v3, $0x3  }
0x15a: {  	v4 =	vmul.u32 $0x18, v49  }
0x15b: {  	v3 =	vand.u32 $0x7, v3  }
0x15c: {  	v3 =	vor.u32 v3, v4  }
0x15d: {  	v4 =	vperm.xlane v3, v0;
	_ =	sdelay $0x1  }
0x15e: {  	v4 =	vadd.s32 v1, v4;
	_ =	sdelay $0x1  }
0x15f: {  	v3 =	vperm.xlane v3, v2;
	_ =	sdelay $0x1  }
0x160: {  	s8 =	simm.s32 $0xDC00;
	v3 =	vadd.s32 v1, v3  }
0x161: {  	[hbm4b:s3+s2] =	stream.indirect_vreg.scatter [tilespmem:s8], [sflag:$0x4], $0x80, v4, vm0, $0xb8;
	[tilespmem:$0x18400] =	vst v63  }
0x162: {  	s9 =	simm.s32 $0xE400  }
0x163: {  	[hbm4b:s5+s2] =	stream.indirect_vreg.scatter [tilespmem:s9], [sflag:$0x4], $0x80, v4, vm1, $0xb8;
	[tilespmem:$0x18400] =	vst v63  }
0x164: {  	s10 =	simm.s32 $0xE800  }
0x165: {  	[hbm4b:s3+s2] =	stream.indirect_vreg.scatter [tilespmem:s10], [sflag:$0x4], $0x80, v3, vm0, $0xb8;
	[tilespmem:$0x18400] =	vst v63  }
0x166: {  	s11 =	simm.s32 $0xF000  }
0x167: {  	[hbm4b:s5+s2] =	stream.indirect_vreg.scatter [tilespmem:s11], [sflag:$0x4], $0x80, v3, vm1, $0xb8;
	[tilespmem:$0x18400] =	vst v63  }
0x168: {  	v3 =	vld [tilespmem:$0x120];
	_ =	sdelay $0x4  }
0x169: {  	v50 =	vshrl.u32 v3, $0x3  }
0x16a: {  	v4 =	vmul.u32 $0x18, v50  }
0x16b: {  	v3 =	vand.u32 $0x7, v3  }
0x16c: {  	v3 =	vor.u32 v3, v4  }
0x16d: {  	v4 =	vperm.xlane v3, v0;
	_ =	sdelay $0x1  }
0x16e: {  	v4 =	vadd.s32 v1, v4;
	_ =	sdelay $0x1  }
0x16f: {  	v3 =	vperm.xlane v3, v2;
	_ =	sdelay $0x1  }
0x170: {  	s12 =	simm.s32 $0xF400;
	v3 =	vadd.s32 v1, v3  }
0x171: {  	[hbm4b:s3+s2] =	stream.indirect_vreg.scatter [tilespmem:s12], [sflag:$0x4], $0x80, v4, vm0, $0xb8;
	[tilespmem:$0x18400] =	vst v63  }
0x172: {  	s13 =	simm.s32 $0xFC00  }
0x173: {  	[hbm4b:s5+s2] =	stream.indirect_vreg.scatter [tilespmem:s13], [sflag:$0x4], $0x80, v4, vm1, $0xb8;
	[tilespmem:$0x18400] =	vst v63  }
0x174: {  	s14 =	simm.s32 $0x10000  }
0x175: {  	[hbm4b:s3+s2] =	stream.indirect_vreg.scatter [tilespmem:s14], [sflag:$0x4], $0x80, v3, vm0, $0xb8;
	[tilespmem:$0x18400] =	vst v63  }
0x176: {  	s15 =	simm.s32 $0x10800  }
0x177: {  	[hbm4b:s5+s2] =	stream.indirect_vreg.scatter [tilespmem:s15], [sflag:$0x4], $0x80, v3, vm1, $0xb8;
	[tilespmem:$0x18400] =	vst v63  }
0x178: {  	v3 =	vld [tilespmem:$0x130];
	_ =	sdelay $0x4  }
0x179: {  	v51 =	vshrl.u32 v3, $0x3  }
0x17a: {  	v4 =	vmul.u32 $0x18, v51  }
0x17b: {  	v3 =	vand.u32 $0x7, v3  }
0x17c: {  	v3 =	vor.u32 v3, v4  }
0x17d: {  	v4 =	vperm.xlane v3, v0;
	_ =	sdelay $0x1  }
0x17e: {  	v4 =	vadd.s32 v1, v4;
	_ =	sdelay $0x1  }
0x17f: {  	v3 =	vperm.xlane v3, v2;
	_ =	sdelay $0x1  }
0x180: {  	s17 =	simm.s32 $0x10C00;
	v3 =	vadd.s32 v1, v3  }
0x181: {  	[hbm4b:s3+s2] =	stream.indirect_vreg.scatter [tilespmem:s17], [sflag:$0x4], $0x80, v4, vm0, $0xb8;
	[tilespmem:$0x18400] =	vst v63  }
0x182: {  	s18 =	simm.s32 $0x11400  }
0x183: {  	[hbm4b:s5+s2] =	stream.indirect_vreg.scatter [tilespmem:s18], [sflag:$0x4], $0x80, v4, vm1, $0xb8;
	[tilespmem:$0x18400] =	vst v63  }
0x184: {  	s19 =	simm.s32 $0x11800  }
0x185: {  	[hbm4b:s3+s2] =	stream.indirect_vreg.scatter [tilespmem:s19], [sflag:$0x4], $0x80, v3, vm0, $0xb8;
	[tilespmem:$0x18400] =	vst v63  }
0x186: {  	s20 =	simm.s32 $0x12000  }
0x187: {  	[hbm4b:s5+s2] =	stream.indirect_vreg.scatter [tilespmem:s20], [sflag:$0x4], $0x80, v3, vm1, $0xb8;
	[tilespmem:$0x18400] =	vst v63  }
0x188: {  	v3 =	vld [tilespmem:$0x140];
	_ =	sdelay $0x4  }
0x189: {  	v52 =	vshrl.u32 v3, $0x3  }
0x18a: {  	v4 =	vmul.u32 $0x18, v52  }
0x18b: {  	v3 =	vand.u32 $0x7, v3  }
0x18c: {  	v3 =	vor.u32 v3, v4  }
0x18d: {  	v4 =	vperm.xlane v3, v0;
	_ =	sdelay $0x1  }
0x18e: {  	v4 =	vadd.s32 v1, v4;
	_ =	sdelay $0x1  }
0x18f: {  	v3 =	vperm.xlane v3, v2;
	_ =	sdelay $0x1  }
0x190: {  	s21 =	simm.s32 $0x12400;
	v3 =	vadd.s32 v1, v3  }
0x191: {  	[hbm4b:s3+s2] =	stream.indirect_vreg.scatter [tilespmem:s21], [sflag:$0x4], $0x80, v4, vm0, $0xb8;
	[tilespmem:$0x18400] =	vst v63  }
0x192: {  	s22 =	simm.s32 $0x12C00  }
0x193: {  	[hbm4b:s5+s2] =	stream.indirect_vreg.scatter [tilespmem:s22], [sflag:$0x4], $0x80, v4, vm1, $0xb8;
	[tilespmem:$0x18400] =	vst v63  }
0x194: {  	s23 =	simm.s32 $0x13000  }
0x195: {  	[hbm4b:s3+s2] =	stream.indirect_vreg.scatter [tilespmem:s23], [sflag:$0x4], $0x80, v3, vm0, $0xb8;
	[tilespmem:$0x18400] =	vst v63  }
0x196: {  	s24 =	simm.s32 $0x13800  }
0x197: {  	[hbm4b:s5+s2] =	stream.indirect_vreg.scatter [tilespmem:s24], [sflag:$0x4], $0x80, v3, vm1, $0xb8;
	[tilespmem:$0x18400] =	vst v63  }
0x198: {  	v3 =	vld [tilespmem:$0x150];
	_ =	sdelay $0x4  }
0x199: {  	v53 =	vshrl.u32 v3, $0x3  }
0x19a: {  	v4 =	vmul.u32 $0x18, v53  }
0x19b: {  	v3 =	vand.u32 $0x7, v3  }
0x19c: {  	v3 =	vor.u32 v3, v4  }
0x19d: {  	v4 =	vperm.xlane v3, v0;
	_ =	sdelay $0x1  }
0x19e: {  	v4 =	vadd.s32 v1, v4;
	_ =	sdelay $0x1  }
0x19f: {  	v3 =	vperm.xlane v3, v2;
	_ =	sdelay $0x1  }
0x1a0: {  	s25 =	simm.s32 $0x13C00;
	v3 =	vadd.s32 v1, v3  }
0x1a1: {  	[hbm4b:s3+s2] =	stream.indirect_vreg.scatter [tilespmem:s25], [sflag:$0x4], $0x80, v4, vm0, $0xb8;
	[tilespmem:$0x18400] =	vst v63  }
0x1a2: {  	s28 =	simm.s32 $0x14400  }
0x1a3: {  	[hbm4b:s5+s2] =	stream.indirect_vreg.scatter [tilespmem:s28], [sflag:$0x4], $0x80, v4, vm1, $0xb8;
	[tilespmem:$0x18400] =	vst v63  }
0x1a4: {  	s29 =	simm.s32 $0x14800  }
0x1a5: {  	[hbm4b:s3+s2] =	stream.indirect_vreg.scatter [tilespmem:s29], [sflag:$0x4], $0x80, v3, vm0, $0xb8;
	[tilespmem:$0x18400] =	vst v63  }
0x1a6: {  	s30 =	simm.s32 $0x15000  }
0x1a7: {  	[hbm4b:s5+s2] =	stream.indirect_vreg.scatter [tilespmem:s30], [sflag:$0x4], $0x80, v3, vm1, $0xb8;
	[tilespmem:$0x18400] =	vst v63  }
0x1a8: {  	v3 =	vld [tilespmem:$0x160];
	_ =	sdelay $0x4  }
0x1a9: {  	v54 =	vshrl.u32 v3, $0x3  }
0x1aa: {  	v4 =	vmul.u32 $0x18, v54  }
0x1ab: {  	v3 =	vand.u32 $0x7, v3  }
0x1ac: {  	v3 =	vor.u32 v3, v4  }
0x1ad: {  	v4 =	vperm.xlane v3, v0;
	_ =	sdelay $0x1  }
0x1ae: {  	v4 =	vadd.s32 v1, v4;
	_ =	sdelay $0x1  }
0x1af: {  	v3 =	vperm.xlane v3, v2;
	_ =	sdelay $0x1  }
0x1b0: {  	s31 =	simm.s32 $0x15400;
	v3 =	vadd.s32 v1, v3  }
0x1b1: {  	[hbm4b:s3+s2] =	stream.indirect_vreg.scatter [tilespmem:s31], [sflag:$0x4], $0x80, v4, vm0, $0xb8;
	[tilespmem:$0x18400] =	vst v63  }
0x1b2: {  	s1 =	simm.s32 $0x15C00  }
0x1b3: {  	[hbm4b:s5+s2] =	stream.indirect_vreg.scatter [tilespmem:s1], [sflag:$0x4], $0x80, v4, vm1, $0xb8;
	[tilespmem:$0x18400] =	vst v63  }
0x1b4: {  	s1 =	simm.s32 $0x16000  }
0x1b5: {  	[hbm4b:s3+s2] =	stream.indirect_vreg.scatter [tilespmem:s1], [sflag:$0x4], $0x80, v3, vm0, $0xb8;
	[tilespmem:$0x18400] =	vst v63  }
0x1b6: {  	s1 =	simm.s32 $0x16800  }
0x1b7: {  	[hbm4b:s5+s2] =	stream.indirect_vreg.scatter [tilespmem:s1], [sflag:$0x4], $0x80, v3, vm1, $0xb8;
	[tilespmem:$0x18400] =	vst v63  }
0x1b8: {  	v3 =	vld [tilespmem:$0x170];
	_ =	sdelay $0x4  }
0x1b9: {  	v55 =	vshrl.u32 v3, $0x3  }
0x1ba: {  	v4 =	vmul.u32 $0x18, v55  }
0x1bb: {  	v3 =	vand.u32 $0x7, v3  }
0x1bc: {  	v3 =	vor.u32 v3, v4  }
0x1bd: {  	v4 =	vperm.xlane v3, v0;
	_ =	sdelay $0x1  }
0x1be: {  	v4 =	vadd.s32 v1, v4;
	_ =	sdelay $0x1  }
0x1bf: {  	v3 =	vperm.xlane v3, v2;
	_ =	sdelay $0x1  }
0x1c0: {  	s1 =	simm.s32 $0x16C00;
	v3 =	vadd.s32 v1, v3  }
0x1c1: {  	[hbm4b:s3+s2] =	stream.indirect_vreg.scatter [tilespmem:s1], [sflag:$0x4], $0x80, v4, vm0, $0xb8;
	[tilespmem:$0x18400] =	vst v63  }
0x1c2: {  	s1 =	simm.s32 $0x17400  }
0x1c3: {  	[hbm4b:s5+s2] =	stream.indirect_vreg.scatter [tilespmem:s1], [sflag:$0x4], $0x80, v4, vm1, $0xb8;
	[tilespmem:$0x18400] =	vst v63  }
0x1c4: {  	s1 =	simm.s32 $0x17800  }
0x1c5: {  	[hbm4b:s3+s2] =	stream.indirect_vreg.scatter [tilespmem:s1], [sflag:$0x4], $0x80, v3, vm0, $0xb8;
	[tilespmem:$0x18400] =	vst v63  }
0x1c6: {  	s1 =	simm.s32 $0x18000  }
0x1c7: {  	[hbm4b:s5+s2] =	stream.indirect_vreg.scatter [tilespmem:s1], [sflag:$0x4], $0x80, v3, vm1, $0xb8;
	[tilespmem:$0x18400] =	vst v63  }
0x1c8: {  	v3 =	vld [tilespmem:$0x180];
	_ =	sdelay $0x4  }
0x1c9: {  	v56 =	vshrl.u32 v3, $0x3  }
0x1ca: {  	v4 =	vmul.u32 $0x18, v56  }
0x1cb: {  	v3 =	vand.u32 $0x7, v3  }
0x1cc: {  	v3 =	vor.u32 v3, v4  }
0x1cd: {  	v4 =	vperm.xlane v3, v0;
	_ =	sdelay $0x1  }
0x1ce: {  	v4 =	vadd.s32 v1, v4;
	_ =	sdelay $0x1  }
0x1cf: {  	v3 =	vperm.xlane v3, v2;
	_ =	sdelay $0x1  }
0x1d0: {  	s1 =	simm.s32 $0xC400;
	v3 =	vadd.s32 v1, v3  }
0x1d1: {  	[hbm4b:s3+s2] =	stream.indirect_vreg.scatter [tilespmem:s1], [sflag:$0x4], $0x80, v4, vm0, $0xb8;
	[tilespmem:$0x18400] =	vst v63  }
0x1d2: {  	s1 =	simm.s32 $0xCC00  }
0x1d3: {  	[hbm4b:s5+s2] =	stream.indirect_vreg.scatter [tilespmem:s1], [sflag:$0x4], $0x80, v4, vm1, $0xb8;
	[tilespmem:$0x18400] =	vst v63  }
0x1d4: {  	_ = 	snop  }
0x1d5: {  	[hbm4b:s3+s2] =	stream.indirect_vreg.scatter [tilespmem:s4], [sflag:$0x4], $0x80, v3, vm0, $0xb8;
	[tilespmem:$0x18400] =	vst v63  }
0x1d6: {  	_ = 	snop  }
0x1d7: {  	[hbm4b:s5+s2] =	stream.indirect_vreg.scatter [tilespmem:s7], [sflag:$0x4], $0x80, v3, vm1, $0xb8;
	[tilespmem:$0x18400] =	vst v63  }
0x1d8: {  	v3 =	vld [tilespmem:$0x190];
	_ =	sdelay $0x4  }
0x1d9: {  	v57 =	vshrl.u32 v3, $0x3  }
0x1da: {  	v4 =	vmul.u32 $0x18, v57  }
0x1db: {  	v3 =	vand.u32 $0x7, v3  }
0x1dc: {  	v3 =	vor.u32 v3, v4  }
0x1dd: {  	v4 =	vperm.xlane v3, v0;
	_ =	sdelay $0x1  }
0x1de: {  	v4 =	vadd.s32 v1, v4;
	_ =	sdelay $0x1  }
0x1df: {  	v3 =	vperm.xlane v3, v2;
	_ =	sdelay $0x1  }
0x1e0: {  	v3 =	vadd.s32 v1, v3  }
0x1e1: {  	[hbm4b:s3+s2] =	stream.indirect_vreg.scatter [tilespmem:s8], [sflag:$0x4], $0x80, v4, vm0, $0xb8;
	[tilespmem:$0x18400] =	vst v63  }
0x1e2: {  	_ = 	snop  }
0x1e3: {  	[hbm4b:s5+s2] =	stream.indirect_vreg.scatter [tilespmem:s9], [sflag:$0x4], $0x80, v4, vm1, $0xb8;
	[tilespmem:$0x18400] =	vst v63  }
0x1e4: {  	_ = 	snop  }
0x1e5: {  	[hbm4b:s3+s2] =	stream.indirect_vreg.scatter [tilespmem:s10], [sflag:$0x4], $0x80, v3, vm0, $0xb8;
	[tilespmem:$0x18400] =	vst v63  }
0x1e6: {  	_ = 	snop  }
0x1e7: {  	[hbm4b:s5+s2] =	stream.indirect_vreg.scatter [tilespmem:s11], [sflag:$0x4], $0x80, v3, vm1, $0xb8;
	[tilespmem:$0x18400] =	vst v63  }
0x1e8: {  	v3 =	vld [tilespmem:$0x1A0];
	_ =	sdelay $0x4  }
0x1e9: {  	v58 =	vshrl.u32 v3, $0x3  }
0x1ea: {  	v4 =	vmul.u32 $0x18, v58  }
0x1eb: {  	v3 =	vand.u32 $0x7, v3  }
0x1ec: {  	v3 =	vor.u32 v3, v4  }
0x1ed: {  	v4 =	vperm.xlane v3, v0;
	_ =	sdelay $0x1  }
0x1ee: {  	v4 =	vadd.s32 v1, v4;
	_ =	sdelay $0x1  }
0x1ef: {  	v3 =	vperm.xlane v3, v2;
	_ =	sdelay $0x1  }
0x1f0: {  	v3 =	vadd.s32 v1, v3  }
0x1f1: {  	[hbm4b:s3+s2] =	stream.indirect_vreg.scatter [tilespmem:s12], [sflag:$0x4], $0x80, v4, vm0, $0xb8;
	[tilespmem:$0x18400] =	vst v63  }
0x1f2: {  	_ = 	snop  }
0x1f3: {  	[hbm4b:s5+s2] =	stream.indirect_vreg.scatter [tilespmem:s13], [sflag:$0x4], $0x80, v4, vm1, $0xb8;
	[tilespmem:$0x18400] =	vst v63  }
0x1f4: {  	_ = 	snop  }
0x1f5: {  	[hbm4b:s3+s2] =	stream.indirect_vreg.scatter [tilespmem:s14], [sflag:$0x4], $0x80, v3, vm0, $0xb8;
	[tilespmem:$0x18400] =	vst v63  }
0x1f6: {  	_ = 	snop  }
0x1f7: {  	[hbm4b:s5+s2] =	stream.indirect_vreg.scatter [tilespmem:s15], [sflag:$0x4], $0x80, v3, vm1, $0xb8;
	[tilespmem:$0x18400] =	vst v63  }
0x1f8: {  	v3 =	vld [tilespmem:$0x1B0];
	_ =	sdelay $0x4  }
0x1f9: {  	v59 =	vshrl.u32 v3, $0x3  }
0x1fa: {  	v4 =	vmul.u32 $0x18, v59  }
0x1fb: {  	v3 =	vand.u32 $0x7, v3  }
0x1fc: {  	v3 =	vor.u32 v3, v4  }
0x1fd: {  	v4 =	vperm.xlane v3, v0;
	_ =	sdelay $0x1  }
0x1fe: {  	v4 =	vadd.s32 v1, v4;
	_ =	sdelay $0x1  }
0x1ff: {  	v3 =	vperm.xlane v3, v2;
	_ =	sdelay $0x1  }
0x200: {  	v3 =	vadd.s32 v1, v3  }
0x201: {  	[hbm4b:s3+s2] =	stream.indirect_vreg.scatter [tilespmem:s17], [sflag:$0x4], $0x80, v4, vm0, $0xb8;
	[tilespmem:$0x18400] =	vst v63  }
0x202: {  	_ = 	snop  }
0x203: {  	[hbm4b:s5+s2] =	stream.indirect_vreg.scatter [tilespmem:s18], [sflag:$0x4], $0x80, v4, vm1, $0xb8;
	[tilespmem:$0x18400] =	vst v63  }
0x204: {  	_ = 	snop  }
0x205: {  	[hbm4b:s3+s2] =	stream.indirect_vreg.scatter [tilespmem:s19], [sflag:$0x4], $0x80, v3, vm0, $0xb8;
	[tilespmem:$0x18400] =	vst v63  }
0x206: {  	_ = 	snop  }
0x207: {  	[hbm4b:s5+s2] =	stream.indirect_vreg.scatter [tilespmem:s20], [sflag:$0x4], $0x80, v3, vm1, $0xb8;
	[tilespmem:$0x18400] =	vst v63  }
0x208: {  	v3 =	vld [tilespmem:$0x1C0];
	_ =	sdelay $0x4  }
0x209: {  	v60 =	vshrl.u32 v3, $0x3  }
0x20a: {  	v4 =	vmul.u32 $0x18, v60  }
0x20b: {  	v3 =	vand.u32 $0x7, v3  }
0x20c: {  	v3 =	vor.u32 v3, v4  }
0x20d: {  	v4 =	vperm.xlane v3, v0;
	_ =	sdelay $0x1  }
0x20e: {  	v4 =	vadd.s32 v1, v4;
	_ =	sdelay $0x1  }
0x20f: {  	v3 =	vperm.xlane v3, v2;
	_ =	sdelay $0x1  }
0x210: {  	v3 =	vadd.s32 v1, v3  }
0x211: {  	[hbm4b:s3+s2] =	stream.indirect_vreg.scatter [tilespmem:s21], [sflag:$0x4], $0x80, v4, vm0, $0xb8;
	[tilespmem:$0x18400] =	vst v63  }
0x212: {  	_ = 	snop  }
0x213: {  	[hbm4b:s5+s2] =	stream.indirect_vreg.scatter [tilespmem:s22], [sflag:$0x4], $0x80, v4, vm1, $0xb8;
	[tilespmem:$0x18400] =	vst v63  }
0x214: {  	_ = 	snop  }
0x215: {  	[hbm4b:s3+s2] =	stream.indirect_vreg.scatter [tilespmem:s23], [sflag:$0x4], $0x80, v3, vm0, $0xb8;
	[tilespmem:$0x18400] =	vst v63  }
0x216: {  	_ = 	snop  }
0x217: {  	[hbm4b:s5+s2] =	stream.indirect_vreg.scatter [tilespmem:s24], [sflag:$0x4], $0x80, v3, vm1, $0xb8;
	[tilespmem:$0x18400] =	vst v63  }
0x218: {  	v3 =	vld [tilespmem:$0x1D0];
	_ =	sdelay $0x4  }
0x219: {  	v61 =	vshrl.u32 v3, $0x3  }
0x21a: {  	v4 =	vmul.u32 $0x18, v61  }
0x21b: {  	v3 =	vand.u32 $0x7, v3  }
0x21c: {  	v3 =	vor.u32 v3, v4  }
0x21d: {  	v4 =	vperm.xlane v3, v0;
	_ =	sdelay $0x1  }
0x21e: {  	v4 =	vadd.s32 v1, v4;
	_ =	sdelay $0x1  }
0x21f: {  	v3 =	vperm.xlane v3, v2;
	_ =	sdelay $0x1  }
0x220: {  	v3 =	vadd.s32 v1, v3  }
0x221: {  	[hbm4b:s3+s2] =	stream.indirect_vreg.scatter [tilespmem:s25], [sflag:$0x4], $0x80, v4, vm0, $0xb8;
	[tilespmem:$0x18400] =	vst v63  }
0x222: {  	_ = 	snop  }
0x223: {  	[hbm4b:s5+s2] =	stream.indirect_vreg.scatter [tilespmem:s28], [sflag:$0x4], $0x80, v4, vm1, $0xb8;
	[tilespmem:$0x18400] =	vst v63  }
0x224: {  	_ = 	snop  }
0x225: {  	[hbm4b:s3+s2] =	stream.indirect_vreg.scatter [tilespmem:s29], [sflag:$0x4], $0x80, v3, vm0, $0xb8;
	[tilespmem:$0x18400] =	vst v63  }
0x226: {  	_ = 	snop  }
0x227: {  	[hbm4b:s5+s2] =	stream.indirect_vreg.scatter [tilespmem:s30], [sflag:$0x4], $0x80, v3, vm1, $0xb8;
	[tilespmem:$0x18400] =	vst v63  }
0x228: {  	v3 =	vld [tilespmem:$0x1E0];
	_ =	sdelay $0x4  }
0x229: {  	v62 =	vshrl.u32 v3, $0x3  }
0x22a: {  	v4 =	vmul.u32 $0x18, v62  }
0x22b: {  	v3 =	vand.u32 $0x7, v3  }
0x22c: {  	v3 =	vor.u32 v3, v4  }
0x22d: {  	v4 =	vperm.xlane v3, v0;
	_ =	sdelay $0x1  }
0x22e: {  	v4 =	vadd.s32 v1, v4;
	_ =	sdelay $0x1  }
0x22f: {  	v3 =	vperm.xlane v3, v2;
	_ =	sdelay $0x1  }
0x230: {  	v3 =	vadd.s32 v1, v3  }
0x231: {  	[hbm4b:s3+s2] =	stream.indirect_vreg.scatter [tilespmem:s31], [sflag:$0x4], $0x80, v4, vm0, $0xb8;
	[tilespmem:$0x18400] =	vst v63  }
0x232: {  	s15 =	simm.s32 $0x15C00  }
0x233: {  	[hbm4b:s5+s2] =	stream.indirect_vreg.scatter [tilespmem:s15], [sflag:$0x4], $0x80, v4, vm1, $0xb8;
	[tilespmem:$0x18400] =	vst v63  }
0x234: {  	s17 =	simm.s32 $0x16000  }
0x235: {  	[hbm4b:s3+s2] =	stream.indirect_vreg.scatter [tilespmem:s17], [sflag:$0x4], $0x80, v3, vm0, $0xb8;
	[tilespmem:$0x18400] =	vst v63  }
0x236: {  	s18 =	simm.s32 $0x16800  }
0x237: {  	[hbm4b:s5+s2] =	stream.indirect_vreg.scatter [tilespmem:s18], [sflag:$0x4], $0x80, v3, vm1, $0xb8;
	[tilespmem:$0x18400] =	vst v63  }
0x238: {  	v3 =	vld [tilespmem:$0x1F0];
	_ =	sdelay $0x4  }
0x239: {  	v63 =	vshrl.u32 v3, $0x3  }
0x23a: {  	v4 =	vmul.u32 $0x18, v63  }
0x23b: {  	v3 =	vand.u32 $0x7, v3  }
0x23c: {  	v3 =	vor.u32 v3, v4  }
0x23d: {  	v4 =	vperm.xlane v3, v0;
	_ =	sdelay $0x1  }
0x23e: {  	v4 =	vadd.s32 v1, v4;
	_ =	sdelay $0x1  }
0x23f: {  	v3 =	vperm.xlane v3, v2;
	_ =	sdelay $0x1  }
0x240: {  	s19 =	simm.s32 $0x16C00;
	v3 =	vadd.s32 v1, v3  }
0x241: {  	[hbm4b:s3+s2] =	stream.indirect_vreg.scatter [tilespmem:s19], [sflag:$0x4], $0x80, v4, vm0, $0xb8;
	[tilespmem:$0x18400] =	vst v63  }
0x242: {  	s20 =	simm.s32 $0x17400  }
0x243: {  	[hbm4b:s5+s2] =	stream.indirect_vreg.scatter [tilespmem:s20], [sflag:$0x4], $0x80, v4, vm1, $0xb8;
	[tilespmem:$0x18400] =	vst v63  }
0x244: {  	s21 =	simm.s32 $0x17800  }
0x245: {  	[hbm4b:s3+s2] =	stream.indirect_vreg.scatter [tilespmem:s21], [sflag:$0x4], $0x80, v3, vm0, $0xb8;
	[tilespmem:$0x18400] =	vst v63  }
0x246: {  	s22 =	simm.s32 $0x18000  }
0x247: {  	[hbm4b:s5+s2] =	stream.indirect_vreg.scatter [tilespmem:s22], [sflag:$0x4], $0x80, v3, vm1, $0xb8;
	[tilespmem:$0x18400] =	vst v63  }
0x248: {  	s23 =	simm.s32 $0x100;
	s24 =	simm.s32 $0x300;
	s25 =	simm.s32 $0x80  }
0x249: {  	[hbm4b:s0+s25] =	stream.indirect.scatter [tilespmem:s24], [sflag:$0x4], $0x1, s23, s25, $0xb8;
	[tilespmem:$0x18400] =	vst v63  }
0x24a: {  	s28 =	simm.s32 $0x180;
	s29 =	simm.s32 $0x380;
	s30 =	simm.s32 $0x3  }
0x24b: {  	[hbm4b:s0+s25] =	stream.indirect.scatter [tilespmem:s29], [sflag:$0x4], $0x1, s28, s25, $0xb8;
	[tilespmem:$0x18400] =	vst v63  }
0x24c: {  	_ =	swait.ge [sflag:s30], $0xC000  }
0x24d: {  	[sflag:s30] =	ssyncset.done $0x0  }
0x24e: {  	[sflag:s30] =	ssyncadd.s32 $0xFFFF4000  }
0x24f: {  	_ =	swait.ge [sflag:s30], $0xC000  }
0x250: {  	[sflag:s30] =	ssyncset.done $0x0  }
0x251: {  	[sflag:s30] =	ssyncadd.s32 $0xFFFF4000  }
0x252: {  	_ =	swait.ge [sflag:s30], $0x80  }
0x253: {  	[sflag:s30] =	ssyncset.done $0x0  }
0x254: {  	[sflag:s30] =	ssyncadd.s32 $0xFFFFFF80  }
0x255: {  	_ =	swait.ge [sflag:s30], $0x80  }
0x256: {  	[sflag:s30] =	ssyncset.done $0x0  }
0x257: {  	s31 =	simm.s32 $0x4;
	[sflag:s30] =	ssyncadd.s32 $0xFFFFFF80  }
0x258: {  	_ =	swait.ge [sflag:s31], $0xC000  }
0x259: {  	[sflag:s31] =	ssyncset.done $0x0  }
0x25a: {  	[sflag:s31] =	ssyncadd.s32 $0xFFFF4000  }
0x25b: {  	_ =	swait.ge [sflag:s31], $0xC000  }
0x25c: {  	[sflag:s31] =	ssyncset.done $0x0  }
0x25d: {  	[sflag:s31] =	ssyncadd.s32 $0xFFFF4000  }
0x25e: {  	p0 =	sne.s32 s6, $0x1;
	_ =	swait.ge [sflag:s31], $0x80  }
.Ltmp0:
0x25f: {  	[sflag:s31] =	ssyncset.done $0x0;
	(pc) =	sbr.rel @p0 .LBB2_1-.Ltmp0, $4  }
0x260: {  	[sflag:s31] =	ssyncadd.s32 $0xFFFFFF80  }
0x261: {  	_ =	swait.ge [sflag:s31], $0x80  }
0x262: {  	[sflag:s31] =	ssyncset.done $0x0  }
0x263: {  	s6 =	sadd.s32 $0xFFFFFFFF, s6;
	[sflag:s31] =	ssyncadd.s32 $0xFFFFFF80  }
0x264: {  	_ =	sfence.sel $0x180000  }
0x265: {  	[bflag:$0x0] =	sbarrier.arrive $0xFFFF  }
0x266: {  	_ =	strace $0x90000047  }
0x267: {  	s0 =	stileid.u32;
	[bflag:$0x2] =	sbarrier.arrive $0xFFFF  }
0x268: {  	p0 =	sne.s32 s0, $0x0;
	s0 =	rddreg [dreg:$0x2]  }
0x269: {  	s0 =	sadd.s32 @!p0 $0x100000, s0  }
0x26a: {  	[sflag:s0] =	ssyncadd.tile.s32 @!p0 $0x1;
	_ =	shalt  }
.Lfunc_end2:
_tile_overlayer_lowered:
.L_overlay_start_2:
0x26b: {  	(tag) =	ssettag $0x2  }
0x26c: {  	s0 =	rddreg [dreg:$0x0];
	s2 =	stileid.u32  }
0x26d: {  	s1 =	rddreg [dreg:$0x1];
	p0 =	sne.s32 s2, $0x0  }
0x26e: {  	s3 =	rddreg [dreg:$0x2];
	[bflag:$0x3] =	sbarrier.arrive $0xFFFF;
	s2 =	simm.s32 @!p0 $0x1C05  }
0x26f: {  	[timem:s3], [sflag:s2] =	dma.local @!p0 [hbm:s0], s1  }
0x270: {  	s0 =	simm.s32 @!p0 $0x5  }
0x271: {  	_ =	swait.ge @!p0 [sflag:s0], s1  }
0x272: {  	s1 =	ssub.s32 @!p0 $0x0, s1;
	[sflag:s0] =	ssyncset.done @!p0 $0x0  }
0x273: {  	[sflag:s0] =	ssyncadd.s32 @!p0 s1  }
0x274: {  	[bflag:$0x3] =	sbarrier.arrive $0xFFFF  }
0x275: {  	_ =	shalt  }

// kernel: kernel.9.cloned.1.call-start
scs
__scs_entry_jumppad:
0x0: {  	(pc) =	sbr.rel $0x88, $3  }
0x1: {  	(tag) =	ssettag $0x0;
	lr =	simm.s32 $0x1  }
0x2: {  	[smem:$0x3F9A] =	sst lr;
	_ =	strace $0xD0000000  }
0x3: {  	_ = 	snop  }
0x4: {  	_ = 	snop  }
0x5: {  	_ = 	snop  }
0x6: {  	_ = 	snop  }
0x7: {  	_ = 	snop  }
__scs_overlays_trampoline_lowered:
0x8: {  	[smem:$0x3FA9] =	sst s0  }
0x9: {  	[smem:$0x3FAA] =	sst s1  }
0xa: {  	[smem:$0x3FAB] =	sst s2  }
0xb: {  	[smem:$0x3FAC] =	sst s3  }
0xc: {  	[smem:$0x3FAD] =	sst s4  }
0xd: {  	[smem:$0x3FAE] =	sst s5  }
0xe: {  	[smem:$0x3FAF] =	sst s6  }
0xf: {  	[smem:$0x3FB0] =	sst s7  }
0x10: {  	[smem:$0x3FB1] =	sst s8  }
0x11: {  	[smem:$0x3FB2] =	sst s9;
	s0 =	simm.s32 @!p0 $0x0  }
0x12: {  	s1 =	sld [smem:$0x3F98];
	s0 =	simm.s32 @p0 $0x1  }
0x13: {  	[smem:$0x3FB3] =	sst s0;
	s0 =	simm.s32 @!p1 $0x0  }
0x14: {  	s2 =	sld [smem:$0x3F97];
	s0 =	simm.s32 @p1 $0x1  }
0x15: {  	[smem:$0x3FB4] =	sst s0;
	s0 =	simm.s32 @!p2 $0x0  }
0x16: {  	s3 =	sld [smem:$0x3FDB];
	s0 =	simm.s32 @p2 $0x1  }
0x17: {  	s4 =	simm.s32 $0x1BF5;
	[smem:$0x3FB6] =	sst s0  }
0x18: {  	s0 =	sld [smem:$0x3F99];
	_ =	swait.ge [sflag:s4], $0x0  }
0x19: {  	s7 =	sld [smem:$0x3F9A]  }
0x1a: {  	s8 =	sadd.s32 $0xFFFFE003, lr  }
0x1b: {  	s9 =	sadd.s32 $0xFFFFFEF7, lr;
	s5 =	simm.s32 $0xFFFFFFFF;
	p2 =	slt.u32 s8, $0xFFFFF086  }
0x1c: {  	p1 =	slt.u32 s9, $0xF7A;
	s5 =	simm.s32 @!p2 $0x0  }
0x1d: {  	s5 =	simm.s32 @p1 $0x1;
	p0 =	seq.s32 s7, s2  }
0x1e: {  	s7 =	smul.u32 @!p0 $0xF7A, s2;
	p2 =	seq.s32 @!p0 s5, $0x0  }
0x1f: {  	s9 =	smul.u32 $0xF7A, s1;
	s8 =	simm.s32 @!p0 $0x1BF5;
	p2 =	por !p2, p0  }
0x20: {  	[sflag:s8] =	ssyncset.s32 @!p0 $0xFFFFF086;
	s6 =	sadd.s32 @!p0 s3, s7;
	s7 =	simm.s32 @!p0 $0x108  }
0x21: {  	s3 =	sadd.s32 s3, s9;
	s6 =	sadd.s32 @!p0 $0x88, s6;
	s7 =	simm.s32 @p2 $0x1082  }
0x22: {  	[simem:s7], [sflag:s8] =	dma.local @!p0 [hbm:s6], $0xF7A  }
0x23: {  	s9 =	sor.u32 $0xD0000000, s2;
	s6 =	simm.s32 $0x108;
	_ =	swait.ge @!p0 [sflag:s8], $0x0  }
0x24: {  	s3 =	sadd.s32 $0x88, s3;
	s6 =	simm.s32 @!p1 $0x1082;
	[sflag:s4] =	ssyncset.s32 $0xFFFFF086  }
0x25: {  	[simem:s6], [sflag:s4] =	dma.local [hbm:s3], $0xF7A  }
0x26: {  	[smem:$0x3F9A] =	sst s1;
	(tag) =	ssettag s2;
	_ =	strace s9  }
0x27: {  	s1 =	sld [smem:$0x3FAA]  }
0x28: {  	s2 =	sld [smem:$0x3FAB]  }
0x29: {  	s4 =	sld [smem:$0x3FAD]  }
0x2a: {  	p0 =	seq.s32 s5, $0x0;
	s5 =	sld [smem:$0x3FAE]  }
0x2b: {  	s6 =	sld [smem:$0x3FAF]  }
0x2c: {  	s7 =	sld [smem:$0x3FB0]  }
0x2d: {  	s3 =	simm.s32 $0x108;
	s8 =	sld [smem:$0x3FB1]  }
0x2e: {  	s3 =	simm.s32 @!p0 $0x1082;
	s9 =	sld [smem:$0x3FB2]  }
0x2f: {  	lr =	sadd.s32 s0, s3;
	s0 =	sld [smem:$0x3FA9]  }
0x30: {  	s3 =	sld [smem:$0x3FAC]  }
0x31: {  	[smem:$0x3FB5] =	sst s10  }
0x32: {  	s10 =	sld [smem:$0x3FB3];
	_ =	sdelay $0x3  }
0x33: {  	p0 =	seq.s32 s10, $0x1;
	s10 =	sld [smem:$0x3FB5];
	_ =	sdelay $0x3  }
0x34: {  	[smem:$0x3FB5] =	sst s10  }
0x35: {  	s10 =	sld [smem:$0x3FB4];
	_ =	sdelay $0x3  }
0x36: {  	p1 =	seq.s32 s10, $0x1;
	s10 =	sld [smem:$0x3FB5];
	_ =	sdelay $0x3  }
0x37: {  	[smem:$0x3FB5] =	sst s10  }
0x38: {  	s10 =	sld [smem:$0x3FB6]  }
0x39: {  	_ = 	snop;
	(pc) =	sbr.ind lr, $3  }
0x3a: {  	_ = 	snop  }
0x3b: {  	_ = 	snop  }
0x3c: {  	p2 =	seq.s32 s10, $0x1;
	s10 =	sld [smem:$0x3FB5]  }
0x3d: {  	_ =	shalt  }
0x3e: {  	_ =	shalt  }
0x3f: {  	_ =	shalt  }
0x40: {  	_ =	shalt  }
0x41: {  	_ =	shalt  }
0x42: {  	_ =	shalt  }
0x43: {  	_ =	shalt  }
0x44: {  	_ =	shalt  }
0x45: {  	_ =	shalt  }
0x46: {  	_ =	shalt  }
0x47: {  	_ =	shalt  }
0x48: {  	_ =	shalt  }
0x49: {  	_ =	shalt  }
0x4a: {  	_ =	shalt  }
0x4b: {  	_ =	shalt  }
0x4c: {  	_ =	shalt  }
0x4d: {  	_ =	shalt  }
0x4e: {  	_ =	shalt  }
0x4f: {  	_ =	shalt  }
0x50: {  	_ =	shalt  }
0x51: {  	_ =	shalt  }
0x52: {  	_ =	shalt  }
0x53: {  	_ =	shalt  }
0x54: {  	_ =	shalt  }
0x55: {  	_ =	shalt  }
0x56: {  	_ =	shalt  }
0x57: {  	_ =	shalt  }
0x58: {  	_ =	shalt  }
0x59: {  	_ =	shalt  }
0x5a: {  	_ =	shalt  }
0x5b: {  	_ =	shalt  }
0x5c: {  	_ =	shalt  }
0x5d: {  	_ =	shalt  }
0x5e: {  	_ =	shalt  }
0x5f: {  	_ =	shalt  }
0x60: {  	_ =	shalt  }
0x61: {  	_ =	shalt  }
0x62: {  	_ =	shalt  }
0x63: {  	_ =	shalt  }
0x64: {  	_ =	shalt  }
0x65: {  	_ =	shalt  }
0x66: {  	_ =	shalt  }
0x67: {  	_ =	shalt  }
0x68: {  	_ =	shalt  }
0x69: {  	_ =	shalt  }
0x6a: {  	_ =	shalt  }
0x6b: {  	_ =	shalt  }
0x6c: {  	_ =	shalt  }
0x6d: {  	_ =	shalt  }
0x6e: {  	_ =	shalt  }
0x6f: {  	_ =	shalt  }
0x70: {  	_ =	shalt  }
0x71: {  	_ =	shalt  }
0x72: {  	_ =	shalt  }
0x73: {  	_ =	shalt  }
0x74: {  	_ =	shalt  }
0x75: {  	_ =	shalt  }
0x76: {  	_ =	shalt  }
0x77: {  	_ =	shalt  }
0x78: {  	_ =	shalt  }
0x79: {  	_ =	shalt  }
0x7a: {  	_ =	shalt  }
0x7b: {  	_ =	shalt  }
0x7c: {  	_ =	shalt  }
0x7d: {  	_ =	shalt  }
0x7e: {  	_ =	shalt  }
0x7f: {  	_ =	shalt  }
0x80: {  	_ =	shalt  }
0x81: {  	_ =	shalt  }
0x82: {  	_ =	shalt  }
0x83: {  	_ =	shalt  }
0x84: {  	_ =	shalt  }
0x85: {  	_ =	shalt  }
0x86: {  	_ =	shalt  }
0x87: {  	_ =	shalt  }
.Lfunc_end0:
.L_simem_size_0:
called_computation.1_lowered:
.L_overlay_start_0:
0x88: {  	s2 =	sld [smem:$0x3FD9]  }
0x89: {  	s3 =	sld [smem:$0x3FFE];
	_ =	sdelay $0x1  }
0x8a: {  	s1 =	srdreg.scid  }
0x8b: {  	s0 =	sand.u32 $0x1, s1  }
0x8c: {  	s17 =	sshll.u32 s0, $0xA;
	s2 =	sadd.s32 s3, s2  }
0x8d: {  	s2 =	sadd.s32 s2, s17  }
0x8e: {  	[smem:$0x3FC1] =	sst s2  }
0x8f: {  	_ = 	snop  }
0x90: {  	s2 =	sld [smem:$0x3FD0];
	(tm) =	ssettm $0x1  }
0x91: {  	s18 =	sld [smem:$0x3FFB];
	_ =	sdelay $0x3  }
0x92: {  	_ =	strace s18  }
0x93: {  	s3 =	sld [smem:$0x3FFC];
	_ =	sdelay $0x3  }
0x94: {  	_ =	strace s3  }
0x95: {  	s3 =	sld [smem:$0x3FFD];
	_ =	sdelay $0x3  }
0x96: {  	_ =	strace s3  }
0x97: {  	_ =	strace $0x8FFFFFFF  }
0x98: {  	s19 =	sld [smem:$0x3FDB];
	_ =	sdelay $0x1  }
0x99: {  	s4 =	simm.s32 $_scs_section_size  }
0x9a: {  	s5 =	simm.s32 $_size__tile_overlayer_lowered;
	s6 =	simm.s32 $_tile_overlayer_lowered  }
0x9b: {  	s22 =	simm.s32 $0x1BFF;
	s21 =	sshll.u32 s6, $0x1;
	s3 =	sadd.s32 s4, s19  }
0x9c: {  	s7 =	simm.s32 $0x0;
	s20 =	sshll.u32 s5, $0x1;
	s5 =	sadd.s32 s21, s3  }
0x9d: {  	[timem:s7], [sflag:s22] =	dma.local [hbm:s5], s20  }
0x9e: {  	_ =	swait.ge [sflag:s22], s20  }
0x9f: {  	s4 =	ssub.s32 $0x0, s20;
	[sflag:s22] =	ssyncset.done $0x0  }
0xa0: {  	[sflag:s22] =	ssyncadd.s32 s4;
	_ =	sdelay $0x1  }
0xa1: {  	s23 =	simm.s32 $0x1B8B  }
0xa2: {  	_ =	swait.ge [sflag:s23], $0x1  }
0xa3: {  	[sflag:s23] =	ssyncset.done $0x0  }
0xa4: {  	s25 =	simm.s32 $0x1B8E;
	s24 =	sld [smem:$0x3FFE];
	[sflag:s23] =	ssyncadd.s32 $0xFFFFFFFF  }
0xa5: {  	s26 =	simm.s32 $execute0_lowered;
	[smem:$0x3FD2] =	sst s25  }
0xa6: {  	s5 =	sshll.u32 s26, $0x1;
	_ =	strace $0x80000049;
	[dreg:$0x1] =	wrdreg $0xFFFFFFFF  }
0xa7: {  	s28 =	simm.s32 $_size_execute0_lowered;
	s3 =	sadd.s32 s3, s5;
	[dreg:$0x0] =	wrdreg $0x0  }
0xa8: {  	s5 =	sshll.u32 s28, $0x1;
	[dreg:$0x2] =	wrdreg s3  }
0xa9: {  	[dreg:$0x3] =	wrdreg s5  }
0xaa: {  	[dreg:$0x4] =	wrdreg $0xC0  }
0xab: {  	_ =	task [dreg:s7], $0x5FFFF  }
0xac: {  	[dreg:$0x1] =	wrdreg $0xFFFFFFFF  }
0xad: {  	[dreg:$0x0] =	wrdreg $0x60  }
0xae: {  	[dreg:$0x2] =	wrdreg s24  }
0xaf: {  	[dreg:$0x3] =	wrdreg s2  }
0xb0: {  	[dreg:$0x4] =	wrdreg $0x9  }
0xb1: {  	_ =	task.clear_ibuf [dreg:s7], $0x5FFFF;
	_ =	strace $0x90000049  }
0xb2: {  	s29 =	simm.s32 $0x9;
	_ =	strace $0x8000004B  }
0xb3: {  	_ =	swait.ge [sflag:s29], $0x1  }
0xb4: {  	[sflag:s29] =	ssyncadd.s32 $0xFFFFFFFF  }
0xb5: {  	_ =	strace $0x9000004B  }
0xb6: {  	_ =	sfence  }
0xb7: {  	s30 =	sld [smem:$0x0];
	_ =	sdelay $0x2  }
0xb8: {  	s31 =	sshll.u32 s1, $0xD;
	s1 =	sshrl.u32 s1, $0x2  }
0xb9: {  	s3 =	sand.u32 $0x4000, s31;
	s1 =	sadd.s32 s1, s30  }
0xba: {  	s0 =	sor.u32 s3, s0;
	s1 =	sshll.u32 s1, $0x11  }
0xbb: {  	s0 =	sor.u32 s1, s0  }
0xbc: {  	s0 =	sadd.s32 $0x8F2B, s0  }
0xbd: {  	[sflag:s0] =	ssyncadd.remote.s32 $0x1  }
0xbe: {  	_ =	sfence.sel $0xFFFF  }
0xbf: {  	[dreg:$0x0] =	wrdreg $0xFFFFFFFF;
	(pc) =	sbr.abs _section_cstart, $3  }
0xc0: {  	[dreg:$0x1] =	wrdreg $0xFFFFFFFF  }
0xc1: {  	_ =	task.clear_ibuf [dreg:s7], $0x2FFFF;
	_ =	strace $0x9FFFFFFF  }
0xc2: {  	(tm) =	ssettm $0x7FFFFFFF  }
0xc3: {  	_ =	shalt  }
tec
execute0_lowered:
.L_overlay_start_1:
0x0: {  	(tag) =	ssettag $0x1  }
0x1: {  	s0 =	rddreg [dreg:$0x0]  }
0x2: {  	s13 =	rddreg [dreg:$0x1];
	s3 =	simm.s32 $0x0  }
0x3: {  	s1 =	srdreg.scid;
	s2 =	stileid.u32;
	s21 =	simm.s32 $0x5  }
0x4: {  	s16 =	simm.s32 $0x0;
	[smem:$0x7FF] =	sst s3;
	s4 =	sadd.s32 $0xC1600, s0  }
0x5: {  	s2 =	sshll.u32 s2, $0x9;
	s5 =	sadd.s32 $0xC1A00, s0;
	s7 =	sadd.s32 $0x1600, s0  }
0x6: {  	s1 =	sand.u32 $0x1, s1;
	s8 =	sadd.s32 $0x222200, s0;
	s10 =	sadd.s32 $0x222300, s0  }
0x7: {  	s12 =	sadd.s32 $0x222400, s0;
	s20 =	sadd.s32 $0x600, s13;
	s6 =	sshll.u32 s1, $0x8  }
0x8: {  	s13 =	simm.s32 $0x2;
	s1 =	ssub.s32 $0x2, s1;
	s6 =	sor.u32 s6, s2  }
0x9: {  	_ =	strace $0x8000004A;
	s23 =	sshrl.u32 s1, $0x1;
	s9 =	sshrl.u32 s6, $0x3  }
0xa: {  	s1 =	ssub.s32 s1, s23;
	s30 =	sor.u32 $0x20, s6;
	s18 =	sor.u32 $0x30, s6  }
0xb: {  	s24 =	sadd.s32 s4, s9;
	s25 =	smul.u32 $0x300, s9;
	[dreg:$0x9] =	wrdreg s30  }
0xc: {  	s11 =	sor.u32 $0x2, s9;
	s9 =	sadd.s32 s5, s9;
	[dreg:$0x3] =	wrdreg s24  }
0xd: {  	s31 =	smax.u32 s1, $0x1;
	s1 =	simm.s32 $0x15200;
	[dreg:$0x4] =	wrdreg s9  }
.Ltmp0:
0xe: {  	s28 =	sadd.s32 s4, s11;
	[dreg:$0xa] =	wrdreg s31;
	(pc) =	sbr.rel .LBB2_1-.Ltmp0, $4  }
0xf: {  	s26 =	smul.u32 $0x300, s11;
	s29 =	sadd.s32 s5, s11;
	[dreg:$0x6] =	wrdreg s28  }
0x10: {  	v2 =	vlaneseq.u32;
	s9 =	simm.s32 $0x1;
	s2 =	sadd.s32 s7, s25;
	[dreg:$0x7] =	wrdreg s29  }
0x11: {  	vm0 =	vmmov $0xffff;
	v1 =	vshrl.u32 v2, $0x3;
	s11 =	simm.s32 $0x9200;
	[dreg:$0x5] =	wrdreg s2;
	s0 =	sadd.s32 s7, s26  }
0x12: {  	v0 =	vand.u32 $0x7, v2;
	v2 =	vor.u32 $0x8, v2;
	v1 =	vmul.u32 $0x8, v1;
	s2 =	simm.s32 $0x12200;
	[dreg:$0x8] =	wrdreg s0;
	s0 =	simm.s32 $0x11A00  }
.LBB2_10:
0x13: {  	s14 =	simm.s32 $0x3  }
0x14: {  	_ =	swait.ge [sflag:s14], $0x3000  }
0x15: {  	[sflag:s14] =	ssyncset.done $0x0  }
0x16: {  	s15 =	simm.s32 $0x4;
	[sflag:s14] =	ssyncadd.s32 $0xFFFFD000  }
0x17: {  	_ =	swait.ge [sflag:s15], $0x3000  }
0x18: {  	s16 =	rddreg [dreg:$0xb]  }
0x19: {  	s31 =	rddreg [dreg:$0xa];
	s16 =	sadd.s32 $0x1, s16  }
0x1a: {  	p0 =	sne.s32 s16, s31  }
.Ltmp1:
0x1b: {  	_ = 	snop;
	(pc) =	sbr.rel @!p0 .LBB2_11-.Ltmp1, $3  }
0x1c: {  	_ =	sdelay $0x1  }
0x1d: {  	[sflag:s15] =	ssyncset.done $0x0  }
0x1e: {  	[sflag:s15] =	ssyncadd.s32 $0xFFFFD000  }
.LBB2_1:
0x1f: {  	[dreg:$0xb] =	wrdreg s16  }
0x20: {  	s14 =	rddreg [dreg:$0x3]  }
0x21: {  	[tilespmem:s3], [sflag:$0x5] =	stream.linear.gather [hbm4b:s14+s3], $0x10, $0x38;
	[tilespmem:$0x18200] =	vst v63  }
0x22: {  	_ =	swait.ge [sflag:s21], $0x10  }
0x23: {  	[sflag:s21] =	ssyncset.done $0x0  }
0x24: {  	s15 =	simm.s32 $0x80;
	s25 =	rddreg [dreg:$0x4];
	[sflag:s21] =	ssyncadd.s32 $0xFFFFFFF0  }
0x25: {  	[tilespmem:s15], [sflag:$0x5] =	stream.linear.gather [hbm4b:s25+s3], $0x10, $0x38;
	[tilespmem:$0x18200] =	vst v63  }
0x26: {  	_ =	swait.ge [sflag:s21], $0x10  }
0x27: {  	[sflag:s21] =	ssyncset.done $0x0  }
0x28: {  	[sflag:s21] =	ssyncadd.s32 $0xFFFFFFF0  }
0x29: {  	v3 =	vld [tilespmem:$0x0];
	_ =	sdelay $0x4  }
0x2a: {  	v4 =	vshrl.u32 v3, $0x3  }
0x2b: {  	v4 =	vmul.u32 $0x30, v4  }
0x2c: {  	v3 =	vand.u32 $0x7, v3  }
0x2d: {  	v3 =	vor.u32 v3, v4  }
0x2e: {  	v4 =	vperm.xlane v3, v0;
	_ =	sdelay $0x1  }
0x2f: {  	v4 =	vadd.s32 v1, v4;
	_ =	sdelay $0x3  }
0x30: {  	s26 =	simm.s32 $0x200;
	v3 =	vperm.xlane v3, v2  }
0x31: {  	[tilespmem:s26], [sflag:$0x1] =	stream.indirect_vreg.gather [hbm4b:s8+s3], $0x80, v4, vm0, $0xb8;
	[tilespmem:$0x18200] =	vst v63  }
0x32: {  	s28 =	simm.s32 $0xA00;
	v3 =	vadd.s32 v1, v3  }
0x33: {  	[tilespmem:s28], [sflag:$0x1] =	stream.indirect_vreg.gather [hbm4b:s10+s3], $0x80, v4, vm0, $0xb8;
	[tilespmem:$0x18200] =	vst v63  }
0x34: {  	s29 =	simm.s32 $0x1200  }
0x35: {  	[tilespmem:s29], [sflag:$0x1] =	stream.indirect_vreg.gather [hbm4b:s12+s3], $0x80, v4, vm0, $0xb8;
	[tilespmem:$0x18200] =	vst v63  }
0x36: {  	s30 =	simm.s32 $0x1A00  }
0x37: {  	[tilespmem:s30], [sflag:$0x1] =	stream.indirect_vreg.gather [hbm4b:s8+s3], $0x80, v3, vm0, $0xb8;
	[tilespmem:$0x18200] =	vst v63  }
0x38: {  	s31 =	simm.s32 $0x2200  }
0x39: {  	[tilespmem:s31], [sflag:$0x1] =	stream.indirect_vreg.gather [hbm4b:s10+s3], $0x80, v3, vm0, $0xb8;
	[tilespmem:$0x18200] =	vst v63  }
0x3a: {  	s15 =	simm.s32 $0x2A00  }
0x3b: {  	[tilespmem:s15], [sflag:$0x1] =	stream.indirect_vreg.gather [hbm4b:s12+s3], $0x80, v3, vm0, $0xb8;
	[tilespmem:$0x18200] =	vst v63  }
0x3c: {  	v3 =	vld [tilespmem:$0x80];
	_ =	sdelay $0x4  }
0x3d: {  	v61 =	vshrl.u32 v3, $0x3  }
0x3e: {  	v4 =	vmul.u32 $0x30, v61  }
0x3f: {  	v3 =	vand.u32 $0x7, v3  }
0x40: {  	v3 =	vor.u32 v3, v4  }
0x41: {  	v4 =	vperm.xlane v3, v0;
	_ =	sdelay $0x1  }
0x42: {  	v4 =	vadd.s32 v1, v4;
	_ =	sdelay $0x3  }
0x43: {  	s16 =	simm.s32 $0x3200;
	v3 =	vperm.xlane v3, v2  }
0x44: {  	[tilespmem:s16], [sflag:$0x1] =	stream.indirect_vreg.gather [hbm4b:s8+s3], $0x80, v4, vm0, $0xb8;
	[tilespmem:$0x18200] =	vst v63  }
0x45: {  	s17 =	simm.s32 $0x3A00;
	v3 =	vadd.s32 v1, v3  }
0x46: {  	[tilespmem:s17], [sflag:$0x1] =	stream.indirect_vreg.gather [hbm4b:s10+s3], $0x80, v4, vm0, $0xb8;
	[tilespmem:$0x18200] =	vst v63  }
0x47: {  	s19 =	simm.s32 $0x4200  }
0x48: {  	[tilespmem:s19], [sflag:$0x1] =	stream.indirect_vreg.gather [hbm4b:s12+s3], $0x80, v4, vm0, $0xb8;
	[tilespmem:$0x18200] =	vst v63  }
0x49: {  	s22 =	simm.s32 $0x4A00  }
0x4a: {  	[tilespmem:s22], [sflag:$0x1] =	stream.indirect_vreg.gather [hbm4b:s8+s3], $0x80, v3, vm0, $0xb8;
	[tilespmem:$0x18200] =	vst v63  }
0x4b: {  	s23 =	simm.s32 $0x5200  }
0x4c: {  	[tilespmem:s23], [sflag:$0x1] =	stream.indirect_vreg.gather [hbm4b:s10+s3], $0x80, v3, vm0, $0xb8;
	[tilespmem:$0x18200] =	vst v63  }
0x4d: {  	s24 =	simm.s32 $0x5A00  }
0x4e: {  	[tilespmem:s24], [sflag:$0x1] =	stream.indirect_vreg.gather [hbm4b:s12+s3], $0x80, v3, vm0, $0xb8;
	[tilespmem:$0x18200] =	vst v63  }
0x4f: {  	s25 =	rddreg [dreg:$0x5];
	s26 =	simm.s32 $0x6200  }
0x50: {  	[tilespmem:s26], [sflag:$0x1] =	stream.linear.gather [hbm4b:s25+s3], $0x3000, $0x38;
	[tilespmem:$0x18200] =	vst v63  }
0x51: {  	s28 =	rddreg [dreg:$0x6];
	s29 =	simm.s32 $0x100  }
0x52: {  	[tilespmem:s29], [sflag:$0x5] =	stream.linear.gather [hbm4b:s28+s3], $0x10, $0x38;
	[tilespmem:$0x18200] =	vst v63  }
0x53: {  	_ =	swait.ge [sflag:s21], $0x10  }
0x54: {  	[sflag:s21] =	ssyncset.done $0x0  }
0x55: {  	s31 =	simm.s32 $0x180;
	s30 =	rddreg [dreg:$0x7];
	[sflag:s21] =	ssyncadd.s32 $0xFFFFFFF0  }
0x56: {  	[tilespmem:s31], [sflag:$0x5] =	stream.linear.gather [hbm4b:s30+s3], $0x10, $0x38;
	[tilespmem:$0x18200] =	vst v63  }
0x57: {  	_ =	swait.ge [sflag:s21], $0x10  }
0x58: {  	[sflag:s21] =	ssyncset.done $0x0  }
0x59: {  	[sflag:s21] =	ssyncadd.s32 $0xFFFFFFF0  }
0x5a: {  	v3 =	vld [tilespmem:$0x100];
	_ =	sdelay $0x4  }
0x5b: {  	v62 =	vshrl.u32 v3, $0x3  }
0x5c: {  	v4 =	vmul.u32 $0x30, v62  }
0x5d: {  	v3 =	vand.u32 $0x7, v3  }
0x5e: {  	v3 =	vor.u32 v3, v4  }
0x5f: {  	v4 =	vperm.xlane v3, v0;
	_ =	sdelay $0x1  }
0x60: {  	v4 =	vadd.s32 v1, v4;
	_ =	sdelay $0x3  }
0x61: {  	s16 =	simm.s32 $0xC200;
	v3 =	vperm.xlane v3, v2  }
0x62: {  	[tilespmem:s16], [sflag:$0x2] =	stream.indirect_vreg.gather [hbm4b:s8+s3], $0x80, v4, vm0, $0xb8;
	[tilespmem:$0x18200] =	vst v63  }
0x63: {  	s17 =	simm.s32 $0xCA00;
	v3 =	vadd.s32 v1, v3  }
0x64: {  	[tilespmem:s17], [sflag:$0x2] =	stream.indirect_vreg.gather [hbm4b:s10+s3], $0x80, v4, vm0, $0xb8;
	[tilespmem:$0x18200] =	vst v63  }
0x65: {  	s19 =	simm.s32 $0xD200  }
0x66: {  	[tilespmem:s19], [sflag:$0x2] =	stream.indirect_vreg.gather [hbm4b:s12+s3], $0x80, v4, vm0, $0xb8;
	[tilespmem:$0x18200] =	vst v63  }
0x67: {  	s22 =	simm.s32 $0xDA00  }
0x68: {  	[tilespmem:s22], [sflag:$0x2] =	stream.indirect_vreg.gather [hbm4b:s8+s3], $0x80, v3, vm0, $0xb8;
	[tilespmem:$0x18200] =	vst v63  }
0x69: {  	s23 =	simm.s32 $0xE200  }
0x6a: {  	[tilespmem:s23], [sflag:$0x2] =	stream.indirect_vreg.gather [hbm4b:s10+s3], $0x80, v3, vm0, $0xb8;
	[tilespmem:$0x18200] =	vst v63  }
0x6b: {  	s24 =	simm.s32 $0xEA00  }
0x6c: {  	[tilespmem:s24], [sflag:$0x2] =	stream.indirect_vreg.gather [hbm4b:s12+s3], $0x80, v3, vm0, $0xb8;
	[tilespmem:$0x18200] =	vst v63  }
0x6d: {  	v3 =	vld [tilespmem:$0x180];
	_ =	sdelay $0x4  }
0x6e: {  	v63 =	vshrl.u32 v3, $0x3  }
0x6f: {  	v4 =	vmul.u32 $0x30, v63  }
0x70: {  	v3 =	vand.u32 $0x7, v3  }
0x71: {  	v3 =	vor.u32 v3, v4  }
0x72: {  	v4 =	vperm.xlane v3, v0;
	_ =	sdelay $0x1  }
0x73: {  	v4 =	vadd.s32 v1, v4;
	_ =	sdelay $0x3  }
0x74: {  	s25 =	simm.s32 $0xF200;
	v3 =	vperm.xlane v3, v2  }
0x75: {  	[tilespmem:s25], [sflag:$0x2] =	stream.indirect_vreg.gather [hbm4b:s8+s3], $0x80, v4, vm0, $0xb8;
	[tilespmem:$0x18200] =	vst v63  }
0x76: {  	s26 =	simm.s32 $0xFA00;
	v3 =	vadd.s32 v1, v3  }
0x77: {  	[tilespmem:s26], [sflag:$0x2] =	stream.indirect_vreg.gather [hbm4b:s10+s3], $0x80, v4, vm0, $0xb8;
	[tilespmem:$0x18200] =	vst v63  }
0x78: {  	s28 =	simm.s32 $0x10200  }
0x79: {  	[tilespmem:s28], [sflag:$0x2] =	stream.indirect_vreg.gather [hbm4b:s12+s3], $0x80, v4, vm0, $0xb8;
	[tilespmem:$0x18200] =	vst v63  }
0x7a: {  	s29 =	simm.s32 $0x10A00  }
0x7b: {  	[tilespmem:s29], [sflag:$0x2] =	stream.indirect_vreg.gather [hbm4b:s8+s3], $0x80, v3, vm0, $0xb8;
	[tilespmem:$0x18200] =	vst v63  }
0x7c: {  	s30 =	simm.s32 $0x11200  }
0x7d: {  	[tilespmem:s30], [sflag:$0x2] =	stream.indirect_vreg.gather [hbm4b:s10+s3], $0x80, v3, vm0, $0xb8;
	[tilespmem:$0x18200] =	vst v63  }
0x7e: {  	_ = 	snop  }
0x7f: {  	[tilespmem:s0], [sflag:$0x2] =	stream.indirect_vreg.gather [hbm4b:s12+s3], $0x80, v3, vm0, $0xb8;
	[tilespmem:$0x18200] =	vst v63  }
0x80: {  	s31 =	rddreg [dreg:$0x8];
	s17 =	simm.s32 $0x0  }
0x81: {  	[tilespmem:s2], [sflag:$0x2] =	stream.linear.gather [hbm4b:s31+s3], $0x3000, $0x38;
	[tilespmem:$0x18200] =	vst v63  }
.LBB2_2:
0x82: {  	_ =	swait.ge [sflag:s9], $0x3000  }
0x83: {  	s14 =	simm.s32 $0x0;
	p0 =	seq.s32 s17, $0x0;
	s22 =	simm.s32 $0x1  }
0x84: {  	[sflag:s9] =	ssyncset.done $0x0;
	s16 =	smul.u32 $0xAAAB, s14;
	s19 =	simm.s32 @!p0 $0x3  }
0x85: {  	s14 =	sshll.u32 s17, $0x5;
	s24 =	smul.u32 $0xAAAB, s22;
	[sflag:s9] =	ssyncadd.s32 $0xFFFFD000  }
0x86: {  	_ =	swait.ge [sflag:s9], $0x3000;
	s15 =	sshrl.u32 s16, $0x15;
	s29 =	sshrl.u32 s16, $0x18  }
0x87: {  	s16 =	sshrl.u32 s16, $0xE;
	s30 =	sshrl.u32 s24, $0x15;
	s23 =	smul.u32 $0x30, s15  }
0x88: {  	[sflag:s9] =	ssyncset.done $0x0;
	s15 =	sor.u32 s6, s14;
	s25 =	smul.u32 $0x1800, s29  }
0x89: {  	s16 =	sand.u32 $0x380, s16;
	s29 =	sshrl.u32 s24, $0x18;
	[sflag:s9] =	ssyncadd.s32 $0xFFFFD000  }
0x8a: {  	_ =	swait.ge [sflag:s9], $0x3000;
	s28 =	ssub.s32 $0x0, s23;
	s23 =	smul.u32 $0x30, s30  }
0x8b: {  	s24 =	sshrl.u32 s24, $0xE;
	s30 =	smul.u32 $0x1800, s29;
	[sflag:s9] =	ssyncset.done $0x0  }
0x8c: {  	s26 =	sshll.u32 s28, $0x7;
	s22 =	sshll.u32 s28, $0x4;
	[sflag:s9] =	ssyncadd.s32 $0xFFFFD000  }
0x8d: {  	s26 =	sand.u32 $0x1C00, s26;
	s31 =	sand.u32 $0x70, s22;
	_ =	swait.ge @!p0 [sflag:s19], $0x3000  }
0x8e: {  	s25 =	sadd.s32 s26, s25;
	s26 =	ssub.s32 $0x1, s23;
	[sflag:s19] =	ssyncset.done @!p0 $0x0  }
0x8f: {  	s16 =	sor.u32 s16, s25;
	[sflag:s19] =	ssyncadd.s32 @!p0 $0xFFFFD000;
	s19 =	simm.s32 $0x2  }
0x90: {  	s28 =	sshll.u32 s26, $0x7;
	s16 =	sor.u32 s31, s16;
	s22 =	smul.u32 $0xAAAB, s19  }
0x91: {  	s23 =	simm.s32 $0x3;
	s25 =	sshll.u32 s26, $0x4;
	s28 =	sand.u32 $0x1C00, s28;
	v3 =	vld [tilespmem:s16+$0x6200]  }
0x92: {  	s31 =	sand.u32 $0x380, s24;
	v5 =	vld [tilespmem:s16+$0x200];
	s26 =	sadd.s32 s28, s30;
	s29 =	sshrl.u32 s22, $0x15  }
0x93: {  	s25 =	sand.u32 $0x70, s25;
	v4 =	vld [tilespmem:s16+$0x3200];
	s26 =	sor.u32 s31, s26;
	s24 =	smul.u32 $0x30, s29  }
.LBB2_3:
0x94: {  	s28 =	smov.u32 s22;
	s22 =	smul.u32 $0xAAAB, s23  }
0x95: {  	s29 =	smov.u32 s16;
	s16 =	sor.u32 s25, s26;
	s25 =	smov.u32 s19  }
0x96: {  	s19 =	smov.u32 s23;
	p1 =	sne.s32 s23, $0x2FF;
	s24 =	ssub.s32 s25, s24  }
.Ltmp2:
0x97: {  	s25 =	sshrl.u32 s28, $0x18;
	s26 =	sshrl.u32 s28, $0xE;
	v6 =	vadd.f32 v5, v3;
	v3 =	vld [tilespmem:s16+$0x6200];
	(pc) =	sbr.rel @p1 .LBB2_3-.Ltmp2, $4  }
0x98: {  	s28 =	sshrl.u32 s22, $0x15;
	s25 =	smul.u32 $0x1800, s25;
	s30 =	sshll.u32 s24, $0x7;
	v5 =	vld [tilespmem:s16+$0x200]  }
0x99: {  	s23 =	sadd.s32 $0x1, s23;
	s30 =	sand.u32 $0x1C00, s30;
	v6 =	vadd.f32 v4, v6  }
0x9a: {  	s31 =	sshll.u32 s24, $0x4;
	s26 =	sand.u32 $0x380, s26;
	s30 =	sadd.s32 s30, s25;
	v4 =	vld [tilespmem:s16+$0x3200]  }
0x9b: {  	s24 =	smul.u32 $0x30, s28;
	s25 =	sand.u32 $0x70, s31;
	s26 =	sor.u32 s26, s30;
	[tilespmem:s29+$0x9200] =	vst v6  }
0x9c: {  	_ = 	snop  }
0x9d: {  	s23 =	sshrl.u32 s22, $0x18;
	s19 =	ssub.s32 s19, s24  }
0x9e: {  	v3 =	vadd.f32 v5, v3;
	s23 =	smul.u32 $0x1800, s23;
	s28 =	sshll.u32 s19, $0x7  }
0x9f: {  	s26 =	sor.u32 s25, s26;
	s29 =	sshrl.u32 s22, $0xE;
	s25 =	sand.u32 $0x1C00, s28  }
0xa0: {  	v62 =	vld [tilespmem:s26+$0x6200];
	s22 =	sand.u32 $0x380, s29;
	s19 =	sshll.u32 s19, $0x4;
	v3 =	vadd.f32 v4, v3;
	s23 =	sadd.s32 s25, s23  }
0xa1: {  	v6 =	vld [tilespmem:s26+$0x200];
	s19 =	sand.u32 $0x70, s19;
	s22 =	sor.u32 s22, s23  }
0xa2: {  	v63 =	vld [tilespmem:s26+$0x3200];
	[tilespmem:s16+$0x9200] =	vst v3;
	s30 =	sor.u32 s19, s22  }
0xa3: {  	v3 =	vld [tilespmem:s30+$0x6200]  }
0xa4: {  	v7 =	vld [tilespmem:s30+$0x200];
	_ =	sdelay $0x1  }
0xa5: {  	v8 =	vld [tilespmem:s30+$0x3200];
	_ =	sdelay $0x1  }
0xa6: {  	v5 =	vadd.f32 v6, v62  }
0xa7: {  	p1 =	seq.s32 s17, $0x7;
	v3 =	vadd.f32 v7, v3  }
.Ltmp3:
0xa8: {  	s15 =	sshrl.u32 s15, $0x3;
	v4 =	vadd.f32 v63, v5;
	(pc) =	sbr.rel @p1 .LBB2_6-.Ltmp3, $4  }
0xa9: {  	s15 =	smul.u32 $0x300, s15;
	v3 =	vadd.f32 v8, v3  }
0xaa: {  	s31 =	rddreg [dreg:$0x1];
	[tilespmem:s26+$0x9200] =	vst v4  }
0xab: {  	s16 =	sadd.s32 s31, s15;
	[tilespmem:s30+$0x9200] =	vst v3  }
0xac: {  	[hbm4b:s16+s3] =	stream.linear.scatter [tilespmem:s11], [sflag:$0x3], $0x3000, $0x38;
	[tilespmem:$0x18200] =	vst v63  }
0xad: {  	s16 =	rddreg [dreg:$0x9]  }
0xae: {  	s16 =	sadd.s32 s14, s16  }
0xaf: {  	s16 =	sshrl.u32 s16, $0x3  }
0xb0: {  	s19 =	sadd.s32 s4, s16  }
0xb1: {  	[tilespmem:s3], [sflag:$0x5] =	stream.linear.gather [hbm4b:s19+s3], $0x10, $0x38;
	[tilespmem:$0x18200] =	vst v63  }
0xb2: {  	_ =	swait.ge [sflag:s21], $0x10  }
0xb3: {  	[sflag:s21] =	ssyncset.done $0x0  }
0xb4: {  	s22 =	simm.s32 $0x80;
	s26 =	sadd.s32 s5, s16;
	[sflag:s21] =	ssyncadd.s32 $0xFFFFFFF0  }
0xb5: {  	[tilespmem:s22], [sflag:$0x5] =	stream.linear.gather [hbm4b:s26+s3], $0x10, $0x38;
	[tilespmem:$0x18200] =	vst v63  }
0xb6: {  	_ =	swait.ge [sflag:s21], $0x10  }
0xb7: {  	[sflag:s21] =	ssyncset.done $0x0  }
0xb8: {  	[sflag:s21] =	ssyncadd.s32 $0xFFFFFFF0  }
0xb9: {  	v3 =	vld [tilespmem:$0x0];
	_ =	sdelay $0x4  }
0xba: {  	v4 =	vshrl.u32 v3, $0x3  }
0xbb: {  	v4 =	vmul.u32 $0x30, v4  }
0xbc: {  	v3 =	vand.u32 $0x7, v3  }
0xbd: {  	v3 =	vor.u32 v3, v4  }
0xbe: {  	v4 =	vperm.xlane v3, v0;
	_ =	sdelay $0x1  }
0xbf: {  	v4 =	vadd.s32 v1, v4;
	_ =	sdelay $0x3  }
0xc0: {  	s28 =	simm.s32 $0x200;
	v3 =	vperm.xlane v3, v2  }
0xc1: {  	[tilespmem:s28], [sflag:$0x1] =	stream.indirect_vreg.gather [hbm4b:s8+s3], $0x80, v4, vm0, $0xb8;
	[tilespmem:$0x18200] =	vst v63  }
0xc2: {  	s29 =	simm.s32 $0xA00;
	v3 =	vadd.s32 v1, v3  }
0xc3: {  	[tilespmem:s29], [sflag:$0x1] =	stream.indirect_vreg.gather [hbm4b:s10+s3], $0x80, v4, vm0, $0xb8;
	[tilespmem:$0x18200] =	vst v63  }
0xc4: {  	s30 =	simm.s32 $0x1200  }
0xc5: {  	[tilespmem:s30], [sflag:$0x1] =	stream.indirect_vreg.gather [hbm4b:s12+s3], $0x80, v4, vm0, $0xb8;
	[tilespmem:$0x18200] =	vst v63  }
0xc6: {  	s31 =	simm.s32 $0x1A00  }
0xc7: {  	[tilespmem:s31], [sflag:$0x1] =	stream.indirect_vreg.gather [hbm4b:s8+s3], $0x80, v3, vm0, $0xb8;
	[tilespmem:$0x18200] =	vst v63  }
0xc8: {  	s22 =	simm.s32 $0x2200  }
0xc9: {  	[tilespmem:s22], [sflag:$0x1] =	stream.indirect_vreg.gather [hbm4b:s10+s3], $0x80, v3, vm0, $0xb8;
	[tilespmem:$0x18200] =	vst v63  }
0xca: {  	s23 =	simm.s32 $0x2A00  }
0xcb: {  	[tilespmem:s23], [sflag:$0x1] =	stream.indirect_vreg.gather [hbm4b:s12+s3], $0x80, v3, vm0, $0xb8;
	[tilespmem:$0x18200] =	vst v63  }
0xcc: {  	v3 =	vld [tilespmem:$0x80];
	_ =	sdelay $0x4  }
0xcd: {  	v63 =	vshrl.u32 v3, $0x3  }
0xce: {  	v4 =	vmul.u32 $0x30, v63  }
0xcf: {  	v3 =	vand.u32 $0x7, v3  }
0xd0: {  	v3 =	vor.u32 v3, v4  }
0xd1: {  	v4 =	vperm.xlane v3, v0;
	_ =	sdelay $0x1  }
0xd2: {  	v4 =	vadd.s32 v1, v4;
	_ =	sdelay $0x3  }
0xd3: {  	s24 =	simm.s32 $0x3200;
	v3 =	vperm.xlane v3, v2  }
0xd4: {  	[tilespmem:s24], [sflag:$0x1] =	stream.indirect_vreg.gather [hbm4b:s8+s3], $0x80, v4, vm0, $0xb8;
	[tilespmem:$0x18200] =	vst v63  }
0xd5: {  	s25 =	simm.s32 $0x3A00;
	v3 =	vadd.s32 v1, v3  }
0xd6: {  	[tilespmem:s25], [sflag:$0x1] =	stream.indirect_vreg.gather [hbm4b:s10+s3], $0x80, v4, vm0, $0xb8;
	[tilespmem:$0x18200] =	vst v63  }
0xd7: {  	s26 =	simm.s32 $0x4200  }
0xd8: {  	[tilespmem:s26], [sflag:$0x1] =	stream.indirect_vreg.gather [hbm4b:s12+s3], $0x80, v4, vm0, $0xb8;
	[tilespmem:$0x18200] =	vst v63  }
0xd9: {  	s28 =	simm.s32 $0x4A00  }
0xda: {  	[tilespmem:s28], [sflag:$0x1] =	stream.indirect_vreg.gather [hbm4b:s8+s3], $0x80, v3, vm0, $0xb8;
	[tilespmem:$0x18200] =	vst v63  }
0xdb: {  	s29 =	simm.s32 $0x5200  }
0xdc: {  	[tilespmem:s29], [sflag:$0x1] =	stream.indirect_vreg.gather [hbm4b:s10+s3], $0x80, v3, vm0, $0xb8;
	[tilespmem:$0x18200] =	vst v63  }
0xdd: {  	s16 =	smul.u32 $0x300, s16;
	s30 =	simm.s32 $0x5A00  }
0xde: {  	[tilespmem:s30], [sflag:$0x1] =	stream.indirect_vreg.gather [hbm4b:s12+s3], $0x80, v3, vm0, $0xb8;
	[tilespmem:$0x18200] =	vst v63  }
0xdf: {  	s16 =	sadd.s32 s7, s16;
	s31 =	simm.s32 $0x6200  }
0xe0: {  	[tilespmem:s31], [sflag:$0x1] =	stream.linear.gather [hbm4b:s16+s3], $0x3000, $0x38;
	[tilespmem:$0x18200] =	vst v63  }
.LBB2_6:
0xe1: {  	_ =	swait.ge [sflag:s13], $0x3000;
	s16 =	simm.s32 $0x0  }
0xe2: {  	s23 =	simm.s32 $0x1;
	[sflag:s13] =	ssyncset.done $0x0;
	s16 =	smul.u32 $0xAAAB, s16  }
0xe3: {  	s23 =	smul.u32 $0xAAAB, s23;
	[sflag:s13] =	ssyncadd.s32 $0xFFFFD000  }
0xe4: {  	s19 =	simm.s32 @!p0 $0x4;
	_ =	swait.ge [sflag:s13], $0x3000;
	s22 =	sshrl.u32 s16, $0x15  }
0xe5: {  	s28 =	sshrl.u32 s16, $0x18;
	s16 =	sshrl.u32 s16, $0xE;
	s24 =	sshrl.u32 s23, $0x15  }
0xe6: {  	s30 =	sshrl.u32 s23, $0x18;
	[sflag:s13] =	ssyncset.done $0x0;
	s22 =	smul.u32 $0x30, s22  }
0xe7: {  	s31 =	sshrl.u32 s23, $0xE;
	s25 =	smul.u32 $0x1800, s28;
	[sflag:s13] =	ssyncadd.s32 $0xFFFFD000  }
0xe8: {  	s24 =	smul.u32 $0x30, s24;
	_ =	swait.ge [sflag:s13], $0x3000;
	s22 =	ssub.s32 $0x0, s22  }
0xe9: {  	s16 =	sand.u32 $0x380, s16;
	[sflag:s13] =	ssyncset.done $0x0;
	s26 =	sshll.u32 s22, $0x7  }
0xea: {  	s24 =	ssub.s32 $0x1, s24;
	[sflag:s13] =	ssyncadd.s32 $0xFFFFD000;
	s26 =	sand.u32 $0x1C00, s26  }
0xeb: {  	s22 =	sshll.u32 s22, $0x4;
	_ =	swait.ge @!p0 [sflag:s19], $0x3000;
	s25 =	sadd.s32 s26, s25  }
0xec: {  	s29 =	sand.u32 $0x70, s22;
	[sflag:s19] =	ssyncset.done @!p0 $0x0;
	s16 =	sor.u32 s16, s25  }
0xed: {  	s25 =	smul.u32 $0x1800, s30;
	[sflag:s19] =	ssyncadd.s32 @!p0 $0xFFFFD000;
	s19 =	simm.s32 $0x2  }
0xee: {  	s28 =	sshll.u32 s24, $0x7;
	s16 =	sor.u32 s29, s16;
	s22 =	smul.u32 $0xAAAB, s19  }
0xef: {  	s23 =	simm.s32 $0x3;
	s28 =	sand.u32 $0x1C00, s28;
	s26 =	sand.u32 $0x380, s31;
	v3 =	vld [tilespmem:s16+$0x12200]  }
0xf0: {  	s30 =	sshll.u32 s24, $0x4;
	v5 =	vld [tilespmem:s16+$0xC200];
	s28 =	sadd.s32 s28, s25;
	s29 =	sshrl.u32 s22, $0x15  }
0xf1: {  	v4 =	vld [tilespmem:s16+$0xF200];
	s25 =	sand.u32 $0x70, s30;
	s26 =	sor.u32 s26, s28;
	s24 =	smul.u32 $0x30, s29  }
.LBB2_7:
0xf2: {  	s28 =	smov.u32 s22;
	s22 =	smul.u32 $0xAAAB, s23  }
0xf3: {  	s29 =	smov.u32 s16;
	s16 =	sor.u32 s25, s26;
	s25 =	smov.u32 s19  }
0xf4: {  	s19 =	smov.u32 s23;
	p0 =	sne.s32 s23, $0x2FF;
	s24 =	ssub.s32 s25, s24  }
.Ltmp4:
0xf5: {  	s25 =	sshrl.u32 s28, $0x18;
	s26 =	sshrl.u32 s28, $0xE;
	v6 =	vadd.f32 v5, v3;
	v3 =	vld [tilespmem:s16+$0x12200];
	(pc) =	sbr.rel @p0 .LBB2_7-.Ltmp4, $4  }
0xf6: {  	s28 =	sshrl.u32 s22, $0x15;
	s25 =	smul.u32 $0x1800, s25;
	s30 =	sshll.u32 s24, $0x7;
	v5 =	vld [tilespmem:s16+$0xC200]  }
0xf7: {  	s23 =	sadd.s32 $0x1, s23;
	s30 =	sand.u32 $0x1C00, s30;
	v6 =	vadd.f32 v4, v6  }
0xf8: {  	s31 =	sshll.u32 s24, $0x4;
	s26 =	sand.u32 $0x380, s26;
	s30 =	sadd.s32 s30, s25;
	v4 =	vld [tilespmem:s16+$0xF200]  }
0xf9: {  	s24 =	smul.u32 $0x30, s28;
	s25 =	sand.u32 $0x70, s31;
	s26 =	sor.u32 s26, s30;
	[tilespmem:s29+$0x15200] =	vst v6  }
0xfa: {  	_ = 	snop  }
0xfb: {  	s23 =	sshrl.u32 s22, $0x18;
	s19 =	ssub.s32 s19, s24  }
0xfc: {  	v3 =	vadd.f32 v5, v3;
	s23 =	smul.u32 $0x1800, s23;
	s29 =	sshll.u32 s19, $0x7  }
0xfd: {  	s28 =	sor.u32 s25, s26;
	s30 =	sshrl.u32 s22, $0xE;
	s25 =	sand.u32 $0x1C00, s29  }
0xfe: {  	v62 =	vld [tilespmem:s28+$0x12200];
	s22 =	sand.u32 $0x380, s30;
	s19 =	sshll.u32 s19, $0x4;
	v3 =	vadd.f32 v4, v3;
	s23 =	sadd.s32 s25, s23  }
0xff: {  	v6 =	vld [tilespmem:s28+$0xC200];
	s19 =	sand.u32 $0x70, s19;
	s22 =	sor.u32 s22, s23  }
0x100: {  	v63 =	vld [tilespmem:s28+$0xF200];
	[tilespmem:s16+$0x15200] =	vst v3;
	s31 =	sor.u32 s19, s22  }
0x101: {  	v3 =	vld [tilespmem:s31+$0x12200]  }
0x102: {  	v7 =	vld [tilespmem:s31+$0xC200];
	_ =	sdelay $0x1  }
0x103: {  	v8 =	vld [tilespmem:s31+$0xF200];
	_ =	sdelay $0x1  }
0x104: {  	v5 =	vadd.f32 v6, v62  }
0x105: {  	v3 =	vadd.f32 v7, v3  }
.Ltmp5:
0x106: {  	v4 =	vadd.f32 v63, v5;
	(pc) =	sbr.rel @p1 .LBB2_10-.Ltmp5, $4  }
0x107: {  	v3 =	vadd.f32 v8, v3  }
0x108: {  	[tilespmem:s28+$0x15200] =	vst v4  }
0x109: {  	s15 =	sadd.s32 s20, s15;
	[tilespmem:s31+$0x15200] =	vst v3  }
0x10a: {  	[hbm4b:s15+s3] =	stream.linear.scatter [tilespmem:s1], [sflag:$0x4], $0x3000, $0x38;
	[tilespmem:$0x18200] =	vst v63  }
0x10b: {  	s14 =	sadd.s32 s14, s18  }
0x10c: {  	s14 =	sshrl.u32 s14, $0x3  }
0x10d: {  	s16 =	simm.s32 $0x100;
	s15 =	sadd.s32 s4, s14  }
0x10e: {  	[tilespmem:s16], [sflag:$0x5] =	stream.linear.gather [hbm4b:s15+s3], $0x10, $0x38;
	[tilespmem:$0x18200] =	vst v63  }
0x10f: {  	_ =	swait.ge [sflag:s21], $0x10  }
0x110: {  	[sflag:s21] =	ssyncset.done $0x0  }
0x111: {  	s31 =	simm.s32 $0x180;
	s30 =	sadd.s32 s5, s14;
	[sflag:s21] =	ssyncadd.s32 $0xFFFFFFF0  }
0x112: {  	[tilespmem:s31], [sflag:$0x5] =	stream.linear.gather [hbm4b:s30+s3], $0x10, $0x38;
	[tilespmem:$0x18200] =	vst v63  }
0x113: {  	_ =	swait.ge [sflag:s21], $0x10  }
0x114: {  	[sflag:s21] =	ssyncset.done $0x0  }
0x115: {  	[sflag:s21] =	ssyncadd.s32 $0xFFFFFFF0  }
0x116: {  	v3 =	vld [tilespmem:$0x100];
	_ =	sdelay $0x4  }
0x117: {  	v4 =	vshrl.u32 v3, $0x3  }
0x118: {  	v4 =	vmul.u32 $0x30, v4  }
0x119: {  	v3 =	vand.u32 $0x7, v3  }
0x11a: {  	v3 =	vor.u32 v3, v4  }
0x11b: {  	v4 =	vperm.xlane v3, v0;
	_ =	sdelay $0x1  }
0x11c: {  	v4 =	vadd.s32 v1, v4;
	_ =	sdelay $0x3  }
0x11d: {  	s16 =	simm.s32 $0xC200;
	v3 =	vperm.xlane v3, v2  }
0x11e: {  	[tilespmem:s16], [sflag:$0x2] =	stream.indirect_vreg.gather [hbm4b:s8+s3], $0x80, v4, vm0, $0xb8;
	[tilespmem:$0x18200] =	vst v63  }
0x11f: {  	s19 =	simm.s32 $0xCA00;
	v3 =	vadd.s32 v1, v3  }
0x120: {  	[tilespmem:s19], [sflag:$0x2] =	stream.indirect_vreg.gather [hbm4b:s10+s3], $0x80, v4, vm0, $0xb8;
	[tilespmem:$0x18200] =	vst v63  }
0x121: {  	s22 =	simm.s32 $0xD200  }
0x122: {  	[tilespmem:s22], [sflag:$0x2] =	stream.indirect_vreg.gather [hbm4b:s12+s3], $0x80, v4, vm0, $0xb8;
	[tilespmem:$0x18200] =	vst v63  }
0x123: {  	s23 =	simm.s32 $0xDA00  }
0x124: {  	[tilespmem:s23], [sflag:$0x2] =	stream.indirect_vreg.gather [hbm4b:s8+s3], $0x80, v3, vm0, $0xb8;
	[tilespmem:$0x18200] =	vst v63  }
0x125: {  	s24 =	simm.s32 $0xE200  }
0x126: {  	[tilespmem:s24], [sflag:$0x2] =	stream.indirect_vreg.gather [hbm4b:s10+s3], $0x80, v3, vm0, $0xb8;
	[tilespmem:$0x18200] =	vst v63  }
0x127: {  	s25 =	simm.s32 $0xEA00  }
0x128: {  	[tilespmem:s25], [sflag:$0x2] =	stream.indirect_vreg.gather [hbm4b:s12+s3], $0x80, v3, vm0, $0xb8;
	[tilespmem:$0x18200] =	vst v63  }
0x129: {  	v3 =	vld [tilespmem:$0x180];
	_ =	sdelay $0x4  }
0x12a: {  	v63 =	vshrl.u32 v3, $0x3  }
0x12b: {  	v4 =	vmul.u32 $0x30, v63  }
0x12c: {  	v3 =	vand.u32 $0x7, v3  }
0x12d: {  	v3 =	vor.u32 v3, v4  }
0x12e: {  	v4 =	vperm.xlane v3, v0;
	_ =	sdelay $0x1  }
0x12f: {  	v4 =	vadd.s32 v1, v4;
	_ =	sdelay $0x3  }
0x130: {  	s26 =	simm.s32 $0xF200;
	v3 =	vperm.xlane v3, v2  }
0x131: {  	[tilespmem:s26], [sflag:$0x2] =	stream.indirect_vreg.gather [hbm4b:s8+s3], $0x80, v4, vm0, $0xb8;
	[tilespmem:$0x18200] =	vst v63  }
0x132: {  	s28 =	simm.s32 $0xFA00;
	v3 =	vadd.s32 v1, v3  }
0x133: {  	[tilespmem:s28], [sflag:$0x2] =	stream.indirect_vreg.gather [hbm4b:s10+s3], $0x80, v4, vm0, $0xb8;
	[tilespmem:$0x18200] =	vst v63  }
0x134: {  	s29 =	simm.s32 $0x10200  }
0x135: {  	[tilespmem:s29], [sflag:$0x2] =	stream.indirect_vreg.gather [hbm4b:s12+s3], $0x80, v4, vm0, $0xb8;
	[tilespmem:$0x18200] =	vst v63  }
0x136: {  	s30 =	simm.s32 $0x10A00  }
0x137: {  	[tilespmem:s30], [sflag:$0x2] =	stream.indirect_vreg.gather [hbm4b:s8+s3], $0x80, v3, vm0, $0xb8;
	[tilespmem:$0x18200] =	vst v63  }
0x138: {  	s31 =	simm.s32 $0x11200  }
0x139: {  	[tilespmem:s31], [sflag:$0x2] =	stream.indirect_vreg.gather [hbm4b:s10+s3], $0x80, v3, vm0, $0xb8;
	[tilespmem:$0x18200] =	vst v63  }
.Ltmp6:
0x13a: {  	_ = 	snop;
	(pc) =	sbr.rel .LBB2_2-.Ltmp6, $4  }
0x13b: {  	s14 =	smul.u32 $0x300, s14  }
0x13c: {  	[tilespmem:s0], [sflag:$0x2] =	stream.indirect_vreg.gather [hbm4b:s12+s3], $0x80, v3, vm0, $0xb8;
	[tilespmem:$0x18200] =	vst v63  }
0x13d: {  	s17 =	sadd.s32 $0x1, s17;
	s14 =	sadd.s32 s7, s14  }
0x13e: {  	[tilespmem:s2], [sflag:$0x2] =	stream.linear.gather [hbm4b:s14+s3], $0x3000, $0x38;
	[tilespmem:$0x18200] =	vst v63  }
.LBB2_11:
0x13f: {  	_ =	sfence.sel $0x180000  }
0x140: {  	[bflag:$0x0] =	sbarrier.arrive $0xFFFF  }
0x141: {  	_ =	strace $0x9000004A  }
0x142: {  	s0 =	stileid.u32;
	[bflag:$0x2] =	sbarrier.arrive $0xFFFF  }
0x143: {  	p0 =	sne.s32 s0, $0x0;
	s0 =	rddreg [dreg:$0x2]  }
0x144: {  	s0 =	sadd.s32 @!p0 $0x100000, s0  }
0x145: {  	[sflag:s0] =	ssyncadd.tile.s32 @!p0 $0x1;
	_ =	shalt  }
.Lfunc_end2:
_tile_overlayer_lowered:
.L_overlay_start_2:
0x146: {  	(tag) =	ssettag $0x2  }
0x147: {  	s0 =	rddreg [dreg:$0x0];
	s2 =	stileid.u32  }
0x148: {  	s1 =	rddreg [dreg:$0x1];
	p0 =	sne.s32 s2, $0x0  }
0x149: {  	s3 =	rddreg [dreg:$0x2];
	[bflag:$0x3] =	sbarrier.arrive $0xFFFF;
	s2 =	simm.s32 @!p0 $0x1C05  }
0x14a: {  	[timem:s3], [sflag:s2] =	dma.local @!p0 [hbm:s0], s1  }
0x14b: {  	s0 =	simm.s32 @!p0 $0x5  }
0x14c: {  	_ =	swait.ge @!p0 [sflag:s0], s1  }
0x14d: {  	s1 =	ssub.s32 @!p0 $0x0, s1;
	[sflag:s0] =	ssyncset.done @!p0 $0x0  }
0x14e: {  	[sflag:s0] =	ssyncadd.s32 @!p0 s1  }
0x14f: {  	[bflag:$0x3] =	sbarrier.arrive $0xFFFF  }
0x150: {  	_ =	shalt  }

</sc_bundles>
